<compile_context>
chip_gen: v7x
topology: tpu7x:2x2x1
jax: 0.10.2.dev20260603
libtpu: 0.0.44.dev20260713+nightly
codegen_flags: <defaults>
</compile_context>

<pallas_src>
import functools

import jax
import jax.numpy as jnp
from jax import lax
from jax.experimental import pallas as pl
from jax.experimental.pallas import tpu as pltpu
from jax.experimental.pallas import tpu_sc as plsc

VOCAB = 100000
EMBED = 128
HID = 128
B = 4096
T = 32
NCLS = 10
NCLS_PAD = 128

BT = B * T
CH = 128

BB = 1024
NSB = 1
SBB = BB // NSB


def _make_sc_gather(n_rows):
    info = plsc.get_sparse_core_info()
    nw = info.num_cores * info.num_subcores
    per_w = n_rows // nw
    n_ch = per_w // CH

    mesh = plsc.VectorSubcoreMesh(core_axis_name="c", subcore_axis_name="s")

    @functools.partial(
        pl.kernel,
        mesh=mesh,
        out_type=jax.ShapeDtypeStruct((n_rows, EMBED), jnp.float32),
        scratch_types=[
            pltpu.VMEM((per_w,), jnp.int32),
            pltpu.VMEM((CH, EMBED), jnp.float32),
            pltpu.VMEM((CH, EMBED), jnp.float32),
            pltpu.SemaphoreType.DMA,
            pltpu.SemaphoreType.DMA,
        ],
    )
    def gather_k(idx_hbm, table_hbm, out_hbm, idx_v, rows0, rows1, sem0, sem1):
        wid = lax.axis_index("s") * info.num_cores + lax.axis_index("c")
        base = wid * per_w
        pltpu.sync_copy(idx_hbm.at[pl.ds(base, per_w)], idx_v)

        rows = (rows0, rows1)
        sems = (sem0, sem1)

        def issue(j, slot):
            off = pl.multiple_of(j * CH, CH)
            pltpu.async_copy(
                table_hbm.at[idx_v.at[pl.ds(off, CH)]], rows[slot], sems[slot]
            )

        def drain(j, slot):
            off = pl.multiple_of(j * CH, CH)
            pltpu.make_async_copy(
                table_hbm.at[idx_v.at[pl.ds(off, CH)]], rows[slot], sems[slot]
            ).wait()
            pltpu.sync_copy(rows[slot], out_hbm.at[pl.ds(base + off, CH)])

        issue(0, 0)

        def body(k, _):
            j0 = k * 2
            for slot in range(2):
                j = j0 + slot

                @pl.when(j + 1 < n_ch)
                def _():
                    issue(j + 1, (slot + 1) % 2)

                drain(j, slot)
            return 0

        lax.fori_loop(0, n_ch // 2, body, 0)

    return gather_k


_sc_gather_cache = {}


def _get_sc_gather(n_rows):
    if n_rows not in _sc_gather_cache:
        _sc_gather_cache[n_rows] = _make_sc_gather(n_rows)
    return _sc_gather_cache[n_rows]


def _lstm_body(emb_ref, w0_ref, b0_ref, w1_ref, b1_ref,
               fcw_ref, fcb_ref, out_ref, h2flat_ref):
    w0 = w0_ref[...]
    b0 = b0_ref[...]
    w1 = w1_ref[...]
    b1 = b1_ref[...]

    def act(g, c):
        ti = jnp.tanh(g[:, :HID])
        tf = jnp.tanh(g[:, HID:2 * HID])
        tg = jnp.tanh(g[:, 2 * HID:3 * HID])
        to = jnp.tanh(g[:, 3 * HID:])
        c_new = 0.5 * ((c + tf * c) + (tg + ti * tg))
        tc = jnp.tanh(c_new)
        h_new = 0.5 * (tc + to * tc)
        return h_new, c_new

    def step(t, carry):
        h1, c1, h2, c2 = carry
        x_t = jnp.squeeze(emb_ref[pl.ds(t, 1)], axis=0).astype(jnp.bfloat16)
        g1 = jnp.dot(jnp.concatenate([x_t, h1], axis=1), w0,
                     preferred_element_type=jnp.float32) + b0
        h1f, c1 = act(g1, c1)
        h1 = h1f.astype(jnp.bfloat16)
        g2 = jnp.dot(jnp.concatenate([h1, h2], axis=1), w1,
                     preferred_element_type=jnp.float32) + b1
        h2f, c2 = act(g2, c2)
        h2 = h2f.astype(jnp.bfloat16)
        h2flat_ref[:, pl.ds(t * HID, HID)] = h2
        return h1, c1, h2, c2

    zb = jnp.zeros((BB, HID), jnp.bfloat16)
    zf = jnp.zeros((BB, HID), jnp.float32)
    lax.fori_loop(0, T, step, (zb, zf, zb, zf), unroll=16)

    logits = jnp.dot(h2flat_ref[...], fcw_ref[...],
                     preferred_element_type=jnp.float32) + fcb_ref[...]
    m = jnp.max(logits, axis=1, keepdims=True)
    e = jnp.exp(logits - m)
    out_ref[...] = e / jnp.sum(e, axis=1, keepdims=True)


def _tc_lstm(emb3, w0, b0, w1, b1, fcw, fcb):
    n_b = emb3.shape[1]
    grid = (n_b // BB,)
    return pl.pallas_call(
        _lstm_body,
        grid=grid,
        in_specs=[
            pl.BlockSpec((T, BB, EMBED), lambda i: (0, i, 0)),
            pl.BlockSpec((2 * HID, 4 * HID), lambda i: (0, 0)),
            pl.BlockSpec((1, 4 * HID), lambda i: (0, 0)),
            pl.BlockSpec((2 * HID, 4 * HID), lambda i: (0, 0)),
            pl.BlockSpec((1, 4 * HID), lambda i: (0, 0)),
            pl.BlockSpec((T * HID, NCLS_PAD), lambda i: (0, 0)),
            pl.BlockSpec((1, NCLS_PAD), lambda i: (0, 0)),
        ],
        out_specs=pl.BlockSpec((BB, NCLS_PAD), lambda i: (i, 0)),
        out_shape=jax.ShapeDtypeStruct((n_b, NCLS_PAD), jnp.float32),
        scratch_shapes=[pltpu.VMEM((BB, T * HID), jnp.bfloat16)],
    )(emb3, w0, b0, w1, b1, fcw, fcb)


def kernel(x, emb_table, Wih0, Whh0, bih0, bhh0, Wih1, Whh1, bih1, bhh1,
           fcW, fcb):
    gate_scale = jnp.concatenate([
        jnp.full((2 * HID,), 0.5, jnp.float32),
        jnp.ones((HID,), jnp.float32),
        jnp.full((HID,), 0.5, jnp.float32),
    ]).reshape(1, 4 * HID)
    w0 = (jnp.concatenate([Wih0.T, Whh0.T], axis=0)
          * gate_scale).astype(jnp.bfloat16)
    b0 = ((bih0 + bhh0).reshape(1, 4 * HID)) * gate_scale
    w1 = (jnp.concatenate([Wih1.T, Whh1.T], axis=0)
          * gate_scale).astype(jnp.bfloat16)
    b1 = ((bih1 + bhh1).reshape(1, 4 * HID)) * gate_scale

    fcw = (jnp.zeros((T * HID, NCLS_PAD), jnp.float32)
           .at[:, :NCLS].set(fcW.T).astype(jnp.bfloat16))
    fcb_pad = jnp.full((1, NCLS_PAD), -1e30, jnp.float32).at[0, :NCLS].set(fcb)

    nsplit = 4
    bh = B // nsplit
    gath = _get_sc_gather(bh * T)
    halves = [gath(x[k * bh:(k + 1) * bh].astype(jnp.int32).T.reshape(-1),
                   emb_table) for k in range(nsplit)]
    probs = [_tc_lstm(g.reshape(T, bh, EMBED), w0, b0, w1, b1,
                      fcw, fcb_pad) for g in halves]
    return jnp.concatenate(probs, axis=0)[:, :NCLS]

# --- scband reference (transcript-rebuilt; emitter-appended) ---
"""Pipeline reference for scband-model-67104569033251 (READ-ONLY COPY).

The authoritative reference and input builder live on the scoring server;
editing this copy changes nothing except your own understanding.
"""

import jax, jax.numpy as jnp
import numpy as np

VOCAB = 100000
EMBED = 128
HID = 128
B = 4096
T = 32
NCLS = 10


def setup_inputs(seed: int = 0) -> dict:
    key = jax.random.key(seed)
    ks = jax.random.split(key, 13)
    inp = {}
    inp["x"] = jax.random.randint(ks[0], (B, T), 0, VOCAB, dtype=jnp.int64 if jax.config.jax_enable_x64 else jnp.int32)
    inp["emb_table"] = jax.random.normal(ks[1], (VOCAB, EMBED), jnp.float32) * 0.05
    inp["Wih0"] = jax.random.normal(ks[2], (4 * HID, EMBED), jnp.float32) * 0.05
    inp["Whh0"] = jax.random.normal(ks[3], (4 * HID, HID), jnp.float32) * 0.05
    inp["bih0"] = jax.random.normal(ks[4], (4 * HID,), jnp.float32) * 0.05
    inp["bhh0"] = jax.random.normal(ks[5], (4 * HID,), jnp.float32) * 0.05
    inp["Wih1"] = jax.random.normal(ks[6], (4 * HID, HID), jnp.float32) * 0.05
    inp["Whh1"] = jax.random.normal(ks[7], (4 * HID, HID), jnp.float32) * 0.05
    inp["bih1"] = jax.random.normal(ks[8], (4 * HID,), jnp.float32) * 0.05
    inp["bhh1"] = jax.random.normal(ks[9], (4 * HID,), jnp.float32) * 0.05
    inp["fcW"] = jax.random.normal(ks[10], (NCLS, T * HID), jnp.float32) * 0.05
    inp["fcb"] = jax.random.normal(ks[11], (NCLS,), jnp.float32) * 0.05
    return inp


def _lstm_layer(x, Wih, Whh, bih, bhh):
    # x: [B, T, D] batch_first; PyTorch gate order: i, f, g, o
    Bq, Tq, D = x.shape
    H = Whh.shape[1]
    xt = jnp.transpose(x, (1, 0, 2))  # [T, B, D]
    h0 = jnp.zeros((Bq, H), x.dtype)
    c0 = jnp.zeros((Bq, H), x.dtype)

    def step(carry, xt_):
        h, c = carry
        gates = xt_ @ Wih.T + h @ Whh.T + bih + bhh
        i, f, g, o = jnp.split(gates, 4, axis=-1)
        i = jax.nn.sigmoid(i)
        f = jax.nn.sigmoid(f)
        g = jnp.tanh(g)
        o = jax.nn.sigmoid(o)
        c_new = f * c + i * g
        h_new = o * jnp.tanh(c_new)
        return (h_new, c_new), h_new

    (hT, cT), hs = jax.lax.scan(step, (h0, c0), xt)
    return jnp.transpose(hs, (1, 0, 2))  # [B, T, H]


def reference(x, emb_table, Wih0, Whh0, bih0, bhh0, Wih1, Whh1, bih1, bhh1, fcW, fcb):
    # embedding lookup
    emb = jnp.take(emb_table, x, axis=0)  # [B, T, EMBED]
    # 2-layer LSTM (dropout inactive in eval)
    h1 = _lstm_layer(emb, Wih0, Whh0, bih0, bhh0)
    h2 = _lstm_layer(h1, Wih1, Whh1, bih1, bhh1)
    # flatten [B, T*H]
    flat = h2.reshape(-1, h2.shape[1] * h2.shape[2])
    logits = flat @ fcW.T + fcb
    return jax.nn.softmax(logits, axis=1)

if __name__ == "__main__":
    import jax
    _d = setup_inputs()
    print(jax.jit(kernel)(*tuple(_d.values())))

</pallas_src>

<mosaic_0001>
#map = affine_map<(d0, d1) -> (0)>
#map1 = affine_map<(d0, d1) -> (0, 0)>
module attributes {stable_mosaic.version = 14 : i64} {
  func.func @gather_k(%arg0: i32, %arg1: i32, %arg2: memref<32768xi32, #tpu.memory_space<hbm>>, %arg3: memref<100000x128xf32, #tpu.memory_space<hbm>>, %arg4: memref<32768x128xf32, #tpu.memory_space<hbm>>, %arg5: memref<1024xi32, #tpu.memory_space<vmem>>, %arg6: memref<128x128xf32, #tpu.memory_space<vmem>>, %arg7: memref<128x128xf32, #tpu.memory_space<vmem>>, %arg8: memref<!tpu.dma_semaphore, #tpu.memory_space<semaphore_mem>>, %arg9: memref<!tpu.dma_semaphore, #tpu.memory_space<semaphore_mem>>) attributes {dimension_semantics = [#tpu.dimension_semantics<core_parallel>, #tpu.dimension_semantics<subcore_parallel>], iteration_bounds = array<i64: 2, 16>, scalar_prefetch = 0 : i64, scratch_operands = 5 : i64, tpu.core_type = #tpu.core_type<sc_vector_subcore>, window_params = [{transform_indices = #map}, {transform_indices = #map1}, {transform_indices = #map1}]} {
    %mul3A = arith.constant 2 : i32
    %mul3A_0 = arith.muli %arg1, %mul3A : i32
    %add3A = arith.addi %mul3A_0, %arg0 : i32
    %mul3A_1 = arith.constant 1024 : i32
    %mul3A_2 = arith.muli %add3A, %mul3A_1 : i32
    "tpu.region"() ({
      %run_scoped3A = tpu.sem_alloc : memref<!tpu.dma_semaphore, #tpu.memory_space<semaphore_mem>>
      %dma_start3A_13 = tpu.memref_slice %arg2[%mul3A_2] : memref<32768xi32, #tpu.memory_space<hbm>> -> memref<1024xi32, #tpu.memory_space<hbm>>
      %dma_start3A_14 = tpu.memref_slice %arg2[%mul3A_2] : memref<32768xi32, #tpu.memory_space<hbm>> -> memref<1024xi32, #tpu.memory_space<hbm>>
      tpu.enqueue_dma source(%dma_start3A_14 : memref<1024xi32, #tpu.memory_space<hbm>>) target(%arg5 : memref<1024xi32, #tpu.memory_space<vmem>>) target_semaphore(%run_scoped3A : memref<!tpu.dma_semaphore, #tpu.memory_space<semaphore_mem>>)
      %dma_wait3A = tpu.memref_slice %arg2[%mul3A_2] : memref<32768xi32, #tpu.memory_space<hbm>> -> memref<1024xi32, #tpu.memory_space<hbm>>
      %dma_wait3A_15 = tpu.memref_slice %arg2[%mul3A_2] : memref<32768xi32, #tpu.memory_space<hbm>> -> memref<1024xi32, #tpu.memory_space<hbm>>
      tpu.wait_dma2 semaphore(%run_scoped3A : memref<!tpu.dma_semaphore, #tpu.memory_space<semaphore_mem>>) src(%dma_wait3A_15 : memref<1024xi32, #tpu.memory_space<hbm>>) dst(%arg5 : memref<1024xi32, #tpu.memory_space<vmem>>)
      tpu.yield
    }) : () -> ()
    %multiple_of3A = arith.constant 0 : i32
    %multiple_of3A_3 = tpu.assume_multiple %multiple_of3A, 128 : i32
    %dma_start3A = tpu.memref_slice %arg5[%multiple_of3A_3] : memref<1024xi32, #tpu.memory_space<vmem>> -> memref<128xi32, #tpu.memory_space<vmem>>
    %dma_start3A_4 = arith.constant 0 : i32
    %dma_start3A_5 = arith.constant 0 : i32
    %dma_start3A_6 = tpu.memref_slice %arg3[%dma_start3A_4, %dma_start3A_5] : memref<100000x128xf32, #tpu.memory_space<hbm>> -> memref<100000x128xf32, #tpu.memory_space<hbm>>
    tpu.enqueue_indirect_dma source(%dma_start3A_6 : memref<100000x128xf32, #tpu.memory_space<hbm>>) target(%arg6 : memref<128x128xf32, #tpu.memory_space<vmem>>) offsets(%dma_start3A : memref<128xi32, #tpu.memory_space<vmem>>) semaphore(%arg8 : memref<!tpu.dma_semaphore, #tpu.memory_space<semaphore_mem>>)
    %scan3A = arith.constant 0 : i32
    %scan3A_7 = arith.constant 0 : i32
    %scan3A_8 = arith.constant 4 : i32
    %scan3A_9 = arith.addi %scan3A_7, %scan3A_8 : i32
    %scan3A_10 = arith.constant 1 : i32
    %scan3A_11 = scf.for %scan3A_13 = %scan3A_7 to %scan3A_9 step %scan3A_10 iter_args(%scan3A_14 = %scan3A) -> (i32)  : i32 {
      %mul3A_15 = arith.constant 2 : i32
      %mul3A_16 = arith.muli %scan3A_13, %mul3A_15 : i32
      %add3A_17 = arith.constant 0 : i32
      %add3A_18 = arith.addi %mul3A_16, %add3A_17 : i32
      %add3A_19 = arith.constant 1 : i32
      %add3A_20 = arith.addi %add3A_18, %add3A_19 : i32
      %lt3A = arith.constant 8 : i32
      %lt3A_21 = arith.cmpi slt, %add3A_20, %lt3A : i32
      %convert_element_type3A = arith.extui %lt3A_21 : i1 to i32
      %cond3A = arith.constant 0 : i32
      %cond3A_22 = arith.cmpi ne, %convert_element_type3A, %cond3A : i32
      scf.if %cond3A_22 {
        %add3A_48 = arith.constant 1 : i32
        %add3A_49 = arith.addi %add3A_18, %add3A_48 : i32
        %mul3A_50 = arith.constant 128 : i32
        %mul3A_51 = arith.muli %add3A_49, %mul3A_50 : i32
        %multiple_of3A_52 = tpu.assume_multiple %mul3A_51, 128 : i32
        %dma_start3A_53 = tpu.memref_slice %arg5[%multiple_of3A_52] : memref<1024xi32, #tpu.memory_space<vmem>> -> memref<128xi32, #tpu.memory_space<vmem>>
        %dma_start3A_54 = arith.constant 0 : i32
        %dma_start3A_55 = arith.constant 0 : i32
        %dma_start3A_56 = tpu.memref_slice %arg3[%dma_start3A_54, %dma_start3A_55] : memref<100000x128xf32, #tpu.memory_space<hbm>> -> memref<100000x128xf32, #tpu.memory_space<hbm>>
        tpu.enqueue_indirect_dma source(%dma_start3A_56 : memref<100000x128xf32, #tpu.memory_space<hbm>>) target(%arg7 : memref<128x128xf32, #tpu.memory_space<vmem>>) offsets(%dma_start3A_53 : memref<128xi32, #tpu.memory_space<vmem>>) semaphore(%arg9 : memref<!tpu.dma_semaphore, #tpu.memory_space<semaphore_mem>>)
      } else {
      }
      %mul3A_23 = arith.constant 128 : i32
      %mul3A_24 = arith.muli %add3A_18, %mul3A_23 : i32
      %multiple_of3A_25 = tpu.assume_multiple %mul3A_24, 128 : i32
      %dma_wait3A = tpu.memref_slice %arg5[%multiple_of3A_25] : memref<1024xi32, #tpu.memory_space<vmem>> -> memref<128xi32, #tpu.memory_space<vmem>>
      %dma_wait3A_26 = arith.constant 0 : i32
      %dma_wait3A_27 = arith.constant 0 : i32
      %dma_wait3A_28 = tpu.memref_slice %arg3[%dma_wait3A_26, %dma_wait3A_27] : memref<100000x128xf32, #tpu.memory_space<hbm>> -> memref<100000x128xf32, #tpu.memory_space<hbm>>
      tpu.wait_indirect_dma semaphore(%arg8 : memref<!tpu.dma_semaphore, #tpu.memory_space<semaphore_mem>>) src(%dma_wait3A_28 : memref<100000x128xf32, #tpu.memory_space<hbm>>) dst(%arg6 : memref<128x128xf32, #tpu.memory_space<vmem>>)
      %add3A_29 = arith.addi %mul3A_2, %multiple_of3A_25 : i32
      "tpu.region"() ({
        %run_scoped3A = tpu.sem_alloc : memref<!tpu.dma_semaphore, #tpu.memory_space<semaphore_mem>>
        %dma_start3A_48 = arith.constant 0 : i32
        %dma_start3A_49 = tpu.memref_slice %arg4[%add3A_29, %dma_start3A_48] : memref<32768x128xf32, #tpu.memory_space<hbm>> -> memref<128x128xf32, #tpu.memory_space<hbm>>
        %dma_start3A_50 = arith.constant 0 : i32
        %dma_start3A_51 = tpu.memref_slice %arg4[%add3A_29, %dma_start3A_50] : memref<32768x128xf32, #tpu.memory_space<hbm>> -> memref<128x128xf32, #tpu.memory_space<hbm>>
        tpu.enqueue_dma source(%arg6 : memref<128x128xf32, #tpu.memory_space<vmem>>) target(%dma_start3A_51 : memref<128x128xf32, #tpu.memory_space<hbm>>) target_semaphore(%run_scoped3A : memref<!tpu.dma_semaphore, #tpu.memory_space<semaphore_mem>>)
        %dma_wait3A_52 = arith.constant 0 : i32
        %dma_wait3A_53 = tpu.memref_slice %arg4[%add3A_29, %dma_wait3A_52] : memref<32768x128xf32, #tpu.memory_space<hbm>> -> memref<128x128xf32, #tpu.memory_space<hbm>>
        %dma_wait3A_54 = arith.constant 0 : i32
        %dma_wait3A_55 = tpu.memref_slice %arg4[%add3A_29, %dma_wait3A_54] : memref<32768x128xf32, #tpu.memory_space<hbm>> -> memref<128x128xf32, #tpu.memory_space<hbm>>
        tpu.wait_dma2 semaphore(%run_scoped3A : memref<!tpu.dma_semaphore, #tpu.memory_space<semaphore_mem>>) src(%arg6 : memref<128x128xf32, #tpu.memory_space<vmem>>) dst(%dma_wait3A_55 : memref<128x128xf32, #tpu.memory_space<hbm>>)
        tpu.yield
      }) : () -> ()
      %add3A_30 = arith.constant 1 : i32
      %add3A_31 = arith.addi %mul3A_16, %add3A_30 : i32
      %add3A_32 = arith.constant 1 : i32
      %add3A_33 = arith.addi %add3A_31, %add3A_32 : i32
      %lt3A_34 = arith.constant 8 : i32
      %lt3A_35 = arith.cmpi slt, %add3A_33, %lt3A_34 : i32
      %convert_element_type3A_36 = arith.extui %lt3A_35 : i1 to i32
      %cond3A_37 = arith.constant 0 : i32
      %cond3A_38 = arith.cmpi ne, %convert_element_type3A_36, %cond3A_37 : i32
      scf.if %cond3A_38 {
        %add3A_48 = arith.constant 1 : i32
        %add3A_49 = arith.addi %add3A_31, %add3A_48 : i32
        %mul3A_50 = arith.constant 128 : i32
        %mul3A_51 = arith.muli %add3A_49, %mul3A_50 : i32
        %multiple_of3A_52 = tpu.assume_multiple %mul3A_51, 128 : i32
        %dma_start3A_53 = tpu.memref_slice %arg5[%multiple_of3A_52] : memref<1024xi32, #tpu.memory_space<vmem>> -> memref<128xi32, #tpu.memory_space<vmem>>
        %dma_start3A_54 = arith.constant 0 : i32
        %dma_start3A_55 = arith.constant 0 : i32
        %dma_start3A_56 = tpu.memref_slice %arg3[%dma_start3A_54, %dma_start3A_55] : memref<100000x128xf32, #tpu.memory_space<hbm>> -> memref<100000x128xf32, #tpu.memory_space<hbm>>
        tpu.enqueue_indirect_dma source(%dma_start3A_56 : memref<100000x128xf32, #tpu.memory_space<hbm>>) target(%arg6 : memref<128x128xf32, #tpu.memory_space<vmem>>) offsets(%dma_start3A_53 : memref<128xi32, #tpu.memory_space<vmem>>) semaphore(%arg8 : memref<!tpu.dma_semaphore, #tpu.memory_space<semaphore_mem>>)
      } else {
      }
      %mul3A_39 = arith.constant 128 : i32
      %mul3A_40 = arith.muli %add3A_31, %mul3A_39 : i32
      %multiple_of3A_41 = tpu.assume_multiple %mul3A_40, 128 : i32
      %dma_wait3A_42 = tpu.memref_slice %arg5[%multiple_of3A_41] : memref<1024xi32, #tpu.memory_space<vmem>> -> memref<128xi32, #tpu.memory_space<vmem>>
      %dma_wait3A_43 = arith.constant 0 : i32
      %dma_wait3A_44 = arith.constant 0 : i32
      %dma_wait3A_45 = tpu.memref_slice %arg3[%dma_wait3A_43, %dma_wait3A_44] : memref<100000x128xf32, #tpu.memory_space<hbm>> -> memref<100000x128xf32, #tpu.memory_space<hbm>>
      tpu.wait_indirect_dma semaphore(%arg9 : memref<!tpu.dma_semaphore, #tpu.memory_space<semaphore_mem>>) src(%dma_wait3A_45 : memref<100000x128xf32, #tpu.memory_space<hbm>>) dst(%arg7 : memref<128x128xf32, #tpu.memory_space<vmem>>)
      %add3A_46 = arith.addi %mul3A_2, %multiple_of3A_41 : i32
      "tpu.region"() ({
        %run_scoped3A = tpu.sem_alloc : memref<!tpu.dma_semaphore, #tpu.memory_space<semaphore_mem>>
        %dma_start3A_48 = arith.constant 0 : i32
        %dma_start3A_49 = tpu.memref_slice %arg4[%add3A_46, %dma_start3A_48] : memref<32768x128xf32, #tpu.memory_space<hbm>> -> memref<128x128xf32, #tpu.memory_space<hbm>>
        %dma_start3A_50 = arith.constant 0 : i32
        %dma_start3A_51 = tpu.memref_slice %arg4[%add3A_46, %dma_start3A_50] : memref<32768x128xf32, #tpu.memory_space<hbm>> -> memref<128x128xf32, #tpu.memory_space<hbm>>
        tpu.enqueue_dma source(%arg7 : memref<128x128xf32, #tpu.memory_space<vmem>>) target(%dma_start3A_51 : memref<128x128xf32, #tpu.memory_space<hbm>>) target_semaphore(%run_scoped3A : memref<!tpu.dma_semaphore, #tpu.memory_space<semaphore_mem>>)
        %dma_wait3A_52 = arith.constant 0 : i32
        %dma_wait3A_53 = tpu.memref_slice %arg4[%add3A_46, %dma_wait3A_52] : memref<32768x128xf32, #tpu.memory_space<hbm>> -> memref<128x128xf32, #tpu.memory_space<hbm>>
        %dma_wait3A_54 = arith.constant 0 : i32
        %dma_wait3A_55 = tpu.memref_slice %arg4[%add3A_46, %dma_wait3A_54] : memref<32768x128xf32, #tpu.memory_space<hbm>> -> memref<128x128xf32, #tpu.memory_space<hbm>>
        tpu.wait_dma2 semaphore(%run_scoped3A : memref<!tpu.dma_semaphore, #tpu.memory_space<semaphore_mem>>) src(%arg7 : memref<128x128xf32, #tpu.memory_space<vmem>>) dst(%dma_wait3A_55 : memref<128x128xf32, #tpu.memory_space<hbm>>)
        tpu.yield
      }) : () -> ()
      %scan3A_47 = arith.constant 0 : i32
      scf.yield %scan3A_47 : i32
    }
    %scan3A_12 = arith.constant 4 : i32
    return
  }
}

#map = affine_map<(d0, d1) -> (0)>
#map1 = affine_map<(d0, d1) -> (0, 0)>
module attributes {stable_mosaic.version = 14 : i64} {
  func.func @gather_k(%arg0: i32, %arg1: i32, %arg2: memref<32768xi32, #tpu.memory_space<hbm>>, %arg3: memref<100000x128xf32, #tpu.memory_space<hbm>>, %arg4: memref<32768x128xf32, #tpu.memory_space<hbm>>, %arg5: memref<1024xi32, #tpu.memory_space<vmem>>, %arg6: memref<128x128xf32, #tpu.memory_space<vmem>>, %arg7: memref<128x128xf32, #tpu.memory_space<vmem>>, %arg8: memref<!tpu.dma_semaphore, #tpu.memory_space<semaphore_mem>>, %arg9: memref<!tpu.dma_semaphore, #tpu.memory_space<semaphore_mem>>) attributes {dimension_semantics = [#tpu.dimension_semantics<core_parallel>, #tpu.dimension_semantics<subcore_parallel>], iteration_bounds = array<i64: 2, 16>, scalar_prefetch = 0 : i64, scratch_operands = 5 : i64, tpu.core_type = #tpu.core_type<sc_vector_subcore>, window_params = [{transform_indices = #map}, {transform_indices = #map1}, {transform_indices = #map1}]} {
    %mul3A = arith.constant 2 : i32
    %mul3A_0 = arith.muli %arg1, %mul3A : i32
    %add3A = arith.addi %mul3A_0, %arg0 : i32
    %mul3A_1 = arith.constant 1024 : i32
    %mul3A_2 = arith.muli %add3A, %mul3A_1 : i32
    "tpu.region"() ({
      %run_scoped3A = tpu.sem_alloc : memref<!tpu.dma_semaphore, #tpu.memory_space<semaphore_mem>>
      %dma_start3A_13 = tpu.memref_slice %arg2[%mul3A_2] : memref<32768xi32, #tpu.memory_space<hbm>> -> memref<1024xi32, #tpu.memory_space<hbm>>
      %dma_start3A_14 = tpu.memref_slice %arg2[%mul3A_2] : memref<32768xi32, #tpu.memory_space<hbm>> -> memref<1024xi32, #tpu.memory_space<hbm>>
      tpu.enqueue_dma source(%dma_start3A_14 : memref<1024xi32, #tpu.memory_space<hbm>>) target(%arg5 : memref<1024xi32, #tpu.memory_space<vmem>>) target_semaphore(%run_scoped3A : memref<!tpu.dma_semaphore, #tpu.memory_space<semaphore_mem>>)
      %dma_wait3A = tpu.memref_slice %arg2[%mul3A_2] : memref<32768xi32, #tpu.memory_space<hbm>> -> memref<1024xi32, #tpu.memory_space<hbm>>
      %dma_wait3A_15 = tpu.memref_slice %arg2[%mul3A_2] : memref<32768xi32, #tpu.memory_space<hbm>> -> memref<1024xi32, #tpu.memory_space<hbm>>
      tpu.wait_dma2 semaphore(%run_scoped3A : memref<!tpu.dma_semaphore, #tpu.memory_space<semaphore_mem>>) src(%dma_wait3A_15 : memref<1024xi32, #tpu.memory_space<hbm>>) dst(%arg5 : memref<1024xi32, #tpu.memory_space<vmem>>)
      tpu.yield
    }) : () -> ()
    %multiple_of3A = arith.constant 0 : i32
    %multiple_of3A_3 = tpu.assume_multiple %multiple_of3A, 128 : i32
    %dma_start3A = tpu.memref_slice %arg5[%multiple_of3A_3] : memref<1024xi32, #tpu.memory_space<vmem>> -> memref<128xi32, #tpu.memory_space<vmem>>
    %dma_start3A_4 = arith.constant 0 : i32
    %dma_start3A_5 = arith.constant 0 : i32
    %dma_start3A_6 = tpu.memref_slice %arg3[%dma_start3A_4, %dma_start3A_5] : memref<100000x128xf32, #tpu.memory_space<hbm>> -> memref<100000x128xf32, #tpu.memory_space<hbm>>
    tpu.enqueue_indirect_dma source(%dma_start3A_6 : memref<100000x128xf32, #tpu.memory_space<hbm>>) target(%arg6 : memref<128x128xf32, #tpu.memory_space<vmem>>) offsets(%dma_start3A : memref<128xi32, #tpu.memory_space<vmem>>) semaphore(%arg8 : memref<!tpu.dma_semaphore, #tpu.memory_space<semaphore_mem>>)
    %scan3A = arith.constant 0 : i32
    %scan3A_7 = arith.constant 0 : i32
    %scan3A_8 = arith.constant 4 : i32
    %scan3A_9 = arith.addi %scan3A_7, %scan3A_8 : i32
    %scan3A_10 = arith.constant 1 : i32
    %scan3A_11 = scf.for %scan3A_13 = %scan3A_7 to %scan3A_9 step %scan3A_10 iter_args(%scan3A_14 = %scan3A) -> (i32)  : i32 {
      %mul3A_15 = arith.constant 2 : i32
      %mul3A_16 = arith.muli %scan3A_13, %mul3A_15 : i32
      %add3A_17 = arith.constant 0 : i32
      %add3A_18 = arith.addi %mul3A_16, %add3A_17 : i32
      %add3A_19 = arith.constant 1 : i32
      %add3A_20 = arith.addi %add3A_18, %add3A_19 : i32
      %lt3A = arith.constant 8 : i32
      %lt3A_21 = arith.cmpi slt, %add3A_20, %lt3A : i32
      %convert_element_type3A = arith.extui %lt3A_21 : i1 to i32
      %cond3A = arith.constant 0 : i32
      %cond3A_22 = arith.cmpi ne, %convert_element_type3A, %cond3A : i32
      scf.if %cond3A_22 {
        %add3A_48 = arith.constant 1 : i32
        %add3A_49 = arith.addi %add3A_18, %add3A_48 : i32
        %mul3A_50 = arith.constant 128 : i32
        %mul3A_51 = arith.muli %add3A_49, %mul3A_50 : i32
        %multiple_of3A_52 = tpu.assume_multiple %mul3A_51, 128 : i32
        %dma_start3A_53 = tpu.memref_slice %arg5[%multiple_of3A_52] : memref<1024xi32, #tpu.memory_space<vmem>> -> memref<128xi32, #tpu.memory_space<vmem>>
        %dma_start3A_54 = arith.constant 0 : i32
        %dma_start3A_55 = arith.constant 0 : i32
        %dma_start3A_56 = tpu.memref_slice %arg3[%dma_start3A_54, %dma_start3A_55] : memref<100000x128xf32, #tpu.memory_space<hbm>> -> memref<100000x128xf32, #tpu.memory_space<hbm>>
        tpu.enqueue_indirect_dma source(%dma_start3A_56 : memref<100000x128xf32, #tpu.memory_space<hbm>>) target(%arg7 : memref<128x128xf32, #tpu.memory_space<vmem>>) offsets(%dma_start3A_53 : memref<128xi32, #tpu.memory_space<vmem>>) semaphore(%arg9 : memref<!tpu.dma_semaphore, #tpu.memory_space<semaphore_mem>>)
      } else {
      }
      %mul3A_23 = arith.constant 128 : i32
      %mul3A_24 = arith.muli %add3A_18, %mul3A_23 : i32
      %multiple_of3A_25 = tpu.assume_multiple %mul3A_24, 128 : i32
      %dma_wait3A = tpu.memref_slice %arg5[%multiple_of3A_25] : memref<1024xi32, #tpu.memory_space<vmem>> -> memref<128xi32, #tpu.memory_space<vmem>>
      %dma_wait3A_26 = arith.constant 0 : i32
      %dma_wait3A_27 = arith.constant 0 : i32
      %dma_wait3A_28 = tpu.memref_slice %arg3[%dma_wait3A_26, %dma_wait3A_27] : memref<100000x128xf32, #tpu.memory_space<hbm>> -> memref<100000x128xf32, #tpu.memory_space<hbm>>
      tpu.wait_indirect_dma semaphore(%arg8 : memref<!tpu.dma_semaphore, #tpu.memory_space<semaphore_mem>>) src(%dma_wait3A_28 : memref<100000x128xf32, #tpu.memory_space<hbm>>) dst(%arg6 : memref<128x128xf32, #tpu.memory_space<vmem>>)
      %add3A_29 = arith.addi %mul3A_2, %multiple_of3A_25 : i32
      "tpu.region"() ({
        %run_scoped3A = tpu.sem_alloc : memref<!tpu.dma_semaphore, #tpu.memory_space<semaphore_mem>>
        %dma_start3A_48 = arith.constant 0 : i32
        %dma_start3A_49 = tpu.memref_slice %arg4[%add3A_29, %dma_start3A_48] : memref<32768x128xf32, #tpu.memory_space<hbm>> -> memref<128x128xf32, #tpu.memory_space<hbm>>
        %dma_start3A_50 = arith.constant 0 : i32
        %dma_start3A_51 = tpu.memref_slice %arg4[%add3A_29, %dma_start3A_50] : memref<32768x128xf32, #tpu.memory_space<hbm>> -> memref<128x128xf32, #tpu.memory_space<hbm>>
        tpu.enqueue_dma source(%arg6 : memref<128x128xf32, #tpu.memory_space<vmem>>) target(%dma_start3A_51 : memref<128x128xf32, #tpu.memory_space<hbm>>) target_semaphore(%run_scoped3A : memref<!tpu.dma_semaphore, #tpu.memory_space<semaphore_mem>>)
        %dma_wait3A_52 = arith.constant 0 : i32
        %dma_wait3A_53 = tpu.memref_slice %arg4[%add3A_29, %dma_wait3A_52] : memref<32768x128xf32, #tpu.memory_space<hbm>> -> memref<128x128xf32, #tpu.memory_space<hbm>>
        %dma_wait3A_54 = arith.constant 0 : i32
        %dma_wait3A_55 = tpu.memref_slice %arg4[%add3A_29, %dma_wait3A_54] : memref<32768x128xf32, #tpu.memory_space<hbm>> -> memref<128x128xf32, #tpu.memory_space<hbm>>
        tpu.wait_dma2 semaphore(%run_scoped3A : memref<!tpu.dma_semaphore, #tpu.memory_space<semaphore_mem>>) src(%arg6 : memref<128x128xf32, #tpu.memory_space<vmem>>) dst(%dma_wait3A_55 : memref<128x128xf32, #tpu.memory_space<hbm>>)
        tpu.yield
      }) : () -> ()
      %add3A_30 = arith.constant 1 : i32
      %add3A_31 = arith.addi %mul3A_16, %add3A_30 : i32
      %add3A_32 = arith.constant 1 : i32
      %add3A_33 = arith.addi %add3A_31, %add3A_32 : i32
      %lt3A_34 = arith.constant 8 : i32
      %lt3A_35 = arith.cmpi slt, %add3A_33, %lt3A_34 : i32
      %convert_element_type3A_36 = arith.extui %lt3A_35 : i1 to i32
      %cond3A_37 = arith.constant 0 : i32
      %cond3A_38 = arith.cmpi ne, %convert_element_type3A_36, %cond3A_37 : i32
      scf.if %cond3A_38 {
        %add3A_48 = arith.constant 1 : i32
        %add3A_49 = arith.addi %add3A_31, %add3A_48 : i32
        %mul3A_50 = arith.constant 128 : i32
        %mul3A_51 = arith.muli %add3A_49, %mul3A_50 : i32
        %multiple_of3A_52 = tpu.assume_multiple %mul3A_51, 128 : i32
        %dma_start3A_53 = tpu.memref_slice %arg5[%multiple_of3A_52] : memref<1024xi32, #tpu.memory_space<vmem>> -> memref<128xi32, #tpu.memory_space<vmem>>
        %dma_start3A_54 = arith.constant 0 : i32
        %dma_start3A_55 = arith.constant 0 : i32
        %dma_start3A_56 = tpu.memref_slice %arg3[%dma_start3A_54, %dma_start3A_55] : memref<100000x128xf32, #tpu.memory_space<hbm>> -> memref<100000x128xf32, #tpu.memory_space<hbm>>
        tpu.enqueue_indirect_dma source(%dma_start3A_56 : memref<100000x128xf32, #tpu.memory_space<hbm>>) target(%arg6 : memref<128x128xf32, #tpu.memory_space<vmem>>) offsets(%dma_start3A_53 : memref<128xi32, #tpu.memory_space<vmem>>) semaphore(%arg8 : memref<!tpu.dma_semaphore, #tpu.memory_space<semaphore_mem>>)
      } else {
      }
      %mul3A_39 = arith.constant 128 : i32
      %mul3A_40 = arith.muli %add3A_31, %mul3A_39 : i32
      %multiple_of3A_41 = tpu.assume_multiple %mul3A_40, 128 : i32
      %dma_wait3A_42 = tpu.memref_slice %arg5[%multiple_of3A_41] : memref<1024xi32, #tpu.memory_space<vmem>> -> memref<128xi32, #tpu.memory_space<vmem>>
      %dma_wait3A_43 = arith.constant 0 : i32
      %dma_wait3A_44 = arith.constant 0 : i32
      %dma_wait3A_45 = tpu.memref_slice %arg3[%dma_wait3A_43, %dma_wait3A_44] : memref<100000x128xf32, #tpu.memory_space<hbm>> -> memref<100000x128xf32, #tpu.memory_space<hbm>>
      tpu.wait_indirect_dma semaphore(%arg9 : memref<!tpu.dma_semaphore, #tpu.memory_space<semaphore_mem>>) src(%dma_wait3A_45 : memref<100000x128xf32, #tpu.memory_space<hbm>>) dst(%arg7 : memref<128x128xf32, #tpu.memory_space<vmem>>)
      %add3A_46 = arith.addi %mul3A_2, %multiple_of3A_41 : i32
      "tpu.region"() ({
        %run_scoped3A = tpu.sem_alloc : memref<!tpu.dma_semaphore, #tpu.memory_space<semaphore_mem>>
        %dma_start3A_48 = arith.constant 0 : i32
        %dma_start3A_49 = tpu.memref_slice %arg4[%add3A_46, %dma_start3A_48] : memref<32768x128xf32, #tpu.memory_space<hbm>> -> memref<128x128xf32, #tpu.memory_space<hbm>>
        %dma_start3A_50 = arith.constant 0 : i32
        %dma_start3A_51 = tpu.memref_slice %arg4[%add3A_46, %dma_start3A_50] : memref<32768x128xf32, #tpu.memory_space<hbm>> -> memref<128x128xf32, #tpu.memory_space<hbm>>
        tpu.enqueue_dma source(%arg7 : memref<128x128xf32, #tpu.memory_space<vmem>>) target(%dma_start3A_51 : memref<128x128xf32, #tpu.memory_space<hbm>>) target_semaphore(%run_scoped3A : memref<!tpu.dma_semaphore, #tpu.memory_space<semaphore_mem>>)
        %dma_wait3A_52 = arith.constant 0 : i32
        %dma_wait3A_53 = tpu.memref_slice %arg4[%add3A_46, %dma_wait3A_52] : memref<32768x128xf32, #tpu.memory_space<hbm>> -> memref<128x128xf32, #tpu.memory_space<hbm>>
        %dma_wait3A_54 = arith.constant 0 : i32
        %dma_wait3A_55 = tpu.memref_slice %arg4[%add3A_46, %dma_wait3A_54] : memref<32768x128xf32, #tpu.memory_space<hbm>> -> memref<128x128xf32, #tpu.memory_space<hbm>>
        tpu.wait_dma2 semaphore(%run_scoped3A : memref<!tpu.dma_semaphore, #tpu.memory_space<semaphore_mem>>) src(%arg7 : memref<128x128xf32, #tpu.memory_space<vmem>>) dst(%dma_wait3A_55 : memref<128x128xf32, #tpu.memory_space<hbm>>)
        tpu.yield
      }) : () -> ()
      %scan3A_47 = arith.constant 0 : i32
      scf.yield %scan3A_47 : i32
    }
    %scan3A_12 = arith.constant 4 : i32
    return
  }
}

#map = affine_map<(d0, d1) -> (0)>
#map1 = affine_map<(d0, d1) -> (0, 0)>
module attributes {stable_mosaic.version = 14 : i64} {
  func.func @gather_k(%arg0: i32, %arg1: i32, %arg2: memref<32768xi32, #tpu.memory_space<hbm>>, %arg3: memref<100000x128xf32, #tpu.memory_space<hbm>>, %arg4: memref<32768x128xf32, #tpu.memory_space<hbm>>, %arg5: memref<1024xi32, #tpu.memory_space<vmem>>, %arg6: memref<128x128xf32, #tpu.memory_space<vmem>>, %arg7: memref<128x128xf32, #tpu.memory_space<vmem>>, %arg8: memref<!tpu.dma_semaphore, #tpu.memory_space<semaphore_mem>>, %arg9: memref<!tpu.dma_semaphore, #tpu.memory_space<semaphore_mem>>) attributes {dimension_semantics = [#tpu.dimension_semantics<core_parallel>, #tpu.dimension_semantics<subcore_parallel>], iteration_bounds = array<i64: 2, 16>, scalar_prefetch = 0 : i64, scratch_operands = 5 : i64, tpu.core_type = #tpu.core_type<sc_vector_subcore>, window_params = [{transform_indices = #map}, {transform_indices = #map1}, {transform_indices = #map1}]} {
    %mul3A = arith.constant 2 : i32
    %mul3A_0 = arith.muli %arg1, %mul3A : i32
    %add3A = arith.addi %mul3A_0, %arg0 : i32
    %mul3A_1 = arith.constant 1024 : i32
    %mul3A_2 = arith.muli %add3A, %mul3A_1 : i32
    "tpu.region"() ({
      %run_scoped3A = tpu.sem_alloc : memref<!tpu.dma_semaphore, #tpu.memory_space<semaphore_mem>>
      %dma_start3A_13 = tpu.memref_slice %arg2[%mul3A_2] : memref<32768xi32, #tpu.memory_space<hbm>> -> memref<1024xi32, #tpu.memory_space<hbm>>
      %dma_start3A_14 = tpu.memref_slice %arg2[%mul3A_2] : memref<32768xi32, #tpu.memory_space<hbm>> -> memref<1024xi32, #tpu.memory_space<hbm>>
      tpu.enqueue_dma source(%dma_start3A_14 : memref<1024xi32, #tpu.memory_space<hbm>>) target(%arg5 : memref<1024xi32, #tpu.memory_space<vmem>>) target_semaphore(%run_scoped3A : memref<!tpu.dma_semaphore, #tpu.memory_space<semaphore_mem>>)
      %dma_wait3A = tpu.memref_slice %arg2[%mul3A_2] : memref<32768xi32, #tpu.memory_space<hbm>> -> memref<1024xi32, #tpu.memory_space<hbm>>
      %dma_wait3A_15 = tpu.memref_slice %arg2[%mul3A_2] : memref<32768xi32, #tpu.memory_space<hbm>> -> memref<1024xi32, #tpu.memory_space<hbm>>
      tpu.wait_dma2 semaphore(%run_scoped3A : memref<!tpu.dma_semaphore, #tpu.memory_space<semaphore_mem>>) src(%dma_wait3A_15 : memref<1024xi32, #tpu.memory_space<hbm>>) dst(%arg5 : memref<1024xi32, #tpu.memory_space<vmem>>)
      tpu.yield
    }) : () -> ()
    %multiple_of3A = arith.constant 0 : i32
    %multiple_of3A_3 = tpu.assume_multiple %multiple_of3A, 128 : i32
    %dma_start3A = tpu.memref_slice %arg5[%multiple_of3A_3] : memref<1024xi32, #tpu.memory_space<vmem>> -> memref<128xi32, #tpu.memory_space<vmem>>
    %dma_start3A_4 = arith.constant 0 : i32
    %dma_start3A_5 = arith.constant 0 : i32
    %dma_start3A_6 = tpu.memref_slice %arg3[%dma_start3A_4, %dma_start3A_5] : memref<100000x128xf32, #tpu.memory_space<hbm>> -> memref<100000x128xf32, #tpu.memory_space<hbm>>
    tpu.enqueue_indirect_dma source(%dma_start3A_6 : memref<100000x128xf32, #tpu.memory_space<hbm>>) target(%arg6 : memref<128x128xf32, #tpu.memory_space<vmem>>) offsets(%dma_start3A : memref<128xi32, #tpu.memory_space<vmem>>) semaphore(%arg8 : memref<!tpu.dma_semaphore, #tpu.memory_space<semaphore_mem>>)
    %scan3A = arith.constant 0 : i32
    %scan3A_7 = arith.constant 0 : i32
    %scan3A_8 = arith.constant 4 : i32
    %scan3A_9 = arith.addi %scan3A_7, %scan3A_8 : i32
    %scan3A_10 = arith.constant 1 : i32
    %scan3A_11 = scf.for %scan3A_13 = %scan3A_7 to %scan3A_9 step %scan3A_10 iter_args(%scan3A_14 = %scan3A) -> (i32)  : i32 {
      %mul3A_15 = arith.constant 2 : i32
      %mul3A_16 = arith.muli %scan3A_13, %mul3A_15 : i32
      %add3A_17 = arith.constant 0 : i32
      %add3A_18 = arith.addi %mul3A_16, %add3A_17 : i32
      %add3A_19 = arith.constant 1 : i32
      %add3A_20 = arith.addi %add3A_18, %add3A_19 : i32
      %lt3A = arith.constant 8 : i32
      %lt3A_21 = arith.cmpi slt, %add3A_20, %lt3A : i32
      %convert_element_type3A = arith.extui %lt3A_21 : i1 to i32
      %cond3A = arith.constant 0 : i32
      %cond3A_22 = arith.cmpi ne, %convert_element_type3A, %cond3A : i32
      scf.if %cond3A_22 {
        %add3A_48 = arith.constant 1 : i32
        %add3A_49 = arith.addi %add3A_18, %add3A_48 : i32
        %mul3A_50 = arith.constant 128 : i32
        %mul3A_51 = arith.muli %add3A_49, %mul3A_50 : i32
        %multiple_of3A_52 = tpu.assume_multiple %mul3A_51, 128 : i32
        %dma_start3A_53 = tpu.memref_slice %arg5[%multiple_of3A_52] : memref<1024xi32, #tpu.memory_space<vmem>> -> memref<128xi32, #tpu.memory_space<vmem>>
        %dma_start3A_54 = arith.constant 0 : i32
        %dma_start3A_55 = arith.constant 0 : i32
        %dma_start3A_56 = tpu.memref_slice %arg3[%dma_start3A_54, %dma_start3A_55] : memref<100000x128xf32, #tpu.memory_space<hbm>> -> memref<100000x128xf32, #tpu.memory_space<hbm>>
        tpu.enqueue_indirect_dma source(%dma_start3A_56 : memref<100000x128xf32, #tpu.memory_space<hbm>>) target(%arg7 : memref<128x128xf32, #tpu.memory_space<vmem>>) offsets(%dma_start3A_53 : memref<128xi32, #tpu.memory_space<vmem>>) semaphore(%arg9 : memref<!tpu.dma_semaphore, #tpu.memory_space<semaphore_mem>>)
      } else {
      }
      %mul3A_23 = arith.constant 128 : i32
      %mul3A_24 = arith.muli %add3A_18, %mul3A_23 : i32
      %multiple_of3A_25 = tpu.assume_multiple %mul3A_24, 128 : i32
      %dma_wait3A = tpu.memref_slice %arg5[%multiple_of3A_25] : memref<1024xi32, #tpu.memory_space<vmem>> -> memref<128xi32, #tpu.memory_space<vmem>>
      %dma_wait3A_26 = arith.constant 0 : i32
      %dma_wait3A_27 = arith.constant 0 : i32
      %dma_wait3A_28 = tpu.memref_slice %arg3[%dma_wait3A_26, %dma_wait3A_27] : memref<100000x128xf32, #tpu.memory_space<hbm>> -> memref<100000x128xf32, #tpu.memory_space<hbm>>
      tpu.wait_indirect_dma semaphore(%arg8 : memref<!tpu.dma_semaphore, #tpu.memory_space<semaphore_mem>>) src(%dma_wait3A_28 : memref<100000x128xf32, #tpu.memory_space<hbm>>) dst(%arg6 : memref<128x128xf32, #tpu.memory_space<vmem>>)
      %add3A_29 = arith.addi %mul3A_2, %multiple_of3A_25 : i32
      "tpu.region"() ({
        %run_scoped3A = tpu.sem_alloc : memref<!tpu.dma_semaphore, #tpu.memory_space<semaphore_mem>>
        %dma_start3A_48 = arith.constant 0 : i32
        %dma_start3A_49 = tpu.memref_slice %arg4[%add3A_29, %dma_start3A_48] : memref<32768x128xf32, #tpu.memory_space<hbm>> -> memref<128x128xf32, #tpu.memory_space<hbm>>
        %dma_start3A_50 = arith.constant 0 : i32
        %dma_start3A_51 = tpu.memref_slice %arg4[%add3A_29, %dma_start3A_50] : memref<32768x128xf32, #tpu.memory_space<hbm>> -> memref<128x128xf32, #tpu.memory_space<hbm>>
        tpu.enqueue_dma source(%arg6 : memref<128x128xf32, #tpu.memory_space<vmem>>) target(%dma_start3A_51 : memref<128x128xf32, #tpu.memory_space<hbm>>) target_semaphore(%run_scoped3A : memref<!tpu.dma_semaphore, #tpu.memory_space<semaphore_mem>>)
        %dma_wait3A_52 = arith.constant 0 : i32
        %dma_wait3A_53 = tpu.memref_slice %arg4[%add3A_29, %dma_wait3A_52] : memref<32768x128xf32, #tpu.memory_space<hbm>> -> memref<128x128xf32, #tpu.memory_space<hbm>>
        %dma_wait3A_54 = arith.constant 0 : i32
        %dma_wait3A_55 = tpu.memref_slice %arg4[%add3A_29, %dma_wait3A_54] : memref<32768x128xf32, #tpu.memory_space<hbm>> -> memref<128x128xf32, #tpu.memory_space<hbm>>
        tpu.wait_dma2 semaphore(%run_scoped3A : memref<!tpu.dma_semaphore, #tpu.memory_space<semaphore_mem>>) src(%arg6 : memref<128x128xf32, #tpu.memory_space<vmem>>) dst(%dma_wait3A_55 : memref<128x128xf32, #tpu.memory_space<hbm>>)
        tpu.yield
      }) : () -> ()
      %add3A_30 = arith.constant 1 : i32
      %add3A_31 = arith.addi %mul3A_16, %add3A_30 : i32
      %add3A_32 = arith.constant 1 : i32
      %add3A_33 = arith.addi %add3A_31, %add3A_32 : i32
      %lt3A_34 = arith.constant 8 : i32
      %lt3A_35 = arith.cmpi slt, %add3A_33, %lt3A_34 : i32
      %convert_element_type3A_36 = arith.extui %lt3A_35 : i1 to i32
      %cond3A_37 = arith.constant 0 : i32
      %cond3A_38 = arith.cmpi ne, %convert_element_type3A_36, %cond3A_37 : i32
      scf.if %cond3A_38 {
        %add3A_48 = arith.constant 1 : i32
        %add3A_49 = arith.addi %add3A_31, %add3A_48 : i32
        %mul3A_50 = arith.constant 128 : i32
        %mul3A_51 = arith.muli %add3A_49, %mul3A_50 : i32
        %multiple_of3A_52 = tpu.assume_multiple %mul3A_51, 128 : i32
        %dma_start3A_53 = tpu.memref_slice %arg5[%multiple_of3A_52] : memref<1024xi32, #tpu.memory_space<vmem>> -> memref<128xi32, #tpu.memory_space<vmem>>
        %dma_start3A_54 = arith.constant 0 : i32
        %dma_start3A_55 = arith.constant 0 : i32
        %dma_start3A_56 = tpu.memref_slice %arg3[%dma_start3A_54, %dma_start3A_55] : memref<100000x128xf32, #tpu.memory_space<hbm>> -> memref<100000x128xf32, #tpu.memory_space<hbm>>
        tpu.enqueue_indirect_dma source(%dma_start3A_56 : memref<100000x128xf32, #tpu.memory_space<hbm>>) target(%arg6 : memref<128x128xf32, #tpu.memory_space<vmem>>) offsets(%dma_start3A_53 : memref<128xi32, #tpu.memory_space<vmem>>) semaphore(%arg8 : memref<!tpu.dma_semaphore, #tpu.memory_space<semaphore_mem>>)
      } else {
      }
      %mul3A_39 = arith.constant 128 : i32
      %mul3A_40 = arith.muli %add3A_31, %mul3A_39 : i32
      %multiple_of3A_41 = tpu.assume_multiple %mul3A_40, 128 : i32
      %dma_wait3A_42 = tpu.memref_slice %arg5[%multiple_of3A_41] : memref<1024xi32, #tpu.memory_space<vmem>> -> memref<128xi32, #tpu.memory_space<vmem>>
      %dma_wait3A_43 = arith.constant 0 : i32
      %dma_wait3A_44 = arith.constant 0 : i32
      %dma_wait3A_45 = tpu.memref_slice %arg3[%dma_wait3A_43, %dma_wait3A_44] : memref<100000x128xf32, #tpu.memory_space<hbm>> -> memref<100000x128xf32, #tpu.memory_space<hbm>>
      tpu.wait_indirect_dma semaphore(%arg9 : memref<!tpu.dma_semaphore, #tpu.memory_space<semaphore_mem>>) src(%dma_wait3A_45 : memref<100000x128xf32, #tpu.memory_space<hbm>>) dst(%arg7 : memref<128x128xf32, #tpu.memory_space<vmem>>)
      %add3A_46 = arith.addi %mul3A_2, %multiple_of3A_41 : i32
      "tpu.region"() ({
        %run_scoped3A = tpu.sem_alloc : memref<!tpu.dma_semaphore, #tpu.memory_space<semaphore_mem>>
        %dma_start3A_48 = arith.constant 0 : i32
        %dma_start3A_49 = tpu.memref_slice %arg4[%add3A_46, %dma_start3A_48] : memref<32768x128xf32, #tpu.memory_space<hbm>> -> memref<128x128xf32, #tpu.memory_space<hbm>>
        %dma_start3A_50 = arith.constant 0 : i32
        %dma_start3A_51 = tpu.memref_slice %arg4[%add3A_46, %dma_start3A_50] : memref<32768x128xf32, #tpu.memory_space<hbm>> -> memref<128x128xf32, #tpu.memory_space<hbm>>
        tpu.enqueue_dma source(%arg7 : memref<128x128xf32, #tpu.memory_space<vmem>>) target(%dma_start3A_51 : memref<128x128xf32, #tpu.memory_space<hbm>>) target_semaphore(%run_scoped3A : memref<!tpu.dma_semaphore, #tpu.memory_space<semaphore_mem>>)
        %dma_wait3A_52 = arith.constant 0 : i32
        %dma_wait3A_53 = tpu.memref_slice %arg4[%add3A_46, %dma_wait3A_52] : memref<32768x128xf32, #tpu.memory_space<hbm>> -> memref<128x128xf32, #tpu.memory_space<hbm>>
        %dma_wait3A_54 = arith.constant 0 : i32
        %dma_wait3A_55 = tpu.memref_slice %arg4[%add3A_46, %dma_wait3A_54] : memref<32768x128xf32, #tpu.memory_space<hbm>> -> memref<128x128xf32, #tpu.memory_space<hbm>>
        tpu.wait_dma2 semaphore(%run_scoped3A : memref<!tpu.dma_semaphore, #tpu.memory_space<semaphore_mem>>) src(%arg7 : memref<128x128xf32, #tpu.memory_space<vmem>>) dst(%dma_wait3A_55 : memref<128x128xf32, #tpu.memory_space<hbm>>)
        tpu.yield
      }) : () -> ()
      %scan3A_47 = arith.constant 0 : i32
      scf.yield %scan3A_47 : i32
    }
    %scan3A_12 = arith.constant 4 : i32
    return
  }
}

#map = affine_map<(d0, d1) -> (0)>
#map1 = affine_map<(d0, d1) -> (0, 0)>
module attributes {stable_mosaic.version = 14 : i64} {
  func.func @gather_k(%arg0: i32, %arg1: i32, %arg2: memref<32768xi32, #tpu.memory_space<hbm>>, %arg3: memref<100000x128xf32, #tpu.memory_space<hbm>>, %arg4: memref<32768x128xf32, #tpu.memory_space<hbm>>, %arg5: memref<1024xi32, #tpu.memory_space<vmem>>, %arg6: memref<128x128xf32, #tpu.memory_space<vmem>>, %arg7: memref<128x128xf32, #tpu.memory_space<vmem>>, %arg8: memref<!tpu.dma_semaphore, #tpu.memory_space<semaphore_mem>>, %arg9: memref<!tpu.dma_semaphore, #tpu.memory_space<semaphore_mem>>) attributes {dimension_semantics = [#tpu.dimension_semantics<core_parallel>, #tpu.dimension_semantics<subcore_parallel>], iteration_bounds = array<i64: 2, 16>, scalar_prefetch = 0 : i64, scratch_operands = 5 : i64, tpu.core_type = #tpu.core_type<sc_vector_subcore>, window_params = [{transform_indices = #map}, {transform_indices = #map1}, {transform_indices = #map1}]} {
    %mul3A = arith.constant 2 : i32
    %mul3A_0 = arith.muli %arg1, %mul3A : i32
    %add3A = arith.addi %mul3A_0, %arg0 : i32
    %mul3A_1 = arith.constant 1024 : i32
    %mul3A_2 = arith.muli %add3A, %mul3A_1 : i32
    "tpu.region"() ({
      %run_scoped3A = tpu.sem_alloc : memref<!tpu.dma_semaphore, #tpu.memory_space<semaphore_mem>>
      %dma_start3A_13 = tpu.memref_slice %arg2[%mul3A_2] : memref<32768xi32, #tpu.memory_space<hbm>> -> memref<1024xi32, #tpu.memory_space<hbm>>
      %dma_start3A_14 = tpu.memref_slice %arg2[%mul3A_2] : memref<32768xi32, #tpu.memory_space<hbm>> -> memref<1024xi32, #tpu.memory_space<hbm>>
      tpu.enqueue_dma source(%dma_start3A_14 : memref<1024xi32, #tpu.memory_space<hbm>>) target(%arg5 : memref<1024xi32, #tpu.memory_space<vmem>>) target_semaphore(%run_scoped3A : memref<!tpu.dma_semaphore, #tpu.memory_space<semaphore_mem>>)
      %dma_wait3A = tpu.memref_slice %arg2[%mul3A_2] : memref<32768xi32, #tpu.memory_space<hbm>> -> memref<1024xi32, #tpu.memory_space<hbm>>
      %dma_wait3A_15 = tpu.memref_slice %arg2[%mul3A_2] : memref<32768xi32, #tpu.memory_space<hbm>> -> memref<1024xi32, #tpu.memory_space<hbm>>
      tpu.wait_dma2 semaphore(%run_scoped3A : memref<!tpu.dma_semaphore, #tpu.memory_space<semaphore_mem>>) src(%dma_wait3A_15 : memref<1024xi32, #tpu.memory_space<hbm>>) dst(%arg5 : memref<1024xi32, #tpu.memory_space<vmem>>)
      tpu.yield
    }) : () -> ()
    %multiple_of3A = arith.constant 0 : i32
    %multiple_of3A_3 = tpu.assume_multiple %multiple_of3A, 128 : i32
    %dma_start3A = tpu.memref_slice %arg5[%multiple_of3A_3] : memref<1024xi32, #tpu.memory_space<vmem>> -> memref<128xi32, #tpu.memory_space<vmem>>
    %dma_start3A_4 = arith.constant 0 : i32
    %dma_start3A_5 = arith.constant 0 : i32
    %dma_start3A_6 = tpu.memref_slice %arg3[%dma_start3A_4, %dma_start3A_5] : memref<100000x128xf32, #tpu.memory_space<hbm>> -> memref<100000x128xf32, #tpu.memory_space<hbm>>
    tpu.enqueue_indirect_dma source(%dma_start3A_6 : memref<100000x128xf32, #tpu.memory_space<hbm>>) target(%arg6 : memref<128x128xf32, #tpu.memory_space<vmem>>) offsets(%dma_start3A : memref<128xi32, #tpu.memory_space<vmem>>) semaphore(%arg8 : memref<!tpu.dma_semaphore, #tpu.memory_space<semaphore_mem>>)
    %scan3A = arith.constant 0 : i32
    %scan3A_7 = arith.constant 0 : i32
    %scan3A_8 = arith.constant 4 : i32
    %scan3A_9 = arith.addi %scan3A_7, %scan3A_8 : i32
    %scan3A_10 = arith.constant 1 : i32
    %scan3A_11 = scf.for %scan3A_13 = %scan3A_7 to %scan3A_9 step %scan3A_10 iter_args(%scan3A_14 = %scan3A) -> (i32)  : i32 {
      %mul3A_15 = arith.constant 2 : i32
      %mul3A_16 = arith.muli %scan3A_13, %mul3A_15 : i32
      %add3A_17 = arith.constant 0 : i32
      %add3A_18 = arith.addi %mul3A_16, %add3A_17 : i32
      %add3A_19 = arith.constant 1 : i32
      %add3A_20 = arith.addi %add3A_18, %add3A_19 : i32
      %lt3A = arith.constant 8 : i32
      %lt3A_21 = arith.cmpi slt, %add3A_20, %lt3A : i32
      %convert_element_type3A = arith.extui %lt3A_21 : i1 to i32
      %cond3A = arith.constant 0 : i32
      %cond3A_22 = arith.cmpi ne, %convert_element_type3A, %cond3A : i32
      scf.if %cond3A_22 {
        %add3A_48 = arith.constant 1 : i32
        %add3A_49 = arith.addi %add3A_18, %add3A_48 : i32
        %mul3A_50 = arith.constant 128 : i32
        %mul3A_51 = arith.muli %add3A_49, %mul3A_50 : i32
        %multiple_of3A_52 = tpu.assume_multiple %mul3A_51, 128 : i32
        %dma_start3A_53 = tpu.memref_slice %arg5[%multiple_of3A_52] : memref<1024xi32, #tpu.memory_space<vmem>> -> memref<128xi32, #tpu.memory_space<vmem>>
        %dma_start3A_54 = arith.constant 0 : i32
        %dma_start3A_55 = arith.constant 0 : i32
        %dma_start3A_56 = tpu.memref_slice %arg3[%dma_start3A_54, %dma_start3A_55] : memref<100000x128xf32, #tpu.memory_space<hbm>> -> memref<100000x128xf32, #tpu.memory_space<hbm>>
        tpu.enqueue_indirect_dma source(%dma_start3A_56 : memref<100000x128xf32, #tpu.memory_space<hbm>>) target(%arg7 : memref<128x128xf32, #tpu.memory_space<vmem>>) offsets(%dma_start3A_53 : memref<128xi32, #tpu.memory_space<vmem>>) semaphore(%arg9 : memref<!tpu.dma_semaphore, #tpu.memory_space<semaphore_mem>>)
      } else {
      }
      %mul3A_23 = arith.constant 128 : i32
      %mul3A_24 = arith.muli %add3A_18, %mul3A_23 : i32
      %multiple_of3A_25 = tpu.assume_multiple %mul3A_24, 128 : i32
      %dma_wait3A = tpu.memref_slice %arg5[%multiple_of3A_25] : memref<1024xi32, #tpu.memory_space<vmem>> -> memref<128xi32, #tpu.memory_space<vmem>>
      %dma_wait3A_26 = arith.constant 0 : i32
      %dma_wait3A_27 = arith.constant 0 : i32
      %dma_wait3A_28 = tpu.memref_slice %arg3[%dma_wait3A_26, %dma_wait3A_27] : memref<100000x128xf32, #tpu.memory_space<hbm>> -> memref<100000x128xf32, #tpu.memory_space<hbm>>
      tpu.wait_indirect_dma semaphore(%arg8 : memref<!tpu.dma_semaphore, #tpu.memory_space<semaphore_mem>>) src(%dma_wait3A_28 : memref<100000x128xf32, #tpu.memory_space<hbm>>) dst(%arg6 : memref<128x128xf32, #tpu.memory_space<vmem>>)
      %add3A_29 = arith.addi %mul3A_2, %multiple_of3A_25 : i32
      "tpu.region"() ({
        %run_scoped3A = tpu.sem_alloc : memref<!tpu.dma_semaphore, #tpu.memory_space<semaphore_mem>>
        %dma_start3A_48 = arith.constant 0 : i32
        %dma_start3A_49 = tpu.memref_slice %arg4[%add3A_29, %dma_start3A_48] : memref<32768x128xf32, #tpu.memory_space<hbm>> -> memref<128x128xf32, #tpu.memory_space<hbm>>
        %dma_start3A_50 = arith.constant 0 : i32
        %dma_start3A_51 = tpu.memref_slice %arg4[%add3A_29, %dma_start3A_50] : memref<32768x128xf32, #tpu.memory_space<hbm>> -> memref<128x128xf32, #tpu.memory_space<hbm>>
        tpu.enqueue_dma source(%arg6 : memref<128x128xf32, #tpu.memory_space<vmem>>) target(%dma_start3A_51 : memref<128x128xf32, #tpu.memory_space<hbm>>) target_semaphore(%run_scoped3A : memref<!tpu.dma_semaphore, #tpu.memory_space<semaphore_mem>>)
        %dma_wait3A_52 = arith.constant 0 : i32
        %dma_wait3A_53 = tpu.memref_slice %arg4[%add3A_29, %dma_wait3A_52] : memref<32768x128xf32, #tpu.memory_space<hbm>> -> memref<128x128xf32, #tpu.memory_space<hbm>>
        %dma_wait3A_54 = arith.constant 0 : i32
        %dma_wait3A_55 = tpu.memref_slice %arg4[%add3A_29, %dma_wait3A_54] : memref<32768x128xf32, #tpu.memory_space<hbm>> -> memref<128x128xf32, #tpu.memory_space<hbm>>
        tpu.wait_dma2 semaphore(%run_scoped3A : memref<!tpu.dma_semaphore, #tpu.memory_space<semaphore_mem>>) src(%arg6 : memref<128x128xf32, #tpu.memory_space<vmem>>) dst(%dma_wait3A_55 : memref<128x128xf32, #tpu.memory_space<hbm>>)
        tpu.yield
      }) : () -> ()
      %add3A_30 = arith.constant 1 : i32
      %add3A_31 = arith.addi %mul3A_16, %add3A_30 : i32
      %add3A_32 = arith.constant 1 : i32
      %add3A_33 = arith.addi %add3A_31, %add3A_32 : i32
      %lt3A_34 = arith.constant 8 : i32
      %lt3A_35 = arith.cmpi slt, %add3A_33, %lt3A_34 : i32
      %convert_element_type3A_36 = arith.extui %lt3A_35 : i1 to i32
      %cond3A_37 = arith.constant 0 : i32
      %cond3A_38 = arith.cmpi ne, %convert_element_type3A_36, %cond3A_37 : i32
      scf.if %cond3A_38 {
        %add3A_48 = arith.constant 1 : i32
        %add3A_49 = arith.addi %add3A_31, %add3A_48 : i32
        %mul3A_50 = arith.constant 128 : i32
        %mul3A_51 = arith.muli %add3A_49, %mul3A_50 : i32
        %multiple_of3A_52 = tpu.assume_multiple %mul3A_51, 128 : i32
        %dma_start3A_53 = tpu.memref_slice %arg5[%multiple_of3A_52] : memref<1024xi32, #tpu.memory_space<vmem>> -> memref<128xi32, #tpu.memory_space<vmem>>
        %dma_start3A_54 = arith.constant 0 : i32
        %dma_start3A_55 = arith.constant 0 : i32
        %dma_start3A_56 = tpu.memref_slice %arg3[%dma_start3A_54, %dma_start3A_55] : memref<100000x128xf32, #tpu.memory_space<hbm>> -> memref<100000x128xf32, #tpu.memory_space<hbm>>
        tpu.enqueue_indirect_dma source(%dma_start3A_56 : memref<100000x128xf32, #tpu.memory_space<hbm>>) target(%arg6 : memref<128x128xf32, #tpu.memory_space<vmem>>) offsets(%dma_start3A_53 : memref<128xi32, #tpu.memory_space<vmem>>) semaphore(%arg8 : memref<!tpu.dma_semaphore, #tpu.memory_space<semaphore_mem>>)
      } else {
      }
      %mul3A_39 = arith.constant 128 : i32
      %mul3A_40 = arith.muli %add3A_31, %mul3A_39 : i32
      %multiple_of3A_41 = tpu.assume_multiple %mul3A_40, 128 : i32
      %dma_wait3A_42 = tpu.memref_slice %arg5[%multiple_of3A_41] : memref<1024xi32, #tpu.memory_space<vmem>> -> memref<128xi32, #tpu.memory_space<vmem>>
      %dma_wait3A_43 = arith.constant 0 : i32
      %dma_wait3A_44 = arith.constant 0 : i32
      %dma_wait3A_45 = tpu.memref_slice %arg3[%dma_wait3A_43, %dma_wait3A_44] : memref<100000x128xf32, #tpu.memory_space<hbm>> -> memref<100000x128xf32, #tpu.memory_space<hbm>>
      tpu.wait_indirect_dma semaphore(%arg9 : memref<!tpu.dma_semaphore, #tpu.memory_space<semaphore_mem>>) src(%dma_wait3A_45 : memref<100000x128xf32, #tpu.memory_space<hbm>>) dst(%arg7 : memref<128x128xf32, #tpu.memory_space<vmem>>)
      %add3A_46 = arith.addi %mul3A_2, %multiple_of3A_41 : i32
      "tpu.region"() ({
        %run_scoped3A = tpu.sem_alloc : memref<!tpu.dma_semaphore, #tpu.memory_space<semaphore_mem>>
        %dma_start3A_48 = arith.constant 0 : i32
        %dma_start3A_49 = tpu.memref_slice %arg4[%add3A_46, %dma_start3A_48] : memref<32768x128xf32, #tpu.memory_space<hbm>> -> memref<128x128xf32, #tpu.memory_space<hbm>>
        %dma_start3A_50 = arith.constant 0 : i32
        %dma_start3A_51 = tpu.memref_slice %arg4[%add3A_46, %dma_start3A_50] : memref<32768x128xf32, #tpu.memory_space<hbm>> -> memref<128x128xf32, #tpu.memory_space<hbm>>
        tpu.enqueue_dma source(%arg7 : memref<128x128xf32, #tpu.memory_space<vmem>>) target(%dma_start3A_51 : memref<128x128xf32, #tpu.memory_space<hbm>>) target_semaphore(%run_scoped3A : memref<!tpu.dma_semaphore, #tpu.memory_space<semaphore_mem>>)
        %dma_wait3A_52 = arith.constant 0 : i32
        %dma_wait3A_53 = tpu.memref_slice %arg4[%add3A_46, %dma_wait3A_52] : memref<32768x128xf32, #tpu.memory_space<hbm>> -> memref<128x128xf32, #tpu.memory_space<hbm>>
        %dma_wait3A_54 = arith.constant 0 : i32
        %dma_wait3A_55 = tpu.memref_slice %arg4[%add3A_46, %dma_wait3A_54] : memref<32768x128xf32, #tpu.memory_space<hbm>> -> memref<128x128xf32, #tpu.memory_space<hbm>>
        tpu.wait_dma2 semaphore(%run_scoped3A : memref<!tpu.dma_semaphore, #tpu.memory_space<semaphore_mem>>) src(%arg7 : memref<128x128xf32, #tpu.memory_space<vmem>>) dst(%dma_wait3A_55 : memref<128x128xf32, #tpu.memory_space<hbm>>)
        tpu.yield
      }) : () -> ()
      %scan3A_47 = arith.constant 0 : i32
      scf.yield %scan3A_47 : i32
    }
    %scan3A_12 = arith.constant 4 : i32
    return
  }
}

module attributes {stable_mosaic.version = 14 : i64} {
  func.func @_lstm_body(%arg0: i32, %arg1: memref<32x1024x128xf32, #tpu.memory_space<vmem>>, %arg2: memref<256x512xbf16, #tpu.memory_space<vmem>>, %arg3: memref<1x512xf32, #tpu.memory_space<vmem>>, %arg4: memref<256x512xbf16, #tpu.memory_space<vmem>>, %arg5: memref<1x512xf32, #tpu.memory_space<vmem>>, %arg6: memref<4096x128xbf16, #tpu.memory_space<vmem>>, %arg7: memref<1x128xf32, #tpu.memory_space<vmem>>, %arg8: memref<1024x128xf32, #tpu.memory_space<vmem>>, %arg9: memref<1024x4096xbf16, #tpu.memory_space<vmem>>) attributes {dimension_semantics = [#tpu.dimension_semantics<arbitrary>], iteration_bounds = array<i64: 1>, scalar_prefetch = 0 : i64, scratch_operands = 1 : i64, tpu.core_type = #tpu.core_type<tc>, window_params = [{transform_indices = @transform_0, window_bounds = array<i64: 32, 1024, 128>}, {pipeline_mode = #tpu.pipeline_mode<synchronous>, transform_indices = @transform_1, window_bounds = array<i64: 256, 512>}, {pipeline_mode = #tpu.pipeline_mode<synchronous>, transform_indices = @transform_2, window_bounds = array<i64: 1, 512>}, {pipeline_mode = #tpu.pipeline_mode<synchronous>, transform_indices = @transform_3, window_bounds = array<i64: 256, 512>}, {pipeline_mode = #tpu.pipeline_mode<synchronous>, transform_indices = @transform_4, window_bounds = array<i64: 1, 512>}, {pipeline_mode = #tpu.pipeline_mode<synchronous>, transform_indices = @transform_5, window_bounds = array<i64: 4096, 128>}, {pipeline_mode = #tpu.pipeline_mode<synchronous>, transform_indices = @transform_6, window_bounds = array<i64: 1, 128>}, {transform_indices = @transform_7, window_bounds = array<i64: 1024, 128>}]} {
    %get3A = arith.constant 0 : index
    %get3A_0 = arith.constant 0 : index
    %get3A_1 = vector.load %arg2[%get3A, %get3A_0] : memref<256x512xbf16, #tpu.memory_space<vmem>>, vector<256x512xbf16>
    %get3A_2 = arith.constant 0 : index
    %get3A_3 = arith.constant 0 : index
    %get3A_4 = vector.load %arg3[%get3A_2, %get3A_3] : memref<1x512xf32, #tpu.memory_space<vmem>>, vector<1x512xf32>
    %get3A_5 = arith.constant 0 : index
    %get3A_6 = arith.constant 0 : index
    %get3A_7 = vector.load %arg4[%get3A_5, %get3A_6] : memref<256x512xbf16, #tpu.memory_space<vmem>>, vector<256x512xbf16>
    %get3A_8 = arith.constant 0 : index
    %get3A_9 = arith.constant 0 : index
    %get3A_10 = vector.load %arg5[%get3A_8, %get3A_9] : memref<1x512xf32, #tpu.memory_space<vmem>>, vector<1x512xf32>
    %broadcast_in_dim3A = arith.constant 0.000000e+00 : bf16
    %broadcast_in_dim3A_11 = vector.broadcast %broadcast_in_dim3A : bf16 to vector<1024x128xbf16>
    %broadcast_in_dim3A_12 = arith.constant 0.000000e+00 : f32
    %broadcast_in_dim3A_13 = vector.broadcast %broadcast_in_dim3A_12 : f32 to vector<1024x128xf32>
    %scan3A = arith.constant 0 : i32
    %scan3A_14 = arith.constant 32 : i32
    %scan3A_15 = arith.addi %scan3A, %scan3A_14 : i32
    %scan3A_16 = arith.constant 16 : i32
    %scan3A_17:4 = scf.for %scan3A_38 = %scan3A to %scan3A_15 step %scan3A_16 iter_args(%scan3A_39 = %broadcast_in_dim3A_11, %scan3A_40 = %broadcast_in_dim3A_13, %scan3A_41 = %broadcast_in_dim3A_11, %scan3A_42 = %broadcast_in_dim3A_13) -> (vector<1024x128xbf16>, vector<1024x128xf32>, vector<1024x128xbf16>, vector<1024x128xf32>)  : i32 {
      %get3A_43 = arith.index_cast %scan3A_38 : i32 to index
      %get3A_44 = arith.constant 0 : index
      %get3A_45 = arith.constant 0 : index
      %get3A_46 = vector.load %arg1[%get3A_43, %get3A_44, %get3A_45] : memref<32x1024x128xf32, #tpu.memory_space<vmem>>, vector<1x1024x128xf32>
      %squeeze3A = vector.shape_cast %get3A_46 : vector<1x1024x128xf32> to vector<1024x128xf32>
      %convert_element_type3A = arith.truncf %squeeze3A : vector<1024x128xf32> to vector<1024x128xbf16>
      %concatenate3A = tpu.concatenate %convert_element_type3A, %scan3A_39 in 1 : vector<1024x128xbf16>, vector<1024x128xbf16> -> vector<1024x256xbf16>
      %dot_general3A_47 = arith.constant dense<0.000000e+00> : vector<1024x512xf32>
      %dot_general3A_48 = tpu.matmul %concatenate3A, %get3A_1, %dot_general3A_47 {dimension_numbers = #tpu.dot_dimension_numbers<[1], [0], [0], [1], [0, 0, 1, 1], [], []>, transpose_lhs_hint = false} : vector<1024x256xbf16>, vector<256x512xbf16>, vector<1024x512xf32> -> vector<1024x512xf32>
      %add3A_49 = vector.broadcast %get3A_4 : vector<1x512xf32> to vector<1024x512xf32>
      %add3A_50 = arith.addf %dot_general3A_48, %add3A_49 : vector<1024x512xf32>
      %slice3A = vector.extract_strided_slice %add3A_50 {offsets = [0, 0], sizes = [1024, 128], strides = [1, 1]} : vector<1024x512xf32> to vector<1024x128xf32>
      %tanh3A = math.tanh %slice3A : vector<1024x128xf32>
      %slice3A_51 = vector.extract_strided_slice %add3A_50 {offsets = [0, 128], sizes = [1024, 128], strides = [1, 1]} : vector<1024x512xf32> to vector<1024x128xf32>
      %tanh3A_52 = math.tanh %slice3A_51 : vector<1024x128xf32>
      %slice3A_53 = vector.extract_strided_slice %add3A_50 {offsets = [0, 256], sizes = [1024, 128], strides = [1, 1]} : vector<1024x512xf32> to vector<1024x128xf32>
      %tanh3A_54 = math.tanh %slice3A_53 : vector<1024x128xf32>
      %slice3A_55 = vector.extract_strided_slice %add3A_50 {offsets = [0, 384], sizes = [1024, 128], strides = [1, 1]} : vector<1024x512xf32> to vector<1024x128xf32>
      %tanh3A_56 = math.tanh %slice3A_55 : vector<1024x128xf32>
      %mul3A = arith.mulf %tanh3A_52, %scan3A_40 : vector<1024x128xf32>
      %add3A_57 = arith.addf %scan3A_40, %mul3A : vector<1024x128xf32>
      %mul3A_58 = arith.mulf %tanh3A, %tanh3A_54 : vector<1024x128xf32>
      %add3A_59 = arith.addf %tanh3A_54, %mul3A_58 : vector<1024x128xf32>
      %add3A_60 = arith.addf %add3A_57, %add3A_59 : vector<1024x128xf32>
      %mul3A_61 = arith.constant 5.000000e-01 : f32
      %mul3A_62 = vector.broadcast %mul3A_61 : f32 to vector<1024x128xf32>
      %mul3A_63 = arith.mulf %mul3A_62, %add3A_60 : vector<1024x128xf32>
      %tanh3A_64 = math.tanh %mul3A_63 : vector<1024x128xf32>
      %mul3A_65 = arith.mulf %tanh3A_56, %tanh3A_64 : vector<1024x128xf32>
      %add3A_66 = arith.addf %tanh3A_64, %mul3A_65 : vector<1024x128xf32>
      %mul3A_67 = arith.constant 5.000000e-01 : f32
      %mul3A_68 = vector.broadcast %mul3A_67 : f32 to vector<1024x128xf32>
      %mul3A_69 = arith.mulf %mul3A_68, %add3A_66 : vector<1024x128xf32>
      %convert_element_type3A_70 = arith.truncf %mul3A_69 : vector<1024x128xf32> to vector<1024x128xbf16>
      %concatenate3A_71 = tpu.concatenate %convert_element_type3A_70, %scan3A_41 in 1 : vector<1024x128xbf16>, vector<1024x128xbf16> -> vector<1024x256xbf16>
      %dot_general3A_72 = arith.constant dense<0.000000e+00> : vector<1024x512xf32>
      %dot_general3A_73 = tpu.matmul %concatenate3A_71, %get3A_7, %dot_general3A_72 {dimension_numbers = #tpu.dot_dimension_numbers<[1], [0], [0], [1], [0, 0, 1, 1], [], []>, transpose_lhs_hint = false} : vector<1024x256xbf16>, vector<256x512xbf16>, vector<1024x512xf32> -> vector<1024x512xf32>
      %add3A_74 = vector.broadcast %get3A_10 : vector<1x512xf32> to vector<1024x512xf32>
      %add3A_75 = arith.addf %dot_general3A_73, %add3A_74 : vector<1024x512xf32>
      %slice3A_76 = vector.extract_strided_slice %add3A_75 {offsets = [0, 0], sizes = [1024, 128], strides = [1, 1]} : vector<1024x512xf32> to vector<1024x128xf32>
      %tanh3A_77 = math.tanh %slice3A_76 : vector<1024x128xf32>
      %slice3A_78 = vector.extract_strided_slice %add3A_75 {offsets = [0, 128], sizes = [1024, 128], strides = [1, 1]} : vector<1024x512xf32> to vector<1024x128xf32>
      %tanh3A_79 = math.tanh %slice3A_78 : vector<1024x128xf32>
      %slice3A_80 = vector.extract_strided_slice %add3A_75 {offsets = [0, 256], sizes = [1024, 128], strides = [1, 1]} : vector<1024x512xf32> to vector<1024x128xf32>
      %tanh3A_81 = math.tanh %slice3A_80 : vector<1024x128xf32>
      %slice3A_82 = vector.extract_strided_slice %add3A_75 {offsets = [0, 384], sizes = [1024, 128], strides = [1, 1]} : vector<1024x512xf32> to vector<1024x128xf32>
      %tanh3A_83 = math.tanh %slice3A_82 : vector<1024x128xf32>
      %mul3A_84 = arith.mulf %tanh3A_79, %scan3A_42 : vector<1024x128xf32>
      %add3A_85 = arith.addf %scan3A_42, %mul3A_84 : vector<1024x128xf32>
      %mul3A_86 = arith.mulf %tanh3A_77, %tanh3A_81 : vector<1024x128xf32>
      %add3A_87 = arith.addf %tanh3A_81, %mul3A_86 : vector<1024x128xf32>
      %add3A_88 = arith.addf %add3A_85, %add3A_87 : vector<1024x128xf32>
      %mul3A_89 = arith.constant 5.000000e-01 : f32
      %mul3A_90 = vector.broadcast %mul3A_89 : f32 to vector<1024x128xf32>
      %mul3A_91 = arith.mulf %mul3A_90, %add3A_88 : vector<1024x128xf32>
      %tanh3A_92 = math.tanh %mul3A_91 : vector<1024x128xf32>
      %mul3A_93 = arith.mulf %tanh3A_83, %tanh3A_92 : vector<1024x128xf32>
      %add3A_94 = arith.addf %tanh3A_92, %mul3A_93 : vector<1024x128xf32>
      %mul3A_95 = arith.constant 5.000000e-01 : f32
      %mul3A_96 = vector.broadcast %mul3A_95 : f32 to vector<1024x128xf32>
      %mul3A_97 = arith.mulf %mul3A_96, %add3A_94 : vector<1024x128xf32>
      %convert_element_type3A_98 = arith.truncf %mul3A_97 : vector<1024x128xf32> to vector<1024x128xbf16>
      %mul3A_99 = arith.constant 128 : i32
      %mul3A_100 = arith.muli %scan3A_38, %mul3A_99 : i32
      %swap3A_101 = arith.constant 0 : index
      %swap3A_102 = arith.index_cast %mul3A_100 : i32 to index
      %swap3A_103 = vector.load %arg9[%swap3A_101, %swap3A_102] : memref<1024x4096xbf16, #tpu.memory_space<vmem>>, vector<1024x128xbf16>
      tpu.vector_store %arg9[%swap3A_101, %swap3A_102], %convert_element_type3A_98 {strides = array<i32>} : memref<1024x4096xbf16, #tpu.memory_space<vmem>>, vector<1024x128xbf16>,
      %scan3A_104 = arith.constant 1 : i32
      %scan3A_105 = arith.addi %scan3A_38, %scan3A_104 : i32
      %get3A_106 = arith.index_cast %scan3A_105 : i32 to index
      %get3A_107 = arith.constant 0 : index
      %get3A_108 = arith.constant 0 : index
      %get3A_109 = vector.load %arg1[%get3A_106, %get3A_107, %get3A_108] : memref<32x1024x128xf32, #tpu.memory_space<vmem>>, vector<1x1024x128xf32>
      %squeeze3A_110 = vector.shape_cast %get3A_109 : vector<1x1024x128xf32> to vector<1024x128xf32>
      %convert_element_type3A_111 = arith.truncf %squeeze3A_110 : vector<1024x128xf32> to vector<1024x128xbf16>
      %concatenate3A_112 = tpu.concatenate %convert_element_type3A_111, %convert_element_type3A_70 in 1 : vector<1024x128xbf16>, vector<1024x128xbf16> -> vector<1024x256xbf16>
      %dot_general3A_113 = arith.constant dense<0.000000e+00> : vector<1024x512xf32>
      %dot_general3A_114 = tpu.matmul %concatenate3A_112, %get3A_1, %dot_general3A_113 {dimension_numbers = #tpu.dot_dimension_numbers<[1], [0], [0], [1], [0, 0, 1, 1], [], []>, transpose_lhs_hint = false} : vector<1024x256xbf16>, vector<256x512xbf16>, vector<1024x512xf32> -> vector<1024x512xf32>
      %add3A_115 = vector.broadcast %get3A_4 : vector<1x512xf32> to vector<1024x512xf32>
      %add3A_116 = arith.addf %dot_general3A_114, %add3A_115 : vector<1024x512xf32>
      %slice3A_117 = vector.extract_strided_slice %add3A_116 {offsets = [0, 0], sizes = [1024, 128], strides = [1, 1]} : vector<1024x512xf32> to vector<1024x128xf32>
      %tanh3A_118 = math.tanh %slice3A_117 : vector<1024x128xf32>
      %slice3A_119 = vector.extract_strided_slice %add3A_116 {offsets = [0, 128], sizes = [1024, 128], strides = [1, 1]} : vector<1024x512xf32> to vector<1024x128xf32>
      %tanh3A_120 = math.tanh %slice3A_119 : vector<1024x128xf32>
      %slice3A_121 = vector.extract_strided_slice %add3A_116 {offsets = [0, 256], sizes = [1024, 128], strides = [1, 1]} : vector<1024x512xf32> to vector<1024x128xf32>
      %tanh3A_122 = math.tanh %slice3A_121 : vector<1024x128xf32>
      %slice3A_123 = vector.extract_strided_slice %add3A_116 {offsets = [0, 384], sizes = [1024, 128], strides = [1, 1]} : vector<1024x512xf32> to vector<1024x128xf32>
      %tanh3A_124 = math.tanh %slice3A_123 : vector<1024x128xf32>
      %mul3A_125 = arith.mulf %tanh3A_120, %mul3A_63 : vector<1024x128xf32>
      %add3A_126 = arith.addf %mul3A_63, %mul3A_125 : vector<1024x128xf32>
      %mul3A_127 = arith.mulf %tanh3A_118, %tanh3A_122 : vector<1024x128xf32>
      %add3A_128 = arith.addf %tanh3A_122, %mul3A_127 : vector<1024x128xf32>
      %add3A_129 = arith.addf %add3A_126, %add3A_128 : vector<1024x128xf32>
      %mul3A_130 = arith.constant 5.000000e-01 : f32
      %mul3A_131 = vector.broadcast %mul3A_130 : f32 to vector<1024x128xf32>
      %mul3A_132 = arith.mulf %mul3A_131, %add3A_129 : vector<1024x128xf32>
      %tanh3A_133 = math.tanh %mul3A_132 : vector<1024x128xf32>
      %mul3A_134 = arith.mulf %tanh3A_124, %tanh3A_133 : vector<1024x128xf32>
      %add3A_135 = arith.addf %tanh3A_133, %mul3A_134 : vector<1024x128xf32>
      %mul3A_136 = arith.constant 5.000000e-01 : f32
      %mul3A_137 = vector.broadcast %mul3A_136 : f32 to vector<1024x128xf32>
      %mul3A_138 = arith.mulf %mul3A_137, %add3A_135 : vector<1024x128xf32>
      %convert_element_type3A_139 = arith.truncf %mul3A_138 : vector<1024x128xf32> to vector<1024x128xbf16>
      %concatenate3A_140 = tpu.concatenate %convert_element_type3A_139, %convert_element_type3A_98 in 1 : vector<1024x128xbf16>, vector<1024x128xbf16> -> vector<1024x256xbf16>
      %dot_general3A_141 = arith.constant dense<0.000000e+00> : vector<1024x512xf32>
      %dot_general3A_142 = tpu.matmul %concatenate3A_140, %get3A_7, %dot_general3A_141 {dimension_numbers = #tpu.dot_dimension_numbers<[1], [0], [0], [1], [0, 0, 1, 1], [], []>, transpose_lhs_hint = false} : vector<1024x256xbf16>, vector<256x512xbf16>, vector<1024x512xf32> -> vector<1024x512xf32>
      %add3A_143 = vector.broadcast %get3A_10 : vector<1x512xf32> to vector<1024x512xf32>
      %add3A_144 = arith.addf %dot_general3A_142, %add3A_143 : vector<1024x512xf32>
      %slice3A_145 = vector.extract_strided_slice %add3A_144 {offsets = [0, 0], sizes = [1024, 128], strides = [1, 1]} : vector<1024x512xf32> to vector<1024x128xf32>
      %tanh3A_146 = math.tanh %slice3A_145 : vector<1024x128xf32>
      %slice3A_147 = vector.extract_strided_slice %add3A_144 {offsets = [0, 128], sizes = [1024, 128], strides = [1, 1]} : vector<1024x512xf32> to vector<1024x128xf32>
      %tanh3A_148 = math.tanh %slice3A_147 : vector<1024x128xf32>
      %slice3A_149 = vector.extract_strided_slice %add3A_144 {offsets = [0, 256], sizes = [1024, 128], strides = [1, 1]} : vector<1024x512xf32> to vector<1024x128xf32>
      %tanh3A_150 = math.tanh %slice3A_149 : vector<1024x128xf32>
      %slice3A_151 = vector.extract_strided_slice %add3A_144 {offsets = [0, 384], sizes = [1024, 128], strides = [1, 1]} : vector<1024x512xf32> to vector<1024x128xf32>
      %tanh3A_152 = math.tanh %slice3A_151 : vector<1024x128xf32>
      %mul3A_153 = arith.mulf %tanh3A_148, %mul3A_91 : vector<1024x128xf32>
      %add3A_154 = arith.addf %mul3A_91, %mul3A_153 : vector<1024x128xf32>
      %mul3A_155 = arith.mulf %tanh3A_146, %tanh3A_150 : vector<1024x128xf32>
      %add3A_156 = arith.addf %tanh3A_150, %mul3A_155 : vector<1024x128xf32>
      %add3A_157 = arith.addf %add3A_154, %add3A_156 : vector<1024x128xf32>
      %mul3A_158 = arith.constant 5.000000e-01 : f32
      %mul3A_159 = vector.broadcast %mul3A_158 : f32 to vector<1024x128xf32>
      %mul3A_160 = arith.mulf %mul3A_159, %add3A_157 : vector<1024x128xf32>
      %tanh3A_161 = math.tanh %mul3A_160 : vector<1024x128xf32>
      %mul3A_162 = arith.mulf %tanh3A_152, %tanh3A_161 : vector<1024x128xf32>
      %add3A_163 = arith.addf %tanh3A_161, %mul3A_162 : vector<1024x128xf32>
      %mul3A_164 = arith.constant 5.000000e-01 : f32
      %mul3A_165 = vector.broadcast %mul3A_164 : f32 to vector<1024x128xf32>
      %mul3A_166 = arith.mulf %mul3A_165, %add3A_163 : vector<1024x128xf32>
      %convert_element_type3A_167 = arith.truncf %mul3A_166 : vector<1024x128xf32> to vector<1024x128xbf16>
      %mul3A_168 = arith.constant 128 : i32
      %mul3A_169 = arith.muli %scan3A_105, %mul3A_168 : i32
      %swap3A_170 = arith.constant 0 : index
      %swap3A_171 = arith.index_cast %mul3A_169 : i32 to index
      %swap3A_172 = vector.load %arg9[%swap3A_170, %swap3A_171] : memref<1024x4096xbf16, #tpu.memory_space<vmem>>, vector<1024x128xbf16>
      tpu.vector_store %arg9[%swap3A_170, %swap3A_171], %convert_element_type3A_167 {strides = array<i32>} : memref<1024x4096xbf16, #tpu.memory_space<vmem>>, vector<1024x128xbf16>,
      %scan3A_173 = arith.constant 2 : i32
      %scan3A_174 = arith.addi %scan3A_38, %scan3A_173 : i32
      %get3A_175 = arith.index_cast %scan3A_174 : i32 to index
      %get3A_176 = arith.constant 0 : index
      %get3A_177 = arith.constant 0 : index
      %get3A_178 = vector.load %arg1[%get3A_175, %get3A_176, %get3A_177] : memref<32x1024x128xf32, #tpu.memory_space<vmem>>, vector<1x1024x128xf32>
      %squeeze3A_179 = vector.shape_cast %get3A_178 : vector<1x1024x128xf32> to vector<1024x128xf32>
      %convert_element_type3A_180 = arith.truncf %squeeze3A_179 : vector<1024x128xf32> to vector<1024x128xbf16>
      %concatenate3A_181 = tpu.concatenate %convert_element_type3A_180, %convert_element_type3A_139 in 1 : vector<1024x128xbf16>, vector<1024x128xbf16> -> vector<1024x256xbf16>
      %dot_general3A_182 = arith.constant dense<0.000000e+00> : vector<1024x512xf32>
      %dot_general3A_183 = tpu.matmul %concatenate3A_181, %get3A_1, %dot_general3A_182 {dimension_numbers = #tpu.dot_dimension_numbers<[1], [0], [0], [1], [0, 0, 1, 1], [], []>, transpose_lhs_hint = false} : vector<1024x256xbf16>, vector<256x512xbf16>, vector<1024x512xf32> -> vector<1024x512xf32>
      %add3A_184 = vector.broadcast %get3A_4 : vector<1x512xf32> to vector<1024x512xf32>
      %add3A_185 = arith.addf %dot_general3A_183, %add3A_184 : vector<1024x512xf32>
      %slice3A_186 = vector.extract_strided_slice %add3A_185 {offsets = [0, 0], sizes = [1024, 128], strides = [1, 1]} : vector<1024x512xf32> to vector<1024x128xf32>
      %tanh3A_187 = math.tanh %slice3A_186 : vector<1024x128xf32>
      %slice3A_188 = vector.extract_strided_slice %add3A_185 {offsets = [0, 128], sizes = [1024, 128], strides = [1, 1]} : vector<1024x512xf32> to vector<1024x128xf32>
      %tanh3A_189 = math.tanh %slice3A_188 : vector<1024x128xf32>
      %slice3A_190 = vector.extract_strided_slice %add3A_185 {offsets = [0, 256], sizes = [1024, 128], strides = [1, 1]} : vector<1024x512xf32> to vector<1024x128xf32>
      %tanh3A_191 = math.tanh %slice3A_190 : vector<1024x128xf32>
      %slice3A_192 = vector.extract_strided_slice %add3A_185 {offsets = [0, 384], sizes = [1024, 128], strides = [1, 1]} : vector<1024x512xf32> to vector<1024x128xf32>
      %tanh3A_193 = math.tanh %slice3A_192 : vector<1024x128xf32>
      %mul3A_194 = arith.mulf %tanh3A_189, %mul3A_132 : vector<1024x128xf32>
      %add3A_195 = arith.addf %mul3A_132, %mul3A_194 : vector<1024x128xf32>
      %mul3A_196 = arith.mulf %tanh3A_187, %tanh3A_191 : vector<1024x128xf32>
      %add3A_197 = arith.addf %tanh3A_191, %mul3A_196 : vector<1024x128xf32>
      %add3A_198 = arith.addf %add3A_195, %add3A_197 : vector<1024x128xf32>
      %mul3A_199 = arith.constant 5.000000e-01 : f32
      %mul3A_200 = vector.broadcast %mul3A_199 : f32 to vector<1024x128xf32>
      %mul3A_201 = arith.mulf %mul3A_200, %add3A_198 : vector<1024x128xf32>
      %tanh3A_202 = math.tanh %mul3A_201 : vector<1024x128xf32>
      %mul3A_203 = arith.mulf %tanh3A_193, %tanh3A_202 : vector<1024x128xf32>
      %add3A_204 = arith.addf %tanh3A_202, %mul3A_203 : vector<1024x128xf32>
      %mul3A_205 = arith.constant 5.000000e-01 : f32
      %mul3A_206 = vector.broadcast %mul3A_205 : f32 to vector<1024x128xf32>
      %mul3A_207 = arith.mulf %mul3A_206, %add3A_204 : vector<1024x128xf32>
      %convert_element_type3A_208 = arith.truncf %mul3A_207 : vector<1024x128xf32> to vector<1024x128xbf16>
      %concatenate3A_209 = tpu.concatenate %convert_element_type3A_208, %convert_element_type3A_167 in 1 : vector<1024x128xbf16>, vector<1024x128xbf16> -> vector<1024x256xbf16>
      %dot_general3A_210 = arith.constant dense<0.000000e+00> : vector<1024x512xf32>
      %dot_general3A_211 = tpu.matmul %concatenate3A_209, %get3A_7, %dot_general3A_210 {dimension_numbers = #tpu.dot_dimension_numbers<[1], [0], [0], [1], [0, 0, 1, 1], [], []>, transpose_lhs_hint = false} : vector<1024x256xbf16>, vector<256x512xbf16>, vector<1024x512xf32> -> vector<1024x512xf32>
      %add3A_212 = vector.broadcast %get3A_10 : vector<1x512xf32> to vector<1024x512xf32>
      %add3A_213 = arith.addf %dot_general3A_211, %add3A_212 : vector<1024x512xf32>
      %slice3A_214 = vector.extract_strided_slice %add3A_213 {offsets = [0, 0], sizes = [1024, 128], strides = [1, 1]} : vector<1024x512xf32> to vector<1024x128xf32>
      %tanh3A_215 = math.tanh %slice3A_214 : vector<1024x128xf32>
      %slice3A_216 = vector.extract_strided_slice %add3A_213 {offsets = [0, 128], sizes = [1024, 128], strides = [1, 1]} : vector<1024x512xf32> to vector<1024x128xf32>
      %tanh3A_217 = math.tanh %slice3A_216 : vector<1024x128xf32>
      %slice3A_218 = vector.extract_strided_slice %add3A_213 {offsets = [0, 256], sizes = [1024, 128], strides = [1, 1]} : vector<1024x512xf32> to vector<1024x128xf32>
      %tanh3A_219 = math.tanh %slice3A_218 : vector<1024x128xf32>
      %slice3A_220 = vector.extract_strided_slice %add3A_213 {offsets = [0, 384], sizes = [1024, 128], strides = [1, 1]} : vector<1024x512xf32> to vector<1024x128xf32>
      %tanh3A_221 = math.tanh %slice3A_220 : vector<1024x128xf32>
      %mul3A_222 = arith.mulf %tanh3A_217, %mul3A_160 : vector<1024x128xf32>
      %add3A_223 = arith.addf %mul3A_160, %mul3A_222 : vector<1024x128xf32>
      %mul3A_224 = arith.mulf %tanh3A_215, %tanh3A_219 : vector<1024x128xf32>
      %add3A_225 = arith.addf %tanh3A_219, %mul3A_224 : vector<1024x128xf32>
      %add3A_226 = arith.addf %add3A_223, %add3A_225 : vector<1024x128xf32>
      %mul3A_227 = arith.constant 5.000000e-01 : f32
      %mul3A_228 = vector.broadcast %mul3A_227 : f32 to vector<1024x128xf32>
      %mul3A_229 = arith.mulf %mul3A_228, %add3A_226 : vector<1024x128xf32>
      %tanh3A_230 = math.tanh %mul3A_229 : vector<1024x128xf32>
      %mul3A_231 = arith.mulf %tanh3A_221, %tanh3A_230 : vector<1024x128xf32>
      %add3A_232 = arith.addf %tanh3A_230, %mul3A_231 : vector<1024x128xf32>
      %mul3A_233 = arith.constant 5.000000e-01 : f32
      %mul3A_234 = vector.broadcast %mul3A_233 : f32 to vector<1024x128xf32>
      %mul3A_235 = arith.mulf %mul3A_234, %add3A_232 : vector<1024x128xf32>
      %convert_element_type3A_236 = arith.truncf %mul3A_235 : vector<1024x128xf32> to vector<1024x128xbf16>
      %mul3A_237 = arith.constant 128 : i32
      %mul3A_238 = arith.muli %scan3A_174, %mul3A_237 : i32
      %swap3A_239 = arith.constant 0 : index
      %swap3A_240 = arith.index_cast %mul3A_238 : i32 to index
      %swap3A_241 = vector.load %arg9[%swap3A_239, %swap3A_240] : memref<1024x4096xbf16, #tpu.memory_space<vmem>>, vector<1024x128xbf16>
      tpu.vector_store %arg9[%swap3A_239, %swap3A_240], %convert_element_type3A_236 {strides = array<i32>} : memref<1024x4096xbf16, #tpu.memory_space<vmem>>, vector<1024x128xbf16>,
      %scan3A_242 = arith.constant 3 : i32
      %scan3A_243 = arith.addi %scan3A_38, %scan3A_242 : i32
      %get3A_244 = arith.index_cast %scan3A_243 : i32 to index
      %get3A_245 = arith.constant 0 : index
      %get3A_246 = arith.constant 0 : index
      %get3A_247 = vector.load %arg1[%get3A_244, %get3A_245, %get3A_246] : memref<32x1024x128xf32, #tpu.memory_space<vmem>>, vector<1x1024x128xf32>
      %squeeze3A_248 = vector.shape_cast %get3A_247 : vector<1x1024x128xf32> to vector<1024x128xf32>
      %convert_element_type3A_249 = arith.truncf %squeeze3A_248 : vector<1024x128xf32> to vector<1024x128xbf16>
      %concatenate3A_250 = tpu.concatenate %convert_element_type3A_249, %convert_element_type3A_208 in 1 : vector<1024x128xbf16>, vector<1024x128xbf16> -> vector<1024x256xbf16>
      %dot_general3A_251 = arith.constant dense<0.000000e+00> : vector<1024x512xf32>
      %dot_general3A_252 = tpu.matmul %concatenate3A_250, %get3A_1, %dot_general3A_251 {dimension_numbers = #tpu.dot_dimension_numbers<[1], [0], [0], [1], [0, 0, 1, 1], [], []>, transpose_lhs_hint = false} : vector<1024x256xbf16>, vector<256x512xbf16>, vector<1024x512xf32> -> vector<1024x512xf32>
      %add3A_253 = vector.broadcast %get3A_4 : vector<1x512xf32> to vector<1024x512xf32>
      %add3A_254 = arith.addf %dot_general3A_252, %add3A_253 : vector<1024x512xf32>
      %slice3A_255 = vector.extract_strided_slice %add3A_254 {offsets = [0, 0], sizes = [1024, 128], strides = [1, 1]} : vector<1024x512xf32> to vector<1024x128xf32>
      %tanh3A_256 = math.tanh %slice3A_255 : vector<1024x128xf32>
      %slice3A_257 = vector.extract_strided_slice %add3A_254 {offsets = [0, 128], sizes = [1024, 128], strides = [1, 1]} : vector<1024x512xf32> to vector<1024x128xf32>
      %tanh3A_258 = math.tanh %slice3A_257 : vector<1024x128xf32>
      %slice3A_259 = vector.extract_strided_slice %add3A_254 {offsets = [0, 256], sizes = [1024, 128], strides = [1, 1]} : vector<1024x512xf32> to vector<1024x128xf32>
      %tanh3A_260 = math.tanh %slice3A_259 : vector<1024x128xf32>
      %slice3A_261 = vector.extract_strided_slice %add3A_254 {offsets = [0, 384], sizes = [1024, 128], strides = [1, 1]} : vector<1024x512xf32> to vector<1024x128xf32>
      %tanh3A_262 = math.tanh %slice3A_261 : vector<1024x128xf32>
      %mul3A_263 = arith.mulf %tanh3A_258, %mul3A_201 : vector<1024x128xf32>
      %add3A_264 = arith.addf %mul3A_201, %mul3A_263 : vector<1024x128xf32>
      %mul3A_265 = arith.mulf %tanh3A_256, %tanh3A_260 : vector<1024x128xf32>
      %add3A_266 = arith.addf %tanh3A_260, %mul3A_265 : vector<1024x128xf32>
      %add3A_267 = arith.addf %add3A_264, %add3A_266 : vector<1024x128xf32>
      %mul3A_268 = arith.constant 5.000000e-01 : f32
      %mul3A_269 = vector.broadcast %mul3A_268 : f32 to vector<1024x128xf32>
      %mul3A_270 = arith.mulf %mul3A_269, %add3A_267 : vector<1024x128xf32>
      %tanh3A_271 = math.tanh %mul3A_270 : vector<1024x128xf32>
      %mul3A_272 = arith.mulf %tanh3A_262, %tanh3A_271 : vector<1024x128xf32>
      %add3A_273 = arith.addf %tanh3A_271, %mul3A_272 : vector<1024x128xf32>
      %mul3A_274 = arith.constant 5.000000e-01 : f32
      %mul3A_275 = vector.broadcast %mul3A_274 : f32 to vector<1024x128xf32>
      %mul3A_276 = arith.mulf %mul3A_275, %add3A_273 : vector<1024x128xf32>
      %convert_element_type3A_277 = arith.truncf %mul3A_276 : vector<1024x128xf32> to vector<1024x128xbf16>
      %concatenate3A_278 = tpu.concatenate %convert_element_type3A_277, %convert_element_type3A_236 in 1 : vector<1024x128xbf16>, vector<1024x128xbf16> -> vector<1024x256xbf16>
      %dot_general3A_279 = arith.constant dense<0.000000e+00> : vector<1024x512xf32>
      %dot_general3A_280 = tpu.matmul %concatenate3A_278, %get3A_7, %dot_general3A_279 {dimension_numbers = #tpu.dot_dimension_numbers<[1], [0], [0], [1], [0, 0, 1, 1], [], []>, transpose_lhs_hint = false} : vector<1024x256xbf16>, vector<256x512xbf16>, vector<1024x512xf32> -> vector<1024x512xf32>
      %add3A_281 = vector.broadcast %get3A_10 : vector<1x512xf32> to vector<1024x512xf32>
      %add3A_282 = arith.addf %dot_general3A_280, %add3A_281 : vector<1024x512xf32>
      %slice3A_283 = vector.extract_strided_slice %add3A_282 {offsets = [0, 0], sizes = [1024, 128], strides = [1, 1]} : vector<1024x512xf32> to vector<1024x128xf32>
      %tanh3A_284 = math.tanh %slice3A_283 : vector<1024x128xf32>
      %slice3A_285 = vector.extract_strided_slice %add3A_282 {offsets = [0, 128], sizes = [1024, 128], strides = [1, 1]} : vector<1024x512xf32> to vector<1024x128xf32>
      %tanh3A_286 = math.tanh %slice3A_285 : vector<1024x128xf32>
      %slice3A_287 = vector.extract_strided_slice %add3A_282 {offsets = [0, 256], sizes = [1024, 128], strides = [1, 1]} : vector<1024x512xf32> to vector<1024x128xf32>
      %tanh3A_288 = math.tanh %slice3A_287 : vector<1024x128xf32>
      %slice3A_289 = vector.extract_strided_slice %add3A_282 {offsets = [0, 384], sizes = [1024, 128], strides = [1, 1]} : vector<1024x512xf32> to vector<1024x128xf32>
      %tanh3A_290 = math.tanh %slice3A_289 : vector<1024x128xf32>
      %mul3A_291 = arith.mulf %tanh3A_286, %mul3A_229 : vector<1024x128xf32>
      %add3A_292 = arith.addf %mul3A_229, %mul3A_291 : vector<1024x128xf32>
      %mul3A_293 = arith.mulf %tanh3A_284, %tanh3A_288 : vector<1024x128xf32>
      %add3A_294 = arith.addf %tanh3A_288, %mul3A_293 : vector<1024x128xf32>
      %add3A_295 = arith.addf %add3A_292, %add3A_294 : vector<1024x128xf32>
      %mul3A_296 = arith.constant 5.000000e-01 : f32
      %mul3A_297 = vector.broadcast %mul3A_296 : f32 to vector<1024x128xf32>
      %mul3A_298 = arith.mulf %mul3A_297, %add3A_295 : vector<1024x128xf32>
      %tanh3A_299 = math.tanh %mul3A_298 : vector<1024x128xf32>
      %mul3A_300 = arith.mulf %tanh3A_290, %tanh3A_299 : vector<1024x128xf32>
      %add3A_301 = arith.addf %tanh3A_299, %mul3A_300 : vector<1024x128xf32>
      %mul3A_302 = arith.constant 5.000000e-01 : f32
      %mul3A_303 = vector.broadcast %mul3A_302 : f32 to vector<1024x128xf32>
      %mul3A_304 = arith.mulf %mul3A_303, %add3A_301 : vector<1024x128xf32>
      %convert_element_type3A_305 = arith.truncf %mul3A_304 : vector<1024x128xf32> to vector<1024x128xbf16>
      %mul3A_306 = arith.constant 128 : i32
      %mul3A_307 = arith.muli %scan3A_243, %mul3A_306 : i32
      %swap3A_308 = arith.constant 0 : index
      %swap3A_309 = arith.index_cast %mul3A_307 : i32 to index
      %swap3A_310 = vector.load %arg9[%swap3A_308, %swap3A_309] : memref<1024x4096xbf16, #tpu.memory_space<vmem>>, vector<1024x128xbf16>
      tpu.vector_store %arg9[%swap3A_308, %swap3A_309], %convert_element_type3A_305 {strides = array<i32>} : memref<1024x4096xbf16, #tpu.memory_space<vmem>>, vector<1024x128xbf16>,
      %scan3A_311 = arith.constant 4 : i32
      %scan3A_312 = arith.addi %scan3A_38, %scan3A_311 : i32
      %get3A_313 = arith.index_cast %scan3A_312 : i32 to index
      %get3A_314 = arith.constant 0 : index
      %get3A_315 = arith.constant 0 : index
      %get3A_316 = vector.load %arg1[%get3A_313, %get3A_314, %get3A_315] : memref<32x1024x128xf32, #tpu.memory_space<vmem>>, vector<1x1024x128xf32>
      %squeeze3A_317 = vector.shape_cast %get3A_316 : vector<1x1024x128xf32> to vector<1024x128xf32>
      %convert_element_type3A_318 = arith.truncf %squeeze3A_317 : vector<1024x128xf32> to vector<1024x128xbf16>
      %concatenate3A_319 = tpu.concatenate %convert_element_type3A_318, %convert_element_type3A_277 in 1 : vector<1024x128xbf16>, vector<1024x128xbf16> -> vector<1024x256xbf16>
      %dot_general3A_320 = arith.constant dense<0.000000e+00> : vector<1024x512xf32>
      %dot_general3A_321 = tpu.matmul %concatenate3A_319, %get3A_1, %dot_general3A_320 {dimension_numbers = #tpu.dot_dimension_numbers<[1], [0], [0], [1], [0, 0, 1, 1], [], []>, transpose_lhs_hint = false} : vector<1024x256xbf16>, vector<256x512xbf16>, vector<1024x512xf32> -> vector<1024x512xf32>
      %add3A_322 = vector.broadcast %get3A_4 : vector<1x512xf32> to vector<1024x512xf32>
      %add3A_323 = arith.addf %dot_general3A_321, %add3A_322 : vector<1024x512xf32>
      %slice3A_324 = vector.extract_strided_slice %add3A_323 {offsets = [0, 0], sizes = [1024, 128], strides = [1, 1]} : vector<1024x512xf32> to vector<1024x128xf32>
      %tanh3A_325 = math.tanh %slice3A_324 : vector<1024x128xf32>
      %slice3A_326 = vector.extract_strided_slice %add3A_323 {offsets = [0, 128], sizes = [1024, 128], strides = [1, 1]} : vector<1024x512xf32> to vector<1024x128xf32>
      %tanh3A_327 = math.tanh %slice3A_326 : vector<1024x128xf32>
      %slice3A_328 = vector.extract_strided_slice %add3A_323 {offsets = [0, 256], sizes = [1024, 128], strides = [1, 1]} : vector<1024x512xf32> to vector<1024x128xf32>
      %tanh3A_329 = math.tanh %slice3A_328 : vector<1024x128xf32>
      %slice3A_330 = vector.extract_strided_slice %add3A_323 {offsets = [0, 384], sizes = [1024, 128], strides = [1, 1]} : vector<1024x512xf32> to vector<1024x128xf32>
      %tanh3A_331 = math.tanh %slice3A_330 : vector<1024x128xf32>
      %mul3A_332 = arith.mulf %tanh3A_327, %mul3A_270 : vector<1024x128xf32>
      %add3A_333 = arith.addf %mul3A_270, %mul3A_332 : vector<1024x128xf32>
      %mul3A_334 = arith.mulf %tanh3A_325, %tanh3A_329 : vector<1024x128xf32>
      %add3A_335 = arith.addf %tanh3A_329, %mul3A_334 : vector<1024x128xf32>
      %add3A_336 = arith.addf %add3A_333, %add3A_335 : vector<1024x128xf32>
      %mul3A_337 = arith.constant 5.000000e-01 : f32
      %mul3A_338 = vector.broadcast %mul3A_337 : f32 to vector<1024x128xf32>
      %mul3A_339 = arith.mulf %mul3A_338, %add3A_336 : vector<1024x128xf32>
      %tanh3A_340 = math.tanh %mul3A_339 : vector<1024x128xf32>
      %mul3A_341 = arith.mulf %tanh3A_331, %tanh3A_340 : vector<1024x128xf32>
      %add3A_342 = arith.addf %tanh3A_340, %mul3A_341 : vector<1024x128xf32>
      %mul3A_343 = arith.constant 5.000000e-01 : f32
      %mul3A_344 = vector.broadcast %mul3A_343 : f32 to vector<1024x128xf32>
      %mul3A_345 = arith.mulf %mul3A_344, %add3A_342 : vector<1024x128xf32>
      %convert_element_type3A_346 = arith.truncf %mul3A_345 : vector<1024x128xf32> to vector<1024x128xbf16>
      %concatenate3A_347 = tpu.concatenate %convert_element_type3A_346, %convert_element_type3A_305 in 1 : vector<1024x128xbf16>, vector<1024x128xbf16> -> vector<1024x256xbf16>
      %dot_general3A_348 = arith.constant dense<0.000000e+00> : vector<1024x512xf32>
      %dot_general3A_349 = tpu.matmul %concatenate3A_347, %get3A_7, %dot_general3A_348 {dimension_numbers = #tpu.dot_dimension_numbers<[1], [0], [0], [1], [0, 0, 1, 1], [], []>, transpose_lhs_hint = false} : vector<1024x256xbf16>, vector<256x512xbf16>, vector<1024x512xf32> -> vector<1024x512xf32>
      %add3A_350 = vector.broadcast %get3A_10 : vector<1x512xf32> to vector<1024x512xf32>
      %add3A_351 = arith.addf %dot_general3A_349, %add3A_350 : vector<1024x512xf32>
      %slice3A_352 = vector.extract_strided_slice %add3A_351 {offsets = [0, 0], sizes = [1024, 128], strides = [1, 1]} : vector<1024x512xf32> to vector<1024x128xf32>
      %tanh3A_353 = math.tanh %slice3A_352 : vector<1024x128xf32>
      %slice3A_354 = vector.extract_strided_slice %add3A_351 {offsets = [0, 128], sizes = [1024, 128], strides = [1, 1]} : vector<1024x512xf32> to vector<1024x128xf32>
      %tanh3A_355 = math.tanh %slice3A_354 : vector<1024x128xf32>
      %slice3A_356 = vector.extract_strided_slice %add3A_351 {offsets = [0, 256], sizes = [1024, 128], strides = [1, 1]} : vector<1024x512xf32> to vector<1024x128xf32>
      %tanh3A_357 = math.tanh %slice3A_356 : vector<1024x128xf32>
      %slice3A_358 = vector.extract_strided_slice %add3A_351 {offsets = [0, 384], sizes = [1024, 128], strides = [1, 1]} : vector<1024x512xf32> to vector<1024x128xf32>
      %tanh3A_359 = math.tanh %slice3A_358 : vector<1024x128xf32>
      %mul3A_360 = arith.mulf %tanh3A_355, %mul3A_298 : vector<1024x128xf32>
      %add3A_361 = arith.addf %mul3A_298, %mul3A_360 : vector<1024x128xf32>
      %mul3A_362 = arith.mulf %tanh3A_353, %tanh3A_357 : vector<1024x128xf32>
      %add3A_363 = arith.addf %tanh3A_357, %mul3A_362 : vector<1024x128xf32>
      %add3A_364 = arith.addf %add3A_361, %add3A_363 : vector<1024x128xf32>
      %mul3A_365 = arith.constant 5.000000e-01 : f32
      %mul3A_366 = vector.broadcast %mul3A_365 : f32 to vector<1024x128xf32>
      %mul3A_367 = arith.mulf %mul3A_366, %add3A_364 : vector<1024x128xf32>
      %tanh3A_368 = math.tanh %mul3A_367 : vector<1024x128xf32>
      %mul3A_369 = arith.mulf %tanh3A_359, %tanh3A_368 : vector<1024x128xf32>
      %add3A_370 = arith.addf %tanh3A_368, %mul3A_369 : vector<1024x128xf32>
      %mul3A_371 = arith.constant 5.000000e-01 : f32
      %mul3A_372 = vector.broadcast %mul3A_371 : f32 to vector<1024x128xf32>
      %mul3A_373 = arith.mulf %mul3A_372, %add3A_370 : vector<1024x128xf32>
      %convert_element_type3A_374 = arith.truncf %mul3A_373 : vector<1024x128xf32> to vector<1024x128xbf16>
      %mul3A_375 = arith.constant 128 : i32
      %mul3A_376 = arith.muli %scan3A_312, %mul3A_375 : i32
      %swap3A_377 = arith.constant 0 : index
      %swap3A_378 = arith.index_cast %mul3A_376 : i32 to index
      %swap3A_379 = vector.load %arg9[%swap3A_377, %swap3A_378] : memref<1024x4096xbf16, #tpu.memory_space<vmem>>, vector<1024x128xbf16>
      tpu.vector_store %arg9[%swap3A_377, %swap3A_378], %convert_element_type3A_374 {strides = array<i32>} : memref<1024x4096xbf16, #tpu.memory_space<vmem>>, vector<1024x128xbf16>,
      %scan3A_380 = arith.constant 5 : i32
      %scan3A_381 = arith.addi %scan3A_38, %scan3A_380 : i32
      %get3A_382 = arith.index_cast %scan3A_381 : i32 to index
      %get3A_383 = arith.constant 0 : index
      %get3A_384 = arith.constant 0 : index
      %get3A_385 = vector.load %arg1[%get3A_382, %get3A_383, %get3A_384] : memref<32x1024x128xf32, #tpu.memory_space<vmem>>, vector<1x1024x128xf32>
      %squeeze3A_386 = vector.shape_cast %get3A_385 : vector<1x1024x128xf32> to vector<1024x128xf32>
      %convert_element_type3A_387 = arith.truncf %squeeze3A_386 : vector<1024x128xf32> to vector<1024x128xbf16>
      %concatenate3A_388 = tpu.concatenate %convert_element_type3A_387, %convert_element_type3A_346 in 1 : vector<1024x128xbf16>, vector<1024x128xbf16> -> vector<1024x256xbf16>
      %dot_general3A_389 = arith.constant dense<0.000000e+00> : vector<1024x512xf32>
      %dot_general3A_390 = tpu.matmul %concatenate3A_388, %get3A_1, %dot_general3A_389 {dimension_numbers = #tpu.dot_dimension_numbers<[1], [0], [0], [1], [0, 0, 1, 1], [], []>, transpose_lhs_hint = false} : vector<1024x256xbf16>, vector<256x512xbf16>, vector<1024x512xf32> -> vector<1024x512xf32>
      %add3A_391 = vector.broadcast %get3A_4 : vector<1x512xf32> to vector<1024x512xf32>
      %add3A_392 = arith.addf %dot_general3A_390, %add3A_391 : vector<1024x512xf32>
      %slice3A_393 = vector.extract_strided_slice %add3A_392 {offsets = [0, 0], sizes = [1024, 128], strides = [1, 1]} : vector<1024x512xf32> to vector<1024x128xf32>
      %tanh3A_394 = math.tanh %slice3A_393 : vector<1024x128xf32>
      %slice3A_395 = vector.extract_strided_slice %add3A_392 {offsets = [0, 128], sizes = [1024, 128], strides = [1, 1]} : vector<1024x512xf32> to vector<1024x128xf32>
      %tanh3A_396 = math.tanh %slice3A_395 : vector<1024x128xf32>
      %slice3A_397 = vector.extract_strided_slice %add3A_392 {offsets = [0, 256], sizes = [1024, 128], strides = [1, 1]} : vector<1024x512xf32> to vector<1024x128xf32>
      %tanh3A_398 = math.tanh %slice3A_397 : vector<1024x128xf32>
      %slice3A_399 = vector.extract_strided_slice %add3A_392 {offsets = [0, 384], sizes = [1024, 128], strides = [1, 1]} : vector<1024x512xf32> to vector<1024x128xf32>
      %tanh3A_400 = math.tanh %slice3A_399 : vector<1024x128xf32>
      %mul3A_401 = arith.mulf %tanh3A_396, %mul3A_339 : vector<1024x128xf32>
      %add3A_402 = arith.addf %mul3A_339, %mul3A_401 : vector<1024x128xf32>
      %mul3A_403 = arith.mulf %tanh3A_394, %tanh3A_398 : vector<1024x128xf32>
      %add3A_404 = arith.addf %tanh3A_398, %mul3A_403 : vector<1024x128xf32>
      %add3A_405 = arith.addf %add3A_402, %add3A_404 : vector<1024x128xf32>
      %mul3A_406 = arith.constant 5.000000e-01 : f32
      %mul3A_407 = vector.broadcast %mul3A_406 : f32 to vector<1024x128xf32>
      %mul3A_408 = arith.mulf %mul3A_407, %add3A_405 : vector<1024x128xf32>
      %tanh3A_409 = math.tanh %mul3A_408 : vector<1024x128xf32>
      %mul3A_410 = arith.mulf %tanh3A_400, %tanh3A_409 : vector<1024x128xf32>
      %add3A_411 = arith.addf %tanh3A_409, %mul3A_410 : vector<1024x128xf32>
      %mul3A_412 = arith.constant 5.000000e-01 : f32
      %mul3A_413 = vector.broadcast %mul3A_412 : f32 to vector<1024x128xf32>
      %mul3A_414 = arith.mulf %mul3A_413, %add3A_411 : vector<1024x128xf32>
      %convert_element_type3A_415 = arith.truncf %mul3A_414 : vector<1024x128xf32> to vector<1024x128xbf16>
      %concatenate3A_416 = tpu.concatenate %convert_element_type3A_415, %convert_element_type3A_374 in 1 : vector<1024x128xbf16>, vector<1024x128xbf16> -> vector<1024x256xbf16>
      %dot_general3A_417 = arith.constant dense<0.000000e+00> : vector<1024x512xf32>
      %dot_general3A_418 = tpu.matmul %concatenate3A_416, %get3A_7, %dot_general3A_417 {dimension_numbers = #tpu.dot_dimension_numbers<[1], [0], [0], [1], [0, 0, 1, 1], [], []>, transpose_lhs_hint = false} : vector<1024x256xbf16>, vector<256x512xbf16>, vector<1024x512xf32> -> vector<1024x512xf32>
      %add3A_419 = vector.broadcast %get3A_10 : vector<1x512xf32> to vector<1024x512xf32>
      %add3A_420 = arith.addf %dot_general3A_418, %add3A_419 : vector<1024x512xf32>
      %slice3A_421 = vector.extract_strided_slice %add3A_420 {offsets = [0, 0], sizes = [1024, 128], strides = [1, 1]} : vector<1024x512xf32> to vector<1024x128xf32>
      %tanh3A_422 = math.tanh %slice3A_421 : vector<1024x128xf32>
      %slice3A_423 = vector.extract_strided_slice %add3A_420 {offsets = [0, 128], sizes = [1024, 128], strides = [1, 1]} : vector<1024x512xf32> to vector<1024x128xf32>
      %tanh3A_424 = math.tanh %slice3A_423 : vector<1024x128xf32>
      %slice3A_425 = vector.extract_strided_slice %add3A_420 {offsets = [0, 256], sizes = [1024, 128], strides = [1, 1]} : vector<1024x512xf32> to vector<1024x128xf32>
      %tanh3A_426 = math.tanh %slice3A_425 : vector<1024x128xf32>
      %slice3A_427 = vector.extract_strided_slice %add3A_420 {offsets = [0, 384], sizes = [1024, 128], strides = [1, 1]} : vector<1024x512xf32> to vector<1024x128xf32>
      %tanh3A_428 = math.tanh %slice3A_427 : vector<1024x128xf32>
      %mul3A_429 = arith.mulf %tanh3A_424, %mul3A_367 : vector<1024x128xf32>
      %add3A_430 = arith.addf %mul3A_367, %mul3A_429 : vector<1024x128xf32>
      %mul3A_431 = arith.mulf %tanh3A_422, %tanh3A_426 : vector<1024x128xf32>
      %add3A_432 = arith.addf %tanh3A_426, %mul3A_431 : vector<1024x128xf32>
      %add3A_433 = arith.addf %add3A_430, %add3A_432 : vector<1024x128xf32>
      %mul3A_434 = arith.constant 5.000000e-01 : f32
      %mul3A_435 = vector.broadcast %mul3A_434 : f32 to vector<1024x128xf32>
      %mul3A_436 = arith.mulf %mul3A_435, %add3A_433 : vector<1024x128xf32>
      %tanh3A_437 = math.tanh %mul3A_436 : vector<1024x128xf32>
      %mul3A_438 = arith.mulf %tanh3A_428, %tanh3A_437 : vector<1024x128xf32>
      %add3A_439 = arith.addf %tanh3A_437, %mul3A_438 : vector<1024x128xf32>
      %mul3A_440 = arith.constant 5.000000e-01 : f32
      %mul3A_441 = vector.broadcast %mul3A_440 : f32 to vector<1024x128xf32>
      %mul3A_442 = arith.mulf %mul3A_441, %add3A_439 : vector<1024x128xf32>
      %convert_element_type3A_443 = arith.truncf %mul3A_442 : vector<1024x128xf32> to vector<1024x128xbf16>
      %mul3A_444 = arith.constant 128 : i32
      %mul3A_445 = arith.muli %scan3A_381, %mul3A_444 : i32
      %swap3A_446 = arith.constant 0 : index
      %swap3A_447 = arith.index_cast %mul3A_445 : i32 to index
      %swap3A_448 = vector.load %arg9[%swap3A_446, %swap3A_447] : memref<1024x4096xbf16, #tpu.memory_space<vmem>>, vector<1024x128xbf16>
      tpu.vector_store %arg9[%swap3A_446, %swap3A_447], %convert_element_type3A_443 {strides = array<i32>} : memref<1024x4096xbf16, #tpu.memory_space<vmem>>, vector<1024x128xbf16>,
      %scan3A_449 = arith.constant 6 : i32
      %scan3A_450 = arith.addi %scan3A_38, %scan3A_449 : i32
      %get3A_451 = arith.index_cast %scan3A_450 : i32 to index
      %get3A_452 = arith.constant 0 : index
      %get3A_453 = arith.constant 0 : index
      %get3A_454 = vector.load %arg1[%get3A_451, %get3A_452, %get3A_453] : memref<32x1024x128xf32, #tpu.memory_space<vmem>>, vector<1x1024x128xf32>
      %squeeze3A_455 = vector.shape_cast %get3A_454 : vector<1x1024x128xf32> to vector<1024x128xf32>
      %convert_element_type3A_456 = arith.truncf %squeeze3A_455 : vector<1024x128xf32> to vector<1024x128xbf16>
      %concatenate3A_457 = tpu.concatenate %convert_element_type3A_456, %convert_element_type3A_415 in 1 : vector<1024x128xbf16>, vector<1024x128xbf16> -> vector<1024x256xbf16>
      %dot_general3A_458 = arith.constant dense<0.000000e+00> : vector<1024x512xf32>
      %dot_general3A_459 = tpu.matmul %concatenate3A_457, %get3A_1, %dot_general3A_458 {dimension_numbers = #tpu.dot_dimension_numbers<[1], [0], [0], [1], [0, 0, 1, 1], [], []>, transpose_lhs_hint = false} : vector<1024x256xbf16>, vector<256x512xbf16>, vector<1024x512xf32> -> vector<1024x512xf32>
      %add3A_460 = vector.broadcast %get3A_4 : vector<1x512xf32> to vector<1024x512xf32>
      %add3A_461 = arith.addf %dot_general3A_459, %add3A_460 : vector<1024x512xf32>
      %slice3A_462 = vector.extract_strided_slice %add3A_461 {offsets = [0, 0], sizes = [1024, 128], strides = [1, 1]} : vector<1024x512xf32> to vector<1024x128xf32>
      %tanh3A_463 = math.tanh %slice3A_462 : vector<1024x128xf32>
      %slice3A_464 = vector.extract_strided_slice %add3A_461 {offsets = [0, 128], sizes = [1024, 128], strides = [1, 1]} : vector<1024x512xf32> to vector<1024x128xf32>
      %tanh3A_465 = math.tanh %slice3A_464 : vector<1024x128xf32>
      %slice3A_466 = vector.extract_strided_slice %add3A_461 {offsets = [0, 256], sizes = [1024, 128], strides = [1, 1]} : vector<1024x512xf32> to vector<1024x128xf32>
      %tanh3A_467 = math.tanh %slice3A_466 : vector<1024x128xf32>
      %slice3A_468 = vector.extract_strided_slice %add3A_461 {offsets = [0, 384], sizes = [1024, 128], strides = [1, 1]} : vector<1024x512xf32> to vector<1024x128xf32>
      %tanh3A_469 = math.tanh %slice3A_468 : vector<1024x128xf32>
      %mul3A_470 = arith.mulf %tanh3A_465, %mul3A_408 : vector<1024x128xf32>
      %add3A_471 = arith.addf %mul3A_408, %mul3A_470 : vector<1024x128xf32>
      %mul3A_472 = arith.mulf %tanh3A_463, %tanh3A_467 : vector<1024x128xf32>
      %add3A_473 = arith.addf %tanh3A_467, %mul3A_472 : vector<1024x128xf32>
      %add3A_474 = arith.addf %add3A_471, %add3A_473 : vector<1024x128xf32>
      %mul3A_475 = arith.constant 5.000000e-01 : f32
      %mul3A_476 = vector.broadcast %mul3A_475 : f32 to vector<1024x128xf32>
      %mul3A_477 = arith.mulf %mul3A_476, %add3A_474 : vector<1024x128xf32>
      %tanh3A_478 = math.tanh %mul3A_477 : vector<1024x128xf32>
      %mul3A_479 = arith.mulf %tanh3A_469, %tanh3A_478 : vector<1024x128xf32>
      %add3A_480 = arith.addf %tanh3A_478, %mul3A_479 : vector<1024x128xf32>
      %mul3A_481 = arith.constant 5.000000e-01 : f32
      %mul3A_482 = vector.broadcast %mul3A_481 : f32 to vector<1024x128xf32>
      %mul3A_483 = arith.mulf %mul3A_482, %add3A_480 : vector<1024x128xf32>
      %convert_element_type3A_484 = arith.truncf %mul3A_483 : vector<1024x128xf32> to vector<1024x128xbf16>
      %concatenate3A_485 = tpu.concatenate %convert_element_type3A_484, %convert_element_type3A_443 in 1 : vector<1024x128xbf16>, vector<1024x128xbf16> -> vector<1024x256xbf16>
      %dot_general3A_486 = arith.constant dense<0.000000e+00> : vector<1024x512xf32>
      %dot_general3A_487 = tpu.matmul %concatenate3A_485, %get3A_7, %dot_general3A_486 {dimension_numbers = #tpu.dot_dimension_numbers<[1], [0], [0], [1], [0, 0, 1, 1], [], []>, transpose_lhs_hint = false} : vector<1024x256xbf16>, vector<256x512xbf16>, vector<1024x512xf32> -> vector<1024x512xf32>
      %add3A_488 = vector.broadcast %get3A_10 : vector<1x512xf32> to vector<1024x512xf32>
      %add3A_489 = arith.addf %dot_general3A_487, %add3A_488 : vector<1024x512xf32>
      %slice3A_490 = vector.extract_strided_slice %add3A_489 {offsets = [0, 0], sizes = [1024, 128], strides = [1, 1]} : vector<1024x512xf32> to vector<1024x128xf32>
      %tanh3A_491 = math.tanh %slice3A_490 : vector<1024x128xf32>
      %slice3A_492 = vector.extract_strided_slice %add3A_489 {offsets = [0, 128], sizes = [1024, 128], strides = [1, 1]} : vector<1024x512xf32> to vector<1024x128xf32>
      %tanh3A_493 = math.tanh %slice3A_492 : vector<1024x128xf32>
      %slice3A_494 = vector.extract_strided_slice %add3A_489 {offsets = [0, 256], sizes = [1024, 128], strides = [1, 1]} : vector<1024x512xf32> to vector<1024x128xf32>
      %tanh3A_495 = math.tanh %slice3A_494 : vector<1024x128xf32>
      %slice3A_496 = vector.extract_strided_slice %add3A_489 {offsets = [0, 384], sizes = [1024, 128], strides = [1, 1]} : vector<1024x512xf32> to vector<1024x128xf32>
      %tanh3A_497 = math.tanh %slice3A_496 : vector<1024x128xf32>
      %mul3A_498 = arith.mulf %tanh3A_493, %mul3A_436 : vector<1024x128xf32>
      %add3A_499 = arith.addf %mul3A_436, %mul3A_498 : vector<1024x128xf32>
      %mul3A_500 = arith.mulf %tanh3A_491, %tanh3A_495 : vector<1024x128xf32>
      %add3A_501 = arith.addf %tanh3A_495, %mul3A_500 : vector<1024x128xf32>
      %add3A_502 = arith.addf %add3A_499, %add3A_501 : vector<1024x128xf32>
      %mul3A_503 = arith.constant 5.000000e-01 : f32
      %mul3A_504 = vector.broadcast %mul3A_503 : f32 to vector<1024x128xf32>
      %mul3A_505 = arith.mulf %mul3A_504, %add3A_502 : vector<1024x128xf32>
      %tanh3A_506 = math.tanh %mul3A_505 : vector<1024x128xf32>
      %mul3A_507 = arith.mulf %tanh3A_497, %tanh3A_506 : vector<1024x128xf32>
      %add3A_508 = arith.addf %tanh3A_506, %mul3A_507 : vector<1024x128xf32>
      %mul3A_509 = arith.constant 5.000000e-01 : f32
      %mul3A_510 = vector.broadcast %mul3A_509 : f32 to vector<1024x128xf32>
      %mul3A_511 = arith.mulf %mul3A_510, %add3A_508 : vector<1024x128xf32>
      %convert_element_type3A_512 = arith.truncf %mul3A_511 : vector<1024x128xf32> to vector<1024x128xbf16>
      %mul3A_513 = arith.constant 128 : i32
      %mul3A_514 = arith.muli %scan3A_450, %mul3A_513 : i32
      %swap3A_515 = arith.constant 0 : index
      %swap3A_516 = arith.index_cast %mul3A_514 : i32 to index
      %swap3A_517 = vector.load %arg9[%swap3A_515, %swap3A_516] : memref<1024x4096xbf16, #tpu.memory_space<vmem>>, vector<1024x128xbf16>
      tpu.vector_store %arg9[%swap3A_515, %swap3A_516], %convert_element_type3A_512 {strides = array<i32>} : memref<1024x4096xbf16, #tpu.memory_space<vmem>>, vector<1024x128xbf16>,
      %scan3A_518 = arith.constant 7 : i32
      %scan3A_519 = arith.addi %scan3A_38, %scan3A_518 : i32
      %get3A_520 = arith.index_cast %scan3A_519 : i32 to index
      %get3A_521 = arith.constant 0 : index
      %get3A_522 = arith.constant 0 : index
      %get3A_523 = vector.load %arg1[%get3A_520, %get3A_521, %get3A_522] : memref<32x1024x128xf32, #tpu.memory_space<vmem>>, vector<1x1024x128xf32>
      %squeeze3A_524 = vector.shape_cast %get3A_523 : vector<1x1024x128xf32> to vector<1024x128xf32>
      %convert_element_type3A_525 = arith.truncf %squeeze3A_524 : vector<1024x128xf32> to vector<1024x128xbf16>
      %concatenate3A_526 = tpu.concatenate %convert_element_type3A_525, %convert_element_type3A_484 in 1 : vector<1024x128xbf16>, vector<1024x128xbf16> -> vector<1024x256xbf16>
      %dot_general3A_527 = arith.constant dense<0.000000e+00> : vector<1024x512xf32>
      %dot_general3A_528 = tpu.matmul %concatenate3A_526, %get3A_1, %dot_general3A_527 {dimension_numbers = #tpu.dot_dimension_numbers<[1], [0], [0], [1], [0, 0, 1, 1], [], []>, transpose_lhs_hint = false} : vector<1024x256xbf16>, vector<256x512xbf16>, vector<1024x512xf32> -> vector<1024x512xf32>
      %add3A_529 = vector.broadcast %get3A_4 : vector<1x512xf32> to vector<1024x512xf32>
      %add3A_530 = arith.addf %dot_general3A_528, %add3A_529 : vector<1024x512xf32>
      %slice3A_531 = vector.extract_strided_slice %add3A_530 {offsets = [0, 0], sizes = [1024, 128], strides = [1, 1]} : vector<1024x512xf32> to vector<1024x128xf32>
      %tanh3A_532 = math.tanh %slice3A_531 : vector<1024x128xf32>
      %slice3A_533 = vector.extract_strided_slice %add3A_530 {offsets = [0, 128], sizes = [1024, 128], strides = [1, 1]} : vector<1024x512xf32> to vector<1024x128xf32>
      %tanh3A_534 = math.tanh %slice3A_533 : vector<1024x128xf32>
      %slice3A_535 = vector.extract_strided_slice %add3A_530 {offsets = [0, 256], sizes = [1024, 128], strides = [1, 1]} : vector<1024x512xf32> to vector<1024x128xf32>
      %tanh3A_536 = math.tanh %slice3A_535 : vector<1024x128xf32>
      %slice3A_537 = vector.extract_strided_slice %add3A_530 {offsets = [0, 384], sizes = [1024, 128], strides = [1, 1]} : vector<1024x512xf32> to vector<1024x128xf32>
      %tanh3A_538 = math.tanh %slice3A_537 : vector<1024x128xf32>
      %mul3A_539 = arith.mulf %tanh3A_534, %mul3A_477 : vector<1024x128xf32>
      %add3A_540 = arith.addf %mul3A_477, %mul3A_539 : vector<1024x128xf32>
      %mul3A_541 = arith.mulf %tanh3A_532, %tanh3A_536 : vector<1024x128xf32>
      %add3A_542 = arith.addf %tanh3A_536, %mul3A_541 : vector<1024x128xf32>
      %add3A_543 = arith.addf %add3A_540, %add3A_542 : vector<1024x128xf32>
      %mul3A_544 = arith.constant 5.000000e-01 : f32
      %mul3A_545 = vector.broadcast %mul3A_544 : f32 to vector<1024x128xf32>
      %mul3A_546 = arith.mulf %mul3A_545, %add3A_543 : vector<1024x128xf32>
      %tanh3A_547 = math.tanh %mul3A_546 : vector<1024x128xf32>
      %mul3A_548 = arith.mulf %tanh3A_538, %tanh3A_547 : vector<1024x128xf32>
      %add3A_549 = arith.addf %tanh3A_547, %mul3A_548 : vector<1024x128xf32>
      %mul3A_550 = arith.constant 5.000000e-01 : f32
      %mul3A_551 = vector.broadcast %mul3A_550 : f32 to vector<1024x128xf32>
      %mul3A_552 = arith.mulf %mul3A_551, %add3A_549 : vector<1024x128xf32>
      %convert_element_type3A_553 = arith.truncf %mul3A_552 : vector<1024x128xf32> to vector<1024x128xbf16>
      %concatenate3A_554 = tpu.concatenate %convert_element_type3A_553, %convert_element_type3A_512 in 1 : vector<1024x128xbf16>, vector<1024x128xbf16> -> vector<1024x256xbf16>
      %dot_general3A_555 = arith.constant dense<0.000000e+00> : vector<1024x512xf32>
      %dot_general3A_556 = tpu.matmul %concatenate3A_554, %get3A_7, %dot_general3A_555 {dimension_numbers = #tpu.dot_dimension_numbers<[1], [0], [0], [1], [0, 0, 1, 1], [], []>, transpose_lhs_hint = false} : vector<1024x256xbf16>, vector<256x512xbf16>, vector<1024x512xf32> -> vector<1024x512xf32>
      %add3A_557 = vector.broadcast %get3A_10 : vector<1x512xf32> to vector<1024x512xf32>
      %add3A_558 = arith.addf %dot_general3A_556, %add3A_557 : vector<1024x512xf32>
      %slice3A_559 = vector.extract_strided_slice %add3A_558 {offsets = [0, 0], sizes = [1024, 128], strides = [1, 1]} : vector<1024x512xf32> to vector<1024x128xf32>
      %tanh3A_560 = math.tanh %slice3A_559 : vector<1024x128xf32>
      %slice3A_561 = vector.extract_strided_slice %add3A_558 {offsets = [0, 128], sizes = [1024, 128], strides = [1, 1]} : vector<1024x512xf32> to vector<1024x128xf32>
      %tanh3A_562 = math.tanh %slice3A_561 : vector<1024x128xf32>
      %slice3A_563 = vector.extract_strided_slice %add3A_558 {offsets = [0, 256], sizes = [1024, 128], strides = [1, 1]} : vector<1024x512xf32> to vector<1024x128xf32>
      %tanh3A_564 = math.tanh %slice3A_563 : vector<1024x128xf32>
      %slice3A_565 = vector.extract_strided_slice %add3A_558 {offsets = [0, 384], sizes = [1024, 128], strides = [1, 1]} : vector<1024x512xf32> to vector<1024x128xf32>
      %tanh3A_566 = math.tanh %slice3A_565 : vector<1024x128xf32>
      %mul3A_567 = arith.mulf %tanh3A_562, %mul3A_505 : vector<1024x128xf32>
      %add3A_568 = arith.addf %mul3A_505, %mul3A_567 : vector<1024x128xf32>
      %mul3A_569 = arith.mulf %tanh3A_560, %tanh3A_564 : vector<1024x128xf32>
      %add3A_570 = arith.addf %tanh3A_564, %mul3A_569 : vector<1024x128xf32>
      %add3A_571 = arith.addf %add3A_568, %add3A_570 : vector<1024x128xf32>
      %mul3A_572 = arith.constant 5.000000e-01 : f32
      %mul3A_573 = vector.broadcast %mul3A_572 : f32 to vector<1024x128xf32>
      %mul3A_574 = arith.mulf %mul3A_573, %add3A_571 : vector<1024x128xf32>
      %tanh3A_575 = math.tanh %mul3A_574 : vector<1024x128xf32>
      %mul3A_576 = arith.mulf %tanh3A_566, %tanh3A_575 : vector<1024x128xf32>
      %add3A_577 = arith.addf %tanh3A_575, %mul3A_576 : vector<1024x128xf32>
      %mul3A_578 = arith.constant 5.000000e-01 : f32
      %mul3A_579 = vector.broadcast %mul3A_578 : f32 to vector<1024x128xf32>
      %mul3A_580 = arith.mulf %mul3A_579, %add3A_577 : vector<1024x128xf32>
      %convert_element_type3A_581 = arith.truncf %mul3A_580 : vector<1024x128xf32> to vector<1024x128xbf16>
      %mul3A_582 = arith.constant 128 : i32
      %mul3A_583 = arith.muli %scan3A_519, %mul3A_582 : i32
      %swap3A_584 = arith.constant 0 : index
      %swap3A_585 = arith.index_cast %mul3A_583 : i32 to index
      %swap3A_586 = vector.load %arg9[%swap3A_584, %swap3A_585] : memref<1024x4096xbf16, #tpu.memory_space<vmem>>, vector<1024x128xbf16>
      tpu.vector_store %arg9[%swap3A_584, %swap3A_585], %convert_element_type3A_581 {strides = array<i32>} : memref<1024x4096xbf16, #tpu.memory_space<vmem>>, vector<1024x128xbf16>,
      %scan3A_587 = arith.constant 8 : i32
      %scan3A_588 = arith.addi %scan3A_38, %scan3A_587 : i32
      %get3A_589 = arith.index_cast %scan3A_588 : i32 to index
      %get3A_590 = arith.constant 0 : index
      %get3A_591 = arith.constant 0 : index
      %get3A_592 = vector.load %arg1[%get3A_589, %get3A_590, %get3A_591] : memref<32x1024x128xf32, #tpu.memory_space<vmem>>, vector<1x1024x128xf32>
      %squeeze3A_593 = vector.shape_cast %get3A_592 : vector<1x1024x128xf32> to vector<1024x128xf32>
      %convert_element_type3A_594 = arith.truncf %squeeze3A_593 : vector<1024x128xf32> to vector<1024x128xbf16>
      %concatenate3A_595 = tpu.concatenate %convert_element_type3A_594, %convert_element_type3A_553 in 1 : vector<1024x128xbf16>, vector<1024x128xbf16> -> vector<1024x256xbf16>
      %dot_general3A_596 = arith.constant dense<0.000000e+00> : vector<1024x512xf32>
      %dot_general3A_597 = tpu.matmul %concatenate3A_595, %get3A_1, %dot_general3A_596 {dimension_numbers = #tpu.dot_dimension_numbers<[1], [0], [0], [1], [0, 0, 1, 1], [], []>, transpose_lhs_hint = false} : vector<1024x256xbf16>, vector<256x512xbf16>, vector<1024x512xf32> -> vector<1024x512xf32>
      %add3A_598 = vector.broadcast %get3A_4 : vector<1x512xf32> to vector<1024x512xf32>
      %add3A_599 = arith.addf %dot_general3A_597, %add3A_598 : vector<1024x512xf32>
      %slice3A_600 = vector.extract_strided_slice %add3A_599 {offsets = [0, 0], sizes = [1024, 128], strides = [1, 1]} : vector<1024x512xf32> to vector<1024x128xf32>
      %tanh3A_601 = math.tanh %slice3A_600 : vector<1024x128xf32>
      %slice3A_602 = vector.extract_strided_slice %add3A_599 {offsets = [0, 128], sizes = [1024, 128], strides = [1, 1]} : vector<1024x512xf32> to vector<1024x128xf32>
      %tanh3A_603 = math.tanh %slice3A_602 : vector<1024x128xf32>
      %slice3A_604 = vector.extract_strided_slice %add3A_599 {offsets = [0, 256], sizes = [1024, 128], strides = [1, 1]} : vector<1024x512xf32> to vector<1024x128xf32>
      %tanh3A_605 = math.tanh %slice3A_604 : vector<1024x128xf32>
      %slice3A_606 = vector.extract_strided_slice %add3A_599 {offsets = [0, 384], sizes = [1024, 128], strides = [1, 1]} : vector<1024x512xf32> to vector<1024x128xf32>
      %tanh3A_607 = math.tanh %slice3A_606 : vector<1024x128xf32>
      %mul3A_608 = arith.mulf %tanh3A_603, %mul3A_546 : vector<1024x128xf32>
      %add3A_609 = arith.addf %mul3A_546, %mul3A_608 : vector<1024x128xf32>
      %mul3A_610 = arith.mulf %tanh3A_601, %tanh3A_605 : vector<1024x128xf32>
      %add3A_611 = arith.addf %tanh3A_605, %mul3A_610 : vector<1024x128xf32>
      %add3A_612 = arith.addf %add3A_609, %add3A_611 : vector<1024x128xf32>
      %mul3A_613 = arith.constant 5.000000e-01 : f32
      %mul3A_614 = vector.broadcast %mul3A_613 : f32 to vector<1024x128xf32>
      %mul3A_615 = arith.mulf %mul3A_614, %add3A_612 : vector<1024x128xf32>
      %tanh3A_616 = math.tanh %mul3A_615 : vector<1024x128xf32>
      %mul3A_617 = arith.mulf %tanh3A_607, %tanh3A_616 : vector<1024x128xf32>
      %add3A_618 = arith.addf %tanh3A_616, %mul3A_617 : vector<1024x128xf32>
      %mul3A_619 = arith.constant 5.000000e-01 : f32
      %mul3A_620 = vector.broadcast %mul3A_619 : f32 to vector<1024x128xf32>
      %mul3A_621 = arith.mulf %mul3A_620, %add3A_618 : vector<1024x128xf32>
      %convert_element_type3A_622 = arith.truncf %mul3A_621 : vector<1024x128xf32> to vector<1024x128xbf16>
      %concatenate3A_623 = tpu.concatenate %convert_element_type3A_622, %convert_element_type3A_581 in 1 : vector<1024x128xbf16>, vector<1024x128xbf16> -> vector<1024x256xbf16>
      %dot_general3A_624 = arith.constant dense<0.000000e+00> : vector<1024x512xf32>
      %dot_general3A_625 = tpu.matmul %concatenate3A_623, %get3A_7, %dot_general3A_624 {dimension_numbers = #tpu.dot_dimension_numbers<[1], [0], [0], [1], [0, 0, 1, 1], [], []>, transpose_lhs_hint = false} : vector<1024x256xbf16>, vector<256x512xbf16>, vector<1024x512xf32> -> vector<1024x512xf32>
      %add3A_626 = vector.broadcast %get3A_10 : vector<1x512xf32> to vector<1024x512xf32>
      %add3A_627 = arith.addf %dot_general3A_625, %add3A_626 : vector<1024x512xf32>
      %slice3A_628 = vector.extract_strided_slice %add3A_627 {offsets = [0, 0], sizes = [1024, 128], strides = [1, 1]} : vector<1024x512xf32> to vector<1024x128xf32>
      %tanh3A_629 = math.tanh %slice3A_628 : vector<1024x128xf32>
      %slice3A_630 = vector.extract_strided_slice %add3A_627 {offsets = [0, 128], sizes = [1024, 128], strides = [1, 1]} : vector<1024x512xf32> to vector<1024x128xf32>
      %tanh3A_631 = math.tanh %slice3A_630 : vector<1024x128xf32>
      %slice3A_632 = vector.extract_strided_slice %add3A_627 {offsets = [0, 256], sizes = [1024, 128], strides = [1, 1]} : vector<1024x512xf32> to vector<1024x128xf32>
      %tanh3A_633 = math.tanh %slice3A_632 : vector<1024x128xf32>
      %slice3A_634 = vector.extract_strided_slice %add3A_627 {offsets = [0, 384], sizes = [1024, 128], strides = [1, 1]} : vector<1024x512xf32> to vector<1024x128xf32>
      %tanh3A_635 = math.tanh %slice3A_634 : vector<1024x128xf32>
      %mul3A_636 = arith.mulf %tanh3A_631, %mul3A_574 : vector<1024x128xf32>
      %add3A_637 = arith.addf %mul3A_574, %mul3A_636 : vector<1024x128xf32>
      %mul3A_638 = arith.mulf %tanh3A_629, %tanh3A_633 : vector<1024x128xf32>
      %add3A_639 = arith.addf %tanh3A_633, %mul3A_638 : vector<1024x128xf32>
      %add3A_640 = arith.addf %add3A_637, %add3A_639 : vector<1024x128xf32>
      %mul3A_641 = arith.constant 5.000000e-01 : f32
      %mul3A_642 = vector.broadcast %mul3A_641 : f32 to vector<1024x128xf32>
      %mul3A_643 = arith.mulf %mul3A_642, %add3A_640 : vector<1024x128xf32>
      %tanh3A_644 = math.tanh %mul3A_643 : vector<1024x128xf32>
      %mul3A_645 = arith.mulf %tanh3A_635, %tanh3A_644 : vector<1024x128xf32>
      %add3A_646 = arith.addf %tanh3A_644, %mul3A_645 : vector<1024x128xf32>
      %mul3A_647 = arith.constant 5.000000e-01 : f32
      %mul3A_648 = vector.broadcast %mul3A_647 : f32 to vector<1024x128xf32>
      %mul3A_649 = arith.mulf %mul3A_648, %add3A_646 : vector<1024x128xf32>
      %convert_element_type3A_650 = arith.truncf %mul3A_649 : vector<1024x128xf32> to vector<1024x128xbf16>
      %mul3A_651 = arith.constant 128 : i32
      %mul3A_652 = arith.muli %scan3A_588, %mul3A_651 : i32
      %swap3A_653 = arith.constant 0 : index
      %swap3A_654 = arith.index_cast %mul3A_652 : i32 to index
      %swap3A_655 = vector.load %arg9[%swap3A_653, %swap3A_654] : memref<1024x4096xbf16, #tpu.memory_space<vmem>>, vector<1024x128xbf16>
      tpu.vector_store %arg9[%swap3A_653, %swap3A_654], %convert_element_type3A_650 {strides = array<i32>} : memref<1024x4096xbf16, #tpu.memory_space<vmem>>, vector<1024x128xbf16>,
      %scan3A_656 = arith.constant 9 : i32
      %scan3A_657 = arith.addi %scan3A_38, %scan3A_656 : i32
      %get3A_658 = arith.index_cast %scan3A_657 : i32 to index
      %get3A_659 = arith.constant 0 : index
      %get3A_660 = arith.constant 0 : index
      %get3A_661 = vector.load %arg1[%get3A_658, %get3A_659, %get3A_660] : memref<32x1024x128xf32, #tpu.memory_space<vmem>>, vector<1x1024x128xf32>
      %squeeze3A_662 = vector.shape_cast %get3A_661 : vector<1x1024x128xf32> to vector<1024x128xf32>
      %convert_element_type3A_663 = arith.truncf %squeeze3A_662 : vector<1024x128xf32> to vector<1024x128xbf16>
      %concatenate3A_664 = tpu.concatenate %convert_element_type3A_663, %convert_element_type3A_622 in 1 : vector<1024x128xbf16>, vector<1024x128xbf16> -> vector<1024x256xbf16>
      %dot_general3A_665 = arith.constant dense<0.000000e+00> : vector<1024x512xf32>
      %dot_general3A_666 = tpu.matmul %concatenate3A_664, %get3A_1, %dot_general3A_665 {dimension_numbers = #tpu.dot_dimension_numbers<[1], [0], [0], [1], [0, 0, 1, 1], [], []>, transpose_lhs_hint = false} : vector<1024x256xbf16>, vector<256x512xbf16>, vector<1024x512xf32> -> vector<1024x512xf32>
      %add3A_667 = vector.broadcast %get3A_4 : vector<1x512xf32> to vector<1024x512xf32>
      %add3A_668 = arith.addf %dot_general3A_666, %add3A_667 : vector<1024x512xf32>
      %slice3A_669 = vector.extract_strided_slice %add3A_668 {offsets = [0, 0], sizes = [1024, 128], strides = [1, 1]} : vector<1024x512xf32> to vector<1024x128xf32>
      %tanh3A_670 = math.tanh %slice3A_669 : vector<1024x128xf32>
      %slice3A_671 = vector.extract_strided_slice %add3A_668 {offsets = [0, 128], sizes = [1024, 128], strides = [1, 1]} : vector<1024x512xf32> to vector<1024x128xf32>
      %tanh3A_672 = math.tanh %slice3A_671 : vector<1024x128xf32>
      %slice3A_673 = vector.extract_strided_slice %add3A_668 {offsets = [0, 256], sizes = [1024, 128], strides = [1, 1]} : vector<1024x512xf32> to vector<1024x128xf32>
      %tanh3A_674 = math.tanh %slice3A_673 : vector<1024x128xf32>
      %slice3A_675 = vector.extract_strided_slice %add3A_668 {offsets = [0, 384], sizes = [1024, 128], strides = [1, 1]} : vector<1024x512xf32> to vector<1024x128xf32>
      %tanh3A_676 = math.tanh %slice3A_675 : vector<1024x128xf32>
      %mul3A_677 = arith.mulf %tanh3A_672, %mul3A_615 : vector<1024x128xf32>
      %add3A_678 = arith.addf %mul3A_615, %mul3A_677 : vector<1024x128xf32>
      %mul3A_679 = arith.mulf %tanh3A_670, %tanh3A_674 : vector<1024x128xf32>
      %add3A_680 = arith.addf %tanh3A_674, %mul3A_679 : vector<1024x128xf32>
      %add3A_681 = arith.addf %add3A_678, %add3A_680 : vector<1024x128xf32>
      %mul3A_682 = arith.constant 5.000000e-01 : f32
      %mul3A_683 = vector.broadcast %mul3A_682 : f32 to vector<1024x128xf32>
      %mul3A_684 = arith.mulf %mul3A_683, %add3A_681 : vector<1024x128xf32>
      %tanh3A_685 = math.tanh %mul3A_684 : vector<1024x128xf32>
      %mul3A_686 = arith.mulf %tanh3A_676, %tanh3A_685 : vector<1024x128xf32>
      %add3A_687 = arith.addf %tanh3A_685, %mul3A_686 : vector<1024x128xf32>
      %mul3A_688 = arith.constant 5.000000e-01 : f32
      %mul3A_689 = vector.broadcast %mul3A_688 : f32 to vector<1024x128xf32>
      %mul3A_690 = arith.mulf %mul3A_689, %add3A_687 : vector<1024x128xf32>
      %convert_element_type3A_691 = arith.truncf %mul3A_690 : vector<1024x128xf32> to vector<1024x128xbf16>
      %concatenate3A_692 = tpu.concatenate %convert_element_type3A_691, %convert_element_type3A_650 in 1 : vector<1024x128xbf16>, vector<1024x128xbf16> -> vector<1024x256xbf16>
      %dot_general3A_693 = arith.constant dense<0.000000e+00> : vector<1024x512xf32>
      %dot_general3A_694 = tpu.matmul %concatenate3A_692, %get3A_7, %dot_general3A_693 {dimension_numbers = #tpu.dot_dimension_numbers<[1], [0], [0], [1], [0, 0, 1, 1], [], []>, transpose_lhs_hint = false} : vector<1024x256xbf16>, vector<256x512xbf16>, vector<1024x512xf32> -> vector<1024x512xf32>
      %add3A_695 = vector.broadcast %get3A_10 : vector<1x512xf32> to vector<1024x512xf32>
      %add3A_696 = arith.addf %dot_general3A_694, %add3A_695 : vector<1024x512xf32>
      %slice3A_697 = vector.extract_strided_slice %add3A_696 {offsets = [0, 0], sizes = [1024, 128], strides = [1, 1]} : vector<1024x512xf32> to vector<1024x128xf32>
      %tanh3A_698 = math.tanh %slice3A_697 : vector<1024x128xf32>
      %slice3A_699 = vector.extract_strided_slice %add3A_696 {offsets = [0, 128], sizes = [1024, 128], strides = [1, 1]} : vector<1024x512xf32> to vector<1024x128xf32>
      %tanh3A_700 = math.tanh %slice3A_699 : vector<1024x128xf32>
      %slice3A_701 = vector.extract_strided_slice %add3A_696 {offsets = [0, 256], sizes = [1024, 128], strides = [1, 1]} : vector<1024x512xf32> to vector<1024x128xf32>
      %tanh3A_702 = math.tanh %slice3A_701 : vector<1024x128xf32>
      %slice3A_703 = vector.extract_strided_slice %add3A_696 {offsets = [0, 384], sizes = [1024, 128], strides = [1, 1]} : vector<1024x512xf32> to vector<1024x128xf32>
      %tanh3A_704 = math.tanh %slice3A_703 : vector<1024x128xf32>
      %mul3A_705 = arith.mulf %tanh3A_700, %mul3A_643 : vector<1024x128xf32>
      %add3A_706 = arith.addf %mul3A_643, %mul3A_705 : vector<1024x128xf32>
      %mul3A_707 = arith.mulf %tanh3A_698, %tanh3A_702 : vector<1024x128xf32>
      %add3A_708 = arith.addf %tanh3A_702, %mul3A_707 : vector<1024x128xf32>
      %add3A_709 = arith.addf %add3A_706, %add3A_708 : vector<1024x128xf32>
      %mul3A_710 = arith.constant 5.000000e-01 : f32
      %mul3A_711 = vector.broadcast %mul3A_710 : f32 to vector<1024x128xf32>
      %mul3A_712 = arith.mulf %mul3A_711, %add3A_709 : vector<1024x128xf32>
      %tanh3A_713 = math.tanh %mul3A_712 : vector<1024x128xf32>
      %mul3A_714 = arith.mulf %tanh3A_704, %tanh3A_713 : vector<1024x128xf32>
      %add3A_715 = arith.addf %tanh3A_713, %mul3A_714 : vector<1024x128xf32>
      %mul3A_716 = arith.constant 5.000000e-01 : f32
      %mul3A_717 = vector.broadcast %mul3A_716 : f32 to vector<1024x128xf32>
      %mul3A_718 = arith.mulf %mul3A_717, %add3A_715 : vector<1024x128xf32>
      %convert_element_type3A_719 = arith.truncf %mul3A_718 : vector<1024x128xf32> to vector<1024x128xbf16>
      %mul3A_720 = arith.constant 128 : i32
      %mul3A_721 = arith.muli %scan3A_657, %mul3A_720 : i32
      %swap3A_722 = arith.constant 0 : index
      %swap3A_723 = arith.index_cast %mul3A_721 : i32 to index
      %swap3A_724 = vector.load %arg9[%swap3A_722, %swap3A_723] : memref<1024x4096xbf16, #tpu.memory_space<vmem>>, vector<1024x128xbf16>
      tpu.vector_store %arg9[%swap3A_722, %swap3A_723], %convert_element_type3A_719 {strides = array<i32>} : memref<1024x4096xbf16, #tpu.memory_space<vmem>>, vector<1024x128xbf16>,
      %scan3A_725 = arith.constant 10 : i32
      %scan3A_726 = arith.addi %scan3A_38, %scan3A_725 : i32
      %get3A_727 = arith.index_cast %scan3A_726 : i32 to index
      %get3A_728 = arith.constant 0 : index
      %get3A_729 = arith.constant 0 : index
      %get3A_730 = vector.load %arg1[%get3A_727, %get3A_728, %get3A_729] : memref<32x1024x128xf32, #tpu.memory_space<vmem>>, vector<1x1024x128xf32>
      %squeeze3A_731 = vector.shape_cast %get3A_730 : vector<1x1024x128xf32> to vector<1024x128xf32>
      %convert_element_type3A_732 = arith.truncf %squeeze3A_731 : vector<1024x128xf32> to vector<1024x128xbf16>
      %concatenate3A_733 = tpu.concatenate %convert_element_type3A_732, %convert_element_type3A_691 in 1 : vector<1024x128xbf16>, vector<1024x128xbf16> -> vector<1024x256xbf16>
      %dot_general3A_734 = arith.constant dense<0.000000e+00> : vector<1024x512xf32>
      %dot_general3A_735 = tpu.matmul %concatenate3A_733, %get3A_1, %dot_general3A_734 {dimension_numbers = #tpu.dot_dimension_numbers<[1], [0], [0], [1], [0, 0, 1, 1], [], []>, transpose_lhs_hint = false} : vector<1024x256xbf16>, vector<256x512xbf16>, vector<1024x512xf32> -> vector<1024x512xf32>
      %add3A_736 = vector.broadcast %get3A_4 : vector<1x512xf32> to vector<1024x512xf32>
      %add3A_737 = arith.addf %dot_general3A_735, %add3A_736 : vector<1024x512xf32>
      %slice3A_738 = vector.extract_strided_slice %add3A_737 {offsets = [0, 0], sizes = [1024, 128], strides = [1, 1]} : vector<1024x512xf32> to vector<1024x128xf32>
      %tanh3A_739 = math.tanh %slice3A_738 : vector<1024x128xf32>
      %slice3A_740 = vector.extract_strided_slice %add3A_737 {offsets = [0, 128], sizes = [1024, 128], strides = [1, 1]} : vector<1024x512xf32> to vector<1024x128xf32>
      %tanh3A_741 = math.tanh %slice3A_740 : vector<1024x128xf32>
      %slice3A_742 = vector.extract_strided_slice %add3A_737 {offsets = [0, 256], sizes = [1024, 128], strides = [1, 1]} : vector<1024x512xf32> to vector<1024x128xf32>
      %tanh3A_743 = math.tanh %slice3A_742 : vector<1024x128xf32>
      %slice3A_744 = vector.extract_strided_slice %add3A_737 {offsets = [0, 384], sizes = [1024, 128], strides = [1, 1]} : vector<1024x512xf32> to vector<1024x128xf32>
      %tanh3A_745 = math.tanh %slice3A_744 : vector<1024x128xf32>
      %mul3A_746 = arith.mulf %tanh3A_741, %mul3A_684 : vector<1024x128xf32>
      %add3A_747 = arith.addf %mul3A_684, %mul3A_746 : vector<1024x128xf32>
      %mul3A_748 = arith.mulf %tanh3A_739, %tanh3A_743 : vector<1024x128xf32>
      %add3A_749 = arith.addf %tanh3A_743, %mul3A_748 : vector<1024x128xf32>
      %add3A_750 = arith.addf %add3A_747, %add3A_749 : vector<1024x128xf32>
      %mul3A_751 = arith.constant 5.000000e-01 : f32
      %mul3A_752 = vector.broadcast %mul3A_751 : f32 to vector<1024x128xf32>
      %mul3A_753 = arith.mulf %mul3A_752, %add3A_750 : vector<1024x128xf32>
      %tanh3A_754 = math.tanh %mul3A_753 : vector<1024x128xf32>
      %mul3A_755 = arith.mulf %tanh3A_745, %tanh3A_754 : vector<1024x128xf32>
      %add3A_756 = arith.addf %tanh3A_754, %mul3A_755 : vector<1024x128xf32>
      %mul3A_757 = arith.constant 5.000000e-01 : f32
      %mul3A_758 = vector.broadcast %mul3A_757 : f32 to vector<1024x128xf32>
      %mul3A_759 = arith.mulf %mul3A_758, %add3A_756 : vector<1024x128xf32>
      %convert_element_type3A_760 = arith.truncf %mul3A_759 : vector<1024x128xf32> to vector<1024x128xbf16>
      %concatenate3A_761 = tpu.concatenate %convert_element_type3A_760, %convert_element_type3A_719 in 1 : vector<1024x128xbf16>, vector<1024x128xbf16> -> vector<1024x256xbf16>
      %dot_general3A_762 = arith.constant dense<0.000000e+00> : vector<1024x512xf32>
      %dot_general3A_763 = tpu.matmul %concatenate3A_761, %get3A_7, %dot_general3A_762 {dimension_numbers = #tpu.dot_dimension_numbers<[1], [0], [0], [1], [0, 0, 1, 1], [], []>, transpose_lhs_hint = false} : vector<1024x256xbf16>, vector<256x512xbf16>, vector<1024x512xf32> -> vector<1024x512xf32>
      %add3A_764 = vector.broadcast %get3A_10 : vector<1x512xf32> to vector<1024x512xf32>
      %add3A_765 = arith.addf %dot_general3A_763, %add3A_764 : vector<1024x512xf32>
      %slice3A_766 = vector.extract_strided_slice %add3A_765 {offsets = [0, 0], sizes = [1024, 128], strides = [1, 1]} : vector<1024x512xf32> to vector<1024x128xf32>
      %tanh3A_767 = math.tanh %slice3A_766 : vector<1024x128xf32>
      %slice3A_768 = vector.extract_strided_slice %add3A_765 {offsets = [0, 128], sizes = [1024, 128], strides = [1, 1]} : vector<1024x512xf32> to vector<1024x128xf32>
      %tanh3A_769 = math.tanh %slice3A_768 : vector<1024x128xf32>
      %slice3A_770 = vector.extract_strided_slice %add3A_765 {offsets = [0, 256], sizes = [1024, 128], strides = [1, 1]} : vector<1024x512xf32> to vector<1024x128xf32>
      %tanh3A_771 = math.tanh %slice3A_770 : vector<1024x128xf32>
      %slice3A_772 = vector.extract_strided_slice %add3A_765 {offsets = [0, 384], sizes = [1024, 128], strides = [1, 1]} : vector<1024x512xf32> to vector<1024x128xf32>
      %tanh3A_773 = math.tanh %slice3A_772 : vector<1024x128xf32>
      %mul3A_774 = arith.mulf %tanh3A_769, %mul3A_712 : vector<1024x128xf32>
      %add3A_775 = arith.addf %mul3A_712, %mul3A_774 : vector<1024x128xf32>
      %mul3A_776 = arith.mulf %tanh3A_767, %tanh3A_771 : vector<1024x128xf32>
      %add3A_777 = arith.addf %tanh3A_771, %mul3A_776 : vector<1024x128xf32>
      %add3A_778 = arith.addf %add3A_775, %add3A_777 : vector<1024x128xf32>
      %mul3A_779 = arith.constant 5.000000e-01 : f32
      %mul3A_780 = vector.broadcast %mul3A_779 : f32 to vector<1024x128xf32>
      %mul3A_781 = arith.mulf %mul3A_780, %add3A_778 : vector<1024x128xf32>
      %tanh3A_782 = math.tanh %mul3A_781 : vector<1024x128xf32>
      %mul3A_783 = arith.mulf %tanh3A_773, %tanh3A_782 : vector<1024x128xf32>
      %add3A_784 = arith.addf %tanh3A_782, %mul3A_783 : vector<1024x128xf32>
      %mul3A_785 = arith.constant 5.000000e-01 : f32
      %mul3A_786 = vector.broadcast %mul3A_785 : f32 to vector<1024x128xf32>
      %mul3A_787 = arith.mulf %mul3A_786, %add3A_784 : vector<1024x128xf32>
      %convert_element_type3A_788 = arith.truncf %mul3A_787 : vector<1024x128xf32> to vector<1024x128xbf16>
      %mul3A_789 = arith.constant 128 : i32
      %mul3A_790 = arith.muli %scan3A_726, %mul3A_789 : i32
      %swap3A_791 = arith.constant 0 : index
      %swap3A_792 = arith.index_cast %mul3A_790 : i32 to index
      %swap3A_793 = vector.load %arg9[%swap3A_791, %swap3A_792] : memref<1024x4096xbf16, #tpu.memory_space<vmem>>, vector<1024x128xbf16>
      tpu.vector_store %arg9[%swap3A_791, %swap3A_792], %convert_element_type3A_788 {strides = array<i32>} : memref<1024x4096xbf16, #tpu.memory_space<vmem>>, vector<1024x128xbf16>,
      %scan3A_794 = arith.constant 11 : i32
      %scan3A_795 = arith.addi %scan3A_38, %scan3A_794 : i32
      %get3A_796 = arith.index_cast %scan3A_795 : i32 to index
      %get3A_797 = arith.constant 0 : index
      %get3A_798 = arith.constant 0 : index
      %get3A_799 = vector.load %arg1[%get3A_796, %get3A_797, %get3A_798] : memref<32x1024x128xf32, #tpu.memory_space<vmem>>, vector<1x1024x128xf32>
      %squeeze3A_800 = vector.shape_cast %get3A_799 : vector<1x1024x128xf32> to vector<1024x128xf32>
      %convert_element_type3A_801 = arith.truncf %squeeze3A_800 : vector<1024x128xf32> to vector<1024x128xbf16>
      %concatenate3A_802 = tpu.concatenate %convert_element_type3A_801, %convert_element_type3A_760 in 1 : vector<1024x128xbf16>, vector<1024x128xbf16> -> vector<1024x256xbf16>
      %dot_general3A_803 = arith.constant dense<0.000000e+00> : vector<1024x512xf32>
      %dot_general3A_804 = tpu.matmul %concatenate3A_802, %get3A_1, %dot_general3A_803 {dimension_numbers = #tpu.dot_dimension_numbers<[1], [0], [0], [1], [0, 0, 1, 1], [], []>, transpose_lhs_hint = false} : vector<1024x256xbf16>, vector<256x512xbf16>, vector<1024x512xf32> -> vector<1024x512xf32>
      %add3A_805 = vector.broadcast %get3A_4 : vector<1x512xf32> to vector<1024x512xf32>
      %add3A_806 = arith.addf %dot_general3A_804, %add3A_805 : vector<1024x512xf32>
      %slice3A_807 = vector.extract_strided_slice %add3A_806 {offsets = [0, 0], sizes = [1024, 128], strides = [1, 1]} : vector<1024x512xf32> to vector<1024x128xf32>
      %tanh3A_808 = math.tanh %slice3A_807 : vector<1024x128xf32>
      %slice3A_809 = vector.extract_strided_slice %add3A_806 {offsets = [0, 128], sizes = [1024, 128], strides = [1, 1]} : vector<1024x512xf32> to vector<1024x128xf32>
      %tanh3A_810 = math.tanh %slice3A_809 : vector<1024x128xf32>
      %slice3A_811 = vector.extract_strided_slice %add3A_806 {offsets = [0, 256], sizes = [1024, 128], strides = [1, 1]} : vector<1024x512xf32> to vector<1024x128xf32>
      %tanh3A_812 = math.tanh %slice3A_811 : vector<1024x128xf32>
      %slice3A_813 = vector.extract_strided_slice %add3A_806 {offsets = [0, 384], sizes = [1024, 128], strides = [1, 1]} : vector<1024x512xf32> to vector<1024x128xf32>
      %tanh3A_814 = math.tanh %slice3A_813 : vector<1024x128xf32>
      %mul3A_815 = arith.mulf %tanh3A_810, %mul3A_753 : vector<1024x128xf32>
      %add3A_816 = arith.addf %mul3A_753, %mul3A_815 : vector<1024x128xf32>
      %mul3A_817 = arith.mulf %tanh3A_808, %tanh3A_812 : vector<1024x128xf32>
      %add3A_818 = arith.addf %tanh3A_812, %mul3A_817 : vector<1024x128xf32>
      %add3A_819 = arith.addf %add3A_816, %add3A_818 : vector<1024x128xf32>
      %mul3A_820 = arith.constant 5.000000e-01 : f32
      %mul3A_821 = vector.broadcast %mul3A_820 : f32 to vector<1024x128xf32>
      %mul3A_822 = arith.mulf %mul3A_821, %add3A_819 : vector<1024x128xf32>
      %tanh3A_823 = math.tanh %mul3A_822 : vector<1024x128xf32>
      %mul3A_824 = arith.mulf %tanh3A_814, %tanh3A_823 : vector<1024x128xf32>
      %add3A_825 = arith.addf %tanh3A_823, %mul3A_824 : vector<1024x128xf32>
      %mul3A_826 = arith.constant 5.000000e-01 : f32
      %mul3A_827 = vector.broadcast %mul3A_826 : f32 to vector<1024x128xf32>
      %mul3A_828 = arith.mulf %mul3A_827, %add3A_825 : vector<1024x128xf32>
      %convert_element_type3A_829 = arith.truncf %mul3A_828 : vector<1024x128xf32> to vector<1024x128xbf16>
      %concatenate3A_830 = tpu.concatenate %convert_element_type3A_829, %convert_element_type3A_788 in 1 : vector<1024x128xbf16>, vector<1024x128xbf16> -> vector<1024x256xbf16>
      %dot_general3A_831 = arith.constant dense<0.000000e+00> : vector<1024x512xf32>
      %dot_general3A_832 = tpu.matmul %concatenate3A_830, %get3A_7, %dot_general3A_831 {dimension_numbers = #tpu.dot_dimension_numbers<[1], [0], [0], [1], [0, 0, 1, 1], [], []>, transpose_lhs_hint = false} : vector<1024x256xbf16>, vector<256x512xbf16>, vector<1024x512xf32> -> vector<1024x512xf32>
      %add3A_833 = vector.broadcast %get3A_10 : vector<1x512xf32> to vector<1024x512xf32>
      %add3A_834 = arith.addf %dot_general3A_832, %add3A_833 : vector<1024x512xf32>
      %slice3A_835 = vector.extract_strided_slice %add3A_834 {offsets = [0, 0], sizes = [1024, 128], strides = [1, 1]} : vector<1024x512xf32> to vector<1024x128xf32>
      %tanh3A_836 = math.tanh %slice3A_835 : vector<1024x128xf32>
      %slice3A_837 = vector.extract_strided_slice %add3A_834 {offsets = [0, 128], sizes = [1024, 128], strides = [1, 1]} : vector<1024x512xf32> to vector<1024x128xf32>
      %tanh3A_838 = math.tanh %slice3A_837 : vector<1024x128xf32>
      %slice3A_839 = vector.extract_strided_slice %add3A_834 {offsets = [0, 256], sizes = [1024, 128], strides = [1, 1]} : vector<1024x512xf32> to vector<1024x128xf32>
      %tanh3A_840 = math.tanh %slice3A_839 : vector<1024x128xf32>
      %slice3A_841 = vector.extract_strided_slice %add3A_834 {offsets = [0, 384], sizes = [1024, 128], strides = [1, 1]} : vector<1024x512xf32> to vector<1024x128xf32>
      %tanh3A_842 = math.tanh %slice3A_841 : vector<1024x128xf32>
      %mul3A_843 = arith.mulf %tanh3A_838, %mul3A_781 : vector<1024x128xf32>
      %add3A_844 = arith.addf %mul3A_781, %mul3A_843 : vector<1024x128xf32>
      %mul3A_845 = arith.mulf %tanh3A_836, %tanh3A_840 : vector<1024x128xf32>
      %add3A_846 = arith.addf %tanh3A_840, %mul3A_845 : vector<1024x128xf32>
      %add3A_847 = arith.addf %add3A_844, %add3A_846 : vector<1024x128xf32>
      %mul3A_848 = arith.constant 5.000000e-01 : f32
      %mul3A_849 = vector.broadcast %mul3A_848 : f32 to vector<1024x128xf32>
      %mul3A_850 = arith.mulf %mul3A_849, %add3A_847 : vector<1024x128xf32>
      %tanh3A_851 = math.tanh %mul3A_850 : vector<1024x128xf32>
      %mul3A_852 = arith.mulf %tanh3A_842, %tanh3A_851 : vector<1024x128xf32>
      %add3A_853 = arith.addf %tanh3A_851, %mul3A_852 : vector<1024x128xf32>
      %mul3A_854 = arith.constant 5.000000e-01 : f32
      %mul3A_855 = vector.broadcast %mul3A_854 : f32 to vector<1024x128xf32>
      %mul3A_856 = arith.mulf %mul3A_855, %add3A_853 : vector<1024x128xf32>
      %convert_element_type3A_857 = arith.truncf %mul3A_856 : vector<1024x128xf32> to vector<1024x128xbf16>
      %mul3A_858 = arith.constant 128 : i32
      %mul3A_859 = arith.muli %scan3A_795, %mul3A_858 : i32
      %swap3A_860 = arith.constant 0 : index
      %swap3A_861 = arith.index_cast %mul3A_859 : i32 to index
      %swap3A_862 = vector.load %arg9[%swap3A_860, %swap3A_861] : memref<1024x4096xbf16, #tpu.memory_space<vmem>>, vector<1024x128xbf16>
      tpu.vector_store %arg9[%swap3A_860, %swap3A_861], %convert_element_type3A_857 {strides = array<i32>} : memref<1024x4096xbf16, #tpu.memory_space<vmem>>, vector<1024x128xbf16>,
      %scan3A_863 = arith.constant 12 : i32
      %scan3A_864 = arith.addi %scan3A_38, %scan3A_863 : i32
      %get3A_865 = arith.index_cast %scan3A_864 : i32 to index
      %get3A_866 = arith.constant 0 : index
      %get3A_867 = arith.constant 0 : index
      %get3A_868 = vector.load %arg1[%get3A_865, %get3A_866, %get3A_867] : memref<32x1024x128xf32, #tpu.memory_space<vmem>>, vector<1x1024x128xf32>
      %squeeze3A_869 = vector.shape_cast %get3A_868 : vector<1x1024x128xf32> to vector<1024x128xf32>
      %convert_element_type3A_870 = arith.truncf %squeeze3A_869 : vector<1024x128xf32> to vector<1024x128xbf16>
      %concatenate3A_871 = tpu.concatenate %convert_element_type3A_870, %convert_element_type3A_829 in 1 : vector<1024x128xbf16>, vector<1024x128xbf16> -> vector<1024x256xbf16>
      %dot_general3A_872 = arith.constant dense<0.000000e+00> : vector<1024x512xf32>
      %dot_general3A_873 = tpu.matmul %concatenate3A_871, %get3A_1, %dot_general3A_872 {dimension_numbers = #tpu.dot_dimension_numbers<[1], [0], [0], [1], [0, 0, 1, 1], [], []>, transpose_lhs_hint = false} : vector<1024x256xbf16>, vector<256x512xbf16>, vector<1024x512xf32> -> vector<1024x512xf32>
      %add3A_874 = vector.broadcast %get3A_4 : vector<1x512xf32> to vector<1024x512xf32>
      %add3A_875 = arith.addf %dot_general3A_873, %add3A_874 : vector<1024x512xf32>
      %slice3A_876 = vector.extract_strided_slice %add3A_875 {offsets = [0, 0], sizes = [1024, 128], strides = [1, 1]} : vector<1024x512xf32> to vector<1024x128xf32>
      %tanh3A_877 = math.tanh %slice3A_876 : vector<1024x128xf32>
      %slice3A_878 = vector.extract_strided_slice %add3A_875 {offsets = [0, 128], sizes = [1024, 128], strides = [1, 1]} : vector<1024x512xf32> to vector<1024x128xf32>
      %tanh3A_879 = math.tanh %slice3A_878 : vector<1024x128xf32>
      %slice3A_880 = vector.extract_strided_slice %add3A_875 {offsets = [0, 256], sizes = [1024, 128], strides = [1, 1]} : vector<1024x512xf32> to vector<1024x128xf32>
      %tanh3A_881 = math.tanh %slice3A_880 : vector<1024x128xf32>
      %slice3A_882 = vector.extract_strided_slice %add3A_875 {offsets = [0, 384], sizes = [1024, 128], strides = [1, 1]} : vector<1024x512xf32> to vector<1024x128xf32>
      %tanh3A_883 = math.tanh %slice3A_882 : vector<1024x128xf32>
      %mul3A_884 = arith.mulf %tanh3A_879, %mul3A_822 : vector<1024x128xf32>
      %add3A_885 = arith.addf %mul3A_822, %mul3A_884 : vector<1024x128xf32>
      %mul3A_886 = arith.mulf %tanh3A_877, %tanh3A_881 : vector<1024x128xf32>
      %add3A_887 = arith.addf %tanh3A_881, %mul3A_886 : vector<1024x128xf32>
      %add3A_888 = arith.addf %add3A_885, %add3A_887 : vector<1024x128xf32>
      %mul3A_889 = arith.constant 5.000000e-01 : f32
      %mul3A_890 = vector.broadcast %mul3A_889 : f32 to vector<1024x128xf32>
      %mul3A_891 = arith.mulf %mul3A_890, %add3A_888 : vector<1024x128xf32>
      %tanh3A_892 = math.tanh %mul3A_891 : vector<1024x128xf32>
      %mul3A_893 = arith.mulf %tanh3A_883, %tanh3A_892 : vector<1024x128xf32>
      %add3A_894 = arith.addf %tanh3A_892, %mul3A_893 : vector<1024x128xf32>
      %mul3A_895 = arith.constant 5.000000e-01 : f32
      %mul3A_896 = vector.broadcast %mul3A_895 : f32 to vector<1024x128xf32>
      %mul3A_897 = arith.mulf %mul3A_896, %add3A_894 : vector<1024x128xf32>
      %convert_element_type3A_898 = arith.truncf %mul3A_897 : vector<1024x128xf32> to vector<1024x128xbf16>
      %concatenate3A_899 = tpu.concatenate %convert_element_type3A_898, %convert_element_type3A_857 in 1 : vector<1024x128xbf16>, vector<1024x128xbf16> -> vector<1024x256xbf16>
      %dot_general3A_900 = arith.constant dense<0.000000e+00> : vector<1024x512xf32>
      %dot_general3A_901 = tpu.matmul %concatenate3A_899, %get3A_7, %dot_general3A_900 {dimension_numbers = #tpu.dot_dimension_numbers<[1], [0], [0], [1], [0, 0, 1, 1], [], []>, transpose_lhs_hint = false} : vector<1024x256xbf16>, vector<256x512xbf16>, vector<1024x512xf32> -> vector<1024x512xf32>
      %add3A_902 = vector.broadcast %get3A_10 : vector<1x512xf32> to vector<1024x512xf32>
      %add3A_903 = arith.addf %dot_general3A_901, %add3A_902 : vector<1024x512xf32>
      %slice3A_904 = vector.extract_strided_slice %add3A_903 {offsets = [0, 0], sizes = [1024, 128], strides = [1, 1]} : vector<1024x512xf32> to vector<1024x128xf32>
      %tanh3A_905 = math.tanh %slice3A_904 : vector<1024x128xf32>
      %slice3A_906 = vector.extract_strided_slice %add3A_903 {offsets = [0, 128], sizes = [1024, 128], strides = [1, 1]} : vector<1024x512xf32> to vector<1024x128xf32>
      %tanh3A_907 = math.tanh %slice3A_906 : vector<1024x128xf32>
      %slice3A_908 = vector.extract_strided_slice %add3A_903 {offsets = [0, 256], sizes = [1024, 128], strides = [1, 1]} : vector<1024x512xf32> to vector<1024x128xf32>
      %tanh3A_909 = math.tanh %slice3A_908 : vector<1024x128xf32>
      %slice3A_910 = vector.extract_strided_slice %add3A_903 {offsets = [0, 384], sizes = [1024, 128], strides = [1, 1]} : vector<1024x512xf32> to vector<1024x128xf32>
      %tanh3A_911 = math.tanh %slice3A_910 : vector<1024x128xf32>
      %mul3A_912 = arith.mulf %tanh3A_907, %mul3A_850 : vector<1024x128xf32>
      %add3A_913 = arith.addf %mul3A_850, %mul3A_912 : vector<1024x128xf32>
      %mul3A_914 = arith.mulf %tanh3A_905, %tanh3A_909 : vector<1024x128xf32>
      %add3A_915 = arith.addf %tanh3A_909, %mul3A_914 : vector<1024x128xf32>
      %add3A_916 = arith.addf %add3A_913, %add3A_915 : vector<1024x128xf32>
      %mul3A_917 = arith.constant 5.000000e-01 : f32
      %mul3A_918 = vector.broadcast %mul3A_917 : f32 to vector<1024x128xf32>
      %mul3A_919 = arith.mulf %mul3A_918, %add3A_916 : vector<1024x128xf32>
      %tanh3A_920 = math.tanh %mul3A_919 : vector<1024x128xf32>
      %mul3A_921 = arith.mulf %tanh3A_911, %tanh3A_920 : vector<1024x128xf32>
      %add3A_922 = arith.addf %tanh3A_920, %mul3A_921 : vector<1024x128xf32>
      %mul3A_923 = arith.constant 5.000000e-01 : f32
      %mul3A_924 = vector.broadcast %mul3A_923 : f32 to vector<1024x128xf32>
      %mul3A_925 = arith.mulf %mul3A_924, %add3A_922 : vector<1024x128xf32>
      %convert_element_type3A_926 = arith.truncf %mul3A_925 : vector<1024x128xf32> to vector<1024x128xbf16>
      %mul3A_927 = arith.constant 128 : i32
      %mul3A_928 = arith.muli %scan3A_864, %mul3A_927 : i32
      %swap3A_929 = arith.constant 0 : index
      %swap3A_930 = arith.index_cast %mul3A_928 : i32 to index
      %swap3A_931 = vector.load %arg9[%swap3A_929, %swap3A_930] : memref<1024x4096xbf16, #tpu.memory_space<vmem>>, vector<1024x128xbf16>
      tpu.vector_store %arg9[%swap3A_929, %swap3A_930], %convert_element_type3A_926 {strides = array<i32>} : memref<1024x4096xbf16, #tpu.memory_space<vmem>>, vector<1024x128xbf16>,
      %scan3A_932 = arith.constant 13 : i32
      %scan3A_933 = arith.addi %scan3A_38, %scan3A_932 : i32
      %get3A_934 = arith.index_cast %scan3A_933 : i32 to index
      %get3A_935 = arith.constant 0 : index
      %get3A_936 = arith.constant 0 : index
      %get3A_937 = vector.load %arg1[%get3A_934, %get3A_935, %get3A_936] : memref<32x1024x128xf32, #tpu.memory_space<vmem>>, vector<1x1024x128xf32>
      %squeeze3A_938 = vector.shape_cast %get3A_937 : vector<1x1024x128xf32> to vector<1024x128xf32>
      %convert_element_type3A_939 = arith.truncf %squeeze3A_938 : vector<1024x128xf32> to vector<1024x128xbf16>
      %concatenate3A_940 = tpu.concatenate %convert_element_type3A_939, %convert_element_type3A_898 in 1 : vector<1024x128xbf16>, vector<1024x128xbf16> -> vector<1024x256xbf16>
      %dot_general3A_941 = arith.constant dense<0.000000e+00> : vector<1024x512xf32>
      %dot_general3A_942 = tpu.matmul %concatenate3A_940, %get3A_1, %dot_general3A_941 {dimension_numbers = #tpu.dot_dimension_numbers<[1], [0], [0], [1], [0, 0, 1, 1], [], []>, transpose_lhs_hint = false} : vector<1024x256xbf16>, vector<256x512xbf16>, vector<1024x512xf32> -> vector<1024x512xf32>
      %add3A_943 = vector.broadcast %get3A_4 : vector<1x512xf32> to vector<1024x512xf32>
      %add3A_944 = arith.addf %dot_general3A_942, %add3A_943 : vector<1024x512xf32>
      %slice3A_945 = vector.extract_strided_slice %add3A_944 {offsets = [0, 0], sizes = [1024, 128], strides = [1, 1]} : vector<1024x512xf32> to vector<1024x128xf32>
      %tanh3A_946 = math.tanh %slice3A_945 : vector<1024x128xf32>
      %slice3A_947 = vector.extract_strided_slice %add3A_944 {offsets = [0, 128], sizes = [1024, 128], strides = [1, 1]} : vector<1024x512xf32> to vector<1024x128xf32>
      %tanh3A_948 = math.tanh %slice3A_947 : vector<1024x128xf32>
      %slice3A_949 = vector.extract_strided_slice %add3A_944 {offsets = [0, 256], sizes = [1024, 128], strides = [1, 1]} : vector<1024x512xf32> to vector<1024x128xf32>
      %tanh3A_950 = math.tanh %slice3A_949 : vector<1024x128xf32>
      %slice3A_951 = vector.extract_strided_slice %add3A_944 {offsets = [0, 384], sizes = [1024, 128], strides = [1, 1]} : vector<1024x512xf32> to vector<1024x128xf32>
      %tanh3A_952 = math.tanh %slice3A_951 : vector<1024x128xf32>
      %mul3A_953 = arith.mulf %tanh3A_948, %mul3A_891 : vector<1024x128xf32>
      %add3A_954 = arith.addf %mul3A_891, %mul3A_953 : vector<1024x128xf32>
      %mul3A_955 = arith.mulf %tanh3A_946, %tanh3A_950 : vector<1024x128xf32>
      %add3A_956 = arith.addf %tanh3A_950, %mul3A_955 : vector<1024x128xf32>
      %add3A_957 = arith.addf %add3A_954, %add3A_956 : vector<1024x128xf32>
      %mul3A_958 = arith.constant 5.000000e-01 : f32
      %mul3A_959 = vector.broadcast %mul3A_958 : f32 to vector<1024x128xf32>
      %mul3A_960 = arith.mulf %mul3A_959, %add3A_957 : vector<1024x128xf32>
      %tanh3A_961 = math.tanh %mul3A_960 : vector<1024x128xf32>
      %mul3A_962 = arith.mulf %tanh3A_952, %tanh3A_961 : vector<1024x128xf32>
      %add3A_963 = arith.addf %tanh3A_961, %mul3A_962 : vector<1024x128xf32>
      %mul3A_964 = arith.constant 5.000000e-01 : f32
      %mul3A_965 = vector.broadcast %mul3A_964 : f32 to vector<1024x128xf32>
      %mul3A_966 = arith.mulf %mul3A_965, %add3A_963 : vector<1024x128xf32>
      %convert_element_type3A_967 = arith.truncf %mul3A_966 : vector<1024x128xf32> to vector<1024x128xbf16>
      %concatenate3A_968 = tpu.concatenate %convert_element_type3A_967, %convert_element_type3A_926 in 1 : vector<1024x128xbf16>, vector<1024x128xbf16> -> vector<1024x256xbf16>
      %dot_general3A_969 = arith.constant dense<0.000000e+00> : vector<1024x512xf32>
      %dot_general3A_970 = tpu.matmul %concatenate3A_968, %get3A_7, %dot_general3A_969 {dimension_numbers = #tpu.dot_dimension_numbers<[1], [0], [0], [1], [0, 0, 1, 1], [], []>, transpose_lhs_hint = false} : vector<1024x256xbf16>, vector<256x512xbf16>, vector<1024x512xf32> -> vector<1024x512xf32>
      %add3A_971 = vector.broadcast %get3A_10 : vector<1x512xf32> to vector<1024x512xf32>
      %add3A_972 = arith.addf %dot_general3A_970, %add3A_971 : vector<1024x512xf32>
      %slice3A_973 = vector.extract_strided_slice %add3A_972 {offsets = [0, 0], sizes = [1024, 128], strides = [1, 1]} : vector<1024x512xf32> to vector<1024x128xf32>
      %tanh3A_974 = math.tanh %slice3A_973 : vector<1024x128xf32>
      %slice3A_975 = vector.extract_strided_slice %add3A_972 {offsets = [0, 128], sizes = [1024, 128], strides = [1, 1]} : vector<1024x512xf32> to vector<1024x128xf32>
      %tanh3A_976 = math.tanh %slice3A_975 : vector<1024x128xf32>
      %slice3A_977 = vector.extract_strided_slice %add3A_972 {offsets = [0, 256], sizes = [1024, 128], strides = [1, 1]} : vector<1024x512xf32> to vector<1024x128xf32>
      %tanh3A_978 = math.tanh %slice3A_977 : vector<1024x128xf32>
      %slice3A_979 = vector.extract_strided_slice %add3A_972 {offsets = [0, 384], sizes = [1024, 128], strides = [1, 1]} : vector<1024x512xf32> to vector<1024x128xf32>
      %tanh3A_980 = math.tanh %slice3A_979 : vector<1024x128xf32>
      %mul3A_981 = arith.mulf %tanh3A_976, %mul3A_919 : vector<1024x128xf32>
      %add3A_982 = arith.addf %mul3A_919, %mul3A_981 : vector<1024x128xf32>
      %mul3A_983 = arith.mulf %tanh3A_974, %tanh3A_978 : vector<1024x128xf32>
      %add3A_984 = arith.addf %tanh3A_978, %mul3A_983 : vector<1024x128xf32>
      %add3A_985 = arith.addf %add3A_982, %add3A_984 : vector<1024x128xf32>
      %mul3A_986 = arith.constant 5.000000e-01 : f32
      %mul3A_987 = vector.broadcast %mul3A_986 : f32 to vector<1024x128xf32>
      %mul3A_988 = arith.mulf %mul3A_987, %add3A_985 : vector<1024x128xf32>
      %tanh3A_989 = math.tanh %mul3A_988 : vector<1024x128xf32>
      %mul3A_990 = arith.mulf %tanh3A_980, %tanh3A_989 : vector<1024x128xf32>
      %add3A_991 = arith.addf %tanh3A_989, %mul3A_990 : vector<1024x128xf32>
      %mul3A_992 = arith.constant 5.000000e-01 : f32
      %mul3A_993 = vector.broadcast %mul3A_992 : f32 to vector<1024x128xf32>
      %mul3A_994 = arith.mulf %mul3A_993, %add3A_991 : vector<1024x128xf32>
      %convert_element_type3A_995 = arith.truncf %mul3A_994 : vector<1024x128xf32> to vector<1024x128xbf16>
      %mul3A_996 = arith.constant 128 : i32
      %mul3A_997 = arith.muli %scan3A_933, %mul3A_996 : i32
      %swap3A_998 = arith.constant 0 : index
      %swap3A_999 = arith.index_cast %mul3A_997 : i32 to index
      %swap3A_1000 = vector.load %arg9[%swap3A_998, %swap3A_999] : memref<1024x4096xbf16, #tpu.memory_space<vmem>>, vector<1024x128xbf16>
      tpu.vector_store %arg9[%swap3A_998, %swap3A_999], %convert_element_type3A_995 {strides = array<i32>} : memref<1024x4096xbf16, #tpu.memory_space<vmem>>, vector<1024x128xbf16>,
      %scan3A_1001 = arith.constant 14 : i32
      %scan3A_1002 = arith.addi %scan3A_38, %scan3A_1001 : i32
      %get3A_1003 = arith.index_cast %scan3A_1002 : i32 to index
      %get3A_1004 = arith.constant 0 : index
      %get3A_1005 = arith.constant 0 : index
      %get3A_1006 = vector.load %arg1[%get3A_1003, %get3A_1004, %get3A_1005] : memref<32x1024x128xf32, #tpu.memory_space<vmem>>, vector<1x1024x128xf32>
      %squeeze3A_1007 = vector.shape_cast %get3A_1006 : vector<1x1024x128xf32> to vector<1024x128xf32>
      %convert_element_type3A_1008 = arith.truncf %squeeze3A_1007 : vector<1024x128xf32> to vector<1024x128xbf16>
      %concatenate3A_1009 = tpu.concatenate %convert_element_type3A_1008, %convert_element_type3A_967 in 1 : vector<1024x128xbf16>, vector<1024x128xbf16> -> vector<1024x256xbf16>
      %dot_general3A_1010 = arith.constant dense<0.000000e+00> : vector<1024x512xf32>
      %dot_general3A_1011 = tpu.matmul %concatenate3A_1009, %get3A_1, %dot_general3A_1010 {dimension_numbers = #tpu.dot_dimension_numbers<[1], [0], [0], [1], [0, 0, 1, 1], [], []>, transpose_lhs_hint = false} : vector<1024x256xbf16>, vector<256x512xbf16>, vector<1024x512xf32> -> vector<1024x512xf32>
      %add3A_1012 = vector.broadcast %get3A_4 : vector<1x512xf32> to vector<1024x512xf32>
      %add3A_1013 = arith.addf %dot_general3A_1011, %add3A_1012 : vector<1024x512xf32>
      %slice3A_1014 = vector.extract_strided_slice %add3A_1013 {offsets = [0, 0], sizes = [1024, 128], strides = [1, 1]} : vector<1024x512xf32> to vector<1024x128xf32>
      %tanh3A_1015 = math.tanh %slice3A_1014 : vector<1024x128xf32>
      %slice3A_1016 = vector.extract_strided_slice %add3A_1013 {offsets = [0, 128], sizes = [1024, 128], strides = [1, 1]} : vector<1024x512xf32> to vector<1024x128xf32>
      %tanh3A_1017 = math.tanh %slice3A_1016 : vector<1024x128xf32>
      %slice3A_1018 = vector.extract_strided_slice %add3A_1013 {offsets = [0, 256], sizes = [1024, 128], strides = [1, 1]} : vector<1024x512xf32> to vector<1024x128xf32>
      %tanh3A_1019 = math.tanh %slice3A_1018 : vector<1024x128xf32>
      %slice3A_1020 = vector.extract_strided_slice %add3A_1013 {offsets = [0, 384], sizes = [1024, 128], strides = [1, 1]} : vector<1024x512xf32> to vector<1024x128xf32>
      %tanh3A_1021 = math.tanh %slice3A_1020 : vector<1024x128xf32>
      %mul3A_1022 = arith.mulf %tanh3A_1017, %mul3A_960 : vector<1024x128xf32>
      %add3A_1023 = arith.addf %mul3A_960, %mul3A_1022 : vector<1024x128xf32>
      %mul3A_1024 = arith.mulf %tanh3A_1015, %tanh3A_1019 : vector<1024x128xf32>
      %add3A_1025 = arith.addf %tanh3A_1019, %mul3A_1024 : vector<1024x128xf32>
      %add3A_1026 = arith.addf %add3A_1023, %add3A_1025 : vector<1024x128xf32>
      %mul3A_1027 = arith.constant 5.000000e-01 : f32
      %mul3A_1028 = vector.broadcast %mul3A_1027 : f32 to vector<1024x128xf32>
      %mul3A_1029 = arith.mulf %mul3A_1028, %add3A_1026 : vector<1024x128xf32>
      %tanh3A_1030 = math.tanh %mul3A_1029 : vector<1024x128xf32>
      %mul3A_1031 = arith.mulf %tanh3A_1021, %tanh3A_1030 : vector<1024x128xf32>
      %add3A_1032 = arith.addf %tanh3A_1030, %mul3A_1031 : vector<1024x128xf32>
      %mul3A_1033 = arith.constant 5.000000e-01 : f32
      %mul3A_1034 = vector.broadcast %mul3A_1033 : f32 to vector<1024x128xf32>
      %mul3A_1035 = arith.mulf %mul3A_1034, %add3A_1032 : vector<1024x128xf32>
      %convert_element_type3A_1036 = arith.truncf %mul3A_1035 : vector<1024x128xf32> to vector<1024x128xbf16>
      %concatenate3A_1037 = tpu.concatenate %convert_element_type3A_1036, %convert_element_type3A_995 in 1 : vector<1024x128xbf16>, vector<1024x128xbf16> -> vector<1024x256xbf16>
      %dot_general3A_1038 = arith.constant dense<0.000000e+00> : vector<1024x512xf32>
      %dot_general3A_1039 = tpu.matmul %concatenate3A_1037, %get3A_7, %dot_general3A_1038 {dimension_numbers = #tpu.dot_dimension_numbers<[1], [0], [0], [1], [0, 0, 1, 1], [], []>, transpose_lhs_hint = false} : vector<1024x256xbf16>, vector<256x512xbf16>, vector<1024x512xf32> -> vector<1024x512xf32>
      %add3A_1040 = vector.broadcast %get3A_10 : vector<1x512xf32> to vector<1024x512xf32>
      %add3A_1041 = arith.addf %dot_general3A_1039, %add3A_1040 : vector<1024x512xf32>
      %slice3A_1042 = vector.extract_strided_slice %add3A_1041 {offsets = [0, 0], sizes = [1024, 128], strides = [1, 1]} : vector<1024x512xf32> to vector<1024x128xf32>
      %tanh3A_1043 = math.tanh %slice3A_1042 : vector<1024x128xf32>
      %slice3A_1044 = vector.extract_strided_slice %add3A_1041 {offsets = [0, 128], sizes = [1024, 128], strides = [1, 1]} : vector<1024x512xf32> to vector<1024x128xf32>
      %tanh3A_1045 = math.tanh %slice3A_1044 : vector<1024x128xf32>
      %slice3A_1046 = vector.extract_strided_slice %add3A_1041 {offsets = [0, 256], sizes = [1024, 128], strides = [1, 1]} : vector<1024x512xf32> to vector<1024x128xf32>
      %tanh3A_1047 = math.tanh %slice3A_1046 : vector<1024x128xf32>
      %slice3A_1048 = vector.extract_strided_slice %add3A_1041 {offsets = [0, 384], sizes = [1024, 128], strides = [1, 1]} : vector<1024x512xf32> to vector<1024x128xf32>
      %tanh3A_1049 = math.tanh %slice3A_1048 : vector<1024x128xf32>
      %mul3A_1050 = arith.mulf %tanh3A_1045, %mul3A_988 : vector<1024x128xf32>
      %add3A_1051 = arith.addf %mul3A_988, %mul3A_1050 : vector<1024x128xf32>
      %mul3A_1052 = arith.mulf %tanh3A_1043, %tanh3A_1047 : vector<1024x128xf32>
      %add3A_1053 = arith.addf %tanh3A_1047, %mul3A_1052 : vector<1024x128xf32>
      %add3A_1054 = arith.addf %add3A_1051, %add3A_1053 : vector<1024x128xf32>
      %mul3A_1055 = arith.constant 5.000000e-01 : f32
      %mul3A_1056 = vector.broadcast %mul3A_1055 : f32 to vector<1024x128xf32>
      %mul3A_1057 = arith.mulf %mul3A_1056, %add3A_1054 : vector<1024x128xf32>
      %tanh3A_1058 = math.tanh %mul3A_1057 : vector<1024x128xf32>
      %mul3A_1059 = arith.mulf %tanh3A_1049, %tanh3A_1058 : vector<1024x128xf32>
      %add3A_1060 = arith.addf %tanh3A_1058, %mul3A_1059 : vector<1024x128xf32>
      %mul3A_1061 = arith.constant 5.000000e-01 : f32
      %mul3A_1062 = vector.broadcast %mul3A_1061 : f32 to vector<1024x128xf32>
      %mul3A_1063 = arith.mulf %mul3A_1062, %add3A_1060 : vector<1024x128xf32>
      %convert_element_type3A_1064 = arith.truncf %mul3A_1063 : vector<1024x128xf32> to vector<1024x128xbf16>
      %mul3A_1065 = arith.constant 128 : i32
      %mul3A_1066 = arith.muli %scan3A_1002, %mul3A_1065 : i32
      %swap3A_1067 = arith.constant 0 : index
      %swap3A_1068 = arith.index_cast %mul3A_1066 : i32 to index
      %swap3A_1069 = vector.load %arg9[%swap3A_1067, %swap3A_1068] : memref<1024x4096xbf16, #tpu.memory_space<vmem>>, vector<1024x128xbf16>
      tpu.vector_store %arg9[%swap3A_1067, %swap3A_1068], %convert_element_type3A_1064 {strides = array<i32>} : memref<1024x4096xbf16, #tpu.memory_space<vmem>>, vector<1024x128xbf16>,
      %scan3A_1070 = arith.constant 15 : i32
      %scan3A_1071 = arith.addi %scan3A_38, %scan3A_1070 : i32
      %get3A_1072 = arith.index_cast %scan3A_1071 : i32 to index
      %get3A_1073 = arith.constant 0 : index
      %get3A_1074 = arith.constant 0 : index
      %get3A_1075 = vector.load %arg1[%get3A_1072, %get3A_1073, %get3A_1074] : memref<32x1024x128xf32, #tpu.memory_space<vmem>>, vector<1x1024x128xf32>
      %squeeze3A_1076 = vector.shape_cast %get3A_1075 : vector<1x1024x128xf32> to vector<1024x128xf32>
      %convert_element_type3A_1077 = arith.truncf %squeeze3A_1076 : vector<1024x128xf32> to vector<1024x128xbf16>
      %concatenate3A_1078 = tpu.concatenate %convert_element_type3A_1077, %convert_element_type3A_1036 in 1 : vector<1024x128xbf16>, vector<1024x128xbf16> -> vector<1024x256xbf16>
      %dot_general3A_1079 = arith.constant dense<0.000000e+00> : vector<1024x512xf32>
      %dot_general3A_1080 = tpu.matmul %concatenate3A_1078, %get3A_1, %dot_general3A_1079 {dimension_numbers = #tpu.dot_dimension_numbers<[1], [0], [0], [1], [0, 0, 1, 1], [], []>, transpose_lhs_hint = false} : vector<1024x256xbf16>, vector<256x512xbf16>, vector<1024x512xf32> -> vector<1024x512xf32>
      %add3A_1081 = vector.broadcast %get3A_4 : vector<1x512xf32> to vector<1024x512xf32>
      %add3A_1082 = arith.addf %dot_general3A_1080, %add3A_1081 : vector<1024x512xf32>
      %slice3A_1083 = vector.extract_strided_slice %add3A_1082 {offsets = [0, 0], sizes = [1024, 128], strides = [1, 1]} : vector<1024x512xf32> to vector<1024x128xf32>
      %tanh3A_1084 = math.tanh %slice3A_1083 : vector<1024x128xf32>
      %slice3A_1085 = vector.extract_strided_slice %add3A_1082 {offsets = [0, 128], sizes = [1024, 128], strides = [1, 1]} : vector<1024x512xf32> to vector<1024x128xf32>
      %tanh3A_1086 = math.tanh %slice3A_1085 : vector<1024x128xf32>
      %slice3A_1087 = vector.extract_strided_slice %add3A_1082 {offsets = [0, 256], sizes = [1024, 128], strides = [1, 1]} : vector<1024x512xf32> to vector<1024x128xf32>
      %tanh3A_1088 = math.tanh %slice3A_1087 : vector<1024x128xf32>
      %slice3A_1089 = vector.extract_strided_slice %add3A_1082 {offsets = [0, 384], sizes = [1024, 128], strides = [1, 1]} : vector<1024x512xf32> to vector<1024x128xf32>
      %tanh3A_1090 = math.tanh %slice3A_1089 : vector<1024x128xf32>
      %mul3A_1091 = arith.mulf %tanh3A_1086, %mul3A_1029 : vector<1024x128xf32>
      %add3A_1092 = arith.addf %mul3A_1029, %mul3A_1091 : vector<1024x128xf32>
      %mul3A_1093 = arith.mulf %tanh3A_1084, %tanh3A_1088 : vector<1024x128xf32>
      %add3A_1094 = arith.addf %tanh3A_1088, %mul3A_1093 : vector<1024x128xf32>
      %add3A_1095 = arith.addf %add3A_1092, %add3A_1094 : vector<1024x128xf32>
      %mul3A_1096 = arith.constant 5.000000e-01 : f32
      %mul3A_1097 = vector.broadcast %mul3A_1096 : f32 to vector<1024x128xf32>
      %mul3A_1098 = arith.mulf %mul3A_1097, %add3A_1095 : vector<1024x128xf32>
      %tanh3A_1099 = math.tanh %mul3A_1098 : vector<1024x128xf32>
      %mul3A_1100 = arith.mulf %tanh3A_1090, %tanh3A_1099 : vector<1024x128xf32>
      %add3A_1101 = arith.addf %tanh3A_1099, %mul3A_1100 : vector<1024x128xf32>
      %mul3A_1102 = arith.constant 5.000000e-01 : f32
      %mul3A_1103 = vector.broadcast %mul3A_1102 : f32 to vector<1024x128xf32>
      %mul3A_1104 = arith.mulf %mul3A_1103, %add3A_1101 : vector<1024x128xf32>
      %convert_element_type3A_1105 = arith.truncf %mul3A_1104 : vector<1024x128xf32> to vector<1024x128xbf16>
      %concatenate3A_1106 = tpu.concatenate %convert_element_type3A_1105, %convert_element_type3A_1064 in 1 : vector<1024x128xbf16>, vector<1024x128xbf16> -> vector<1024x256xbf16>
      %dot_general3A_1107 = arith.constant dense<0.000000e+00> : vector<1024x512xf32>
      %dot_general3A_1108 = tpu.matmul %concatenate3A_1106, %get3A_7, %dot_general3A_1107 {dimension_numbers = #tpu.dot_dimension_numbers<[1], [0], [0], [1], [0, 0, 1, 1], [], []>, transpose_lhs_hint = false} : vector<1024x256xbf16>, vector<256x512xbf16>, vector<1024x512xf32> -> vector<1024x512xf32>
      %add3A_1109 = vector.broadcast %get3A_10 : vector<1x512xf32> to vector<1024x512xf32>
      %add3A_1110 = arith.addf %dot_general3A_1108, %add3A_1109 : vector<1024x512xf32>
      %slice3A_1111 = vector.extract_strided_slice %add3A_1110 {offsets = [0, 0], sizes = [1024, 128], strides = [1, 1]} : vector<1024x512xf32> to vector<1024x128xf32>
      %tanh3A_1112 = math.tanh %slice3A_1111 : vector<1024x128xf32>
      %slice3A_1113 = vector.extract_strided_slice %add3A_1110 {offsets = [0, 128], sizes = [1024, 128], strides = [1, 1]} : vector<1024x512xf32> to vector<1024x128xf32>
      %tanh3A_1114 = math.tanh %slice3A_1113 : vector<1024x128xf32>
      %slice3A_1115 = vector.extract_strided_slice %add3A_1110 {offsets = [0, 256], sizes = [1024, 128], strides = [1, 1]} : vector<1024x512xf32> to vector<1024x128xf32>
      %tanh3A_1116 = math.tanh %slice3A_1115 : vector<1024x128xf32>
      %slice3A_1117 = vector.extract_strided_slice %add3A_1110 {offsets = [0, 384], sizes = [1024, 128], strides = [1, 1]} : vector<1024x512xf32> to vector<1024x128xf32>
      %tanh3A_1118 = math.tanh %slice3A_1117 : vector<1024x128xf32>
      %mul3A_1119 = arith.mulf %tanh3A_1114, %mul3A_1057 : vector<1024x128xf32>
      %add3A_1120 = arith.addf %mul3A_1057, %mul3A_1119 : vector<1024x128xf32>
      %mul3A_1121 = arith.mulf %tanh3A_1112, %tanh3A_1116 : vector<1024x128xf32>
      %add3A_1122 = arith.addf %tanh3A_1116, %mul3A_1121 : vector<1024x128xf32>
      %add3A_1123 = arith.addf %add3A_1120, %add3A_1122 : vector<1024x128xf32>
      %mul3A_1124 = arith.constant 5.000000e-01 : f32
      %mul3A_1125 = vector.broadcast %mul3A_1124 : f32 to vector<1024x128xf32>
      %mul3A_1126 = arith.mulf %mul3A_1125, %add3A_1123 : vector<1024x128xf32>
      %tanh3A_1127 = math.tanh %mul3A_1126 : vector<1024x128xf32>
      %mul3A_1128 = arith.mulf %tanh3A_1118, %tanh3A_1127 : vector<1024x128xf32>
      %add3A_1129 = arith.addf %tanh3A_1127, %mul3A_1128 : vector<1024x128xf32>
      %mul3A_1130 = arith.constant 5.000000e-01 : f32
      %mul3A_1131 = vector.broadcast %mul3A_1130 : f32 to vector<1024x128xf32>
      %mul3A_1132 = arith.mulf %mul3A_1131, %add3A_1129 : vector<1024x128xf32>
      %convert_element_type3A_1133 = arith.truncf %mul3A_1132 : vector<1024x128xf32> to vector<1024x128xbf16>
      %mul3A_1134 = arith.constant 128 : i32
      %mul3A_1135 = arith.muli %scan3A_1071, %mul3A_1134 : i32
      %swap3A_1136 = arith.constant 0 : index
      %swap3A_1137 = arith.index_cast %mul3A_1135 : i32 to index
      %swap3A_1138 = vector.load %arg9[%swap3A_1136, %swap3A_1137] : memref<1024x4096xbf16, #tpu.memory_space<vmem>>, vector<1024x128xbf16>
      tpu.vector_store %arg9[%swap3A_1136, %swap3A_1137], %convert_element_type3A_1133 {strides = array<i32>} : memref<1024x4096xbf16, #tpu.memory_space<vmem>>, vector<1024x128xbf16>,
      scf.yield %convert_element_type3A_1105, %mul3A_1098, %convert_element_type3A_1133, %mul3A_1126 : vector<1024x128xbf16>, vector<1024x128xf32>, vector<1024x128xbf16>, vector<1024x128xf32>
    }
    %scan3A_18 = arith.constant 32 : i32
    %get3A_19 = arith.constant 0 : index
    %get3A_20 = arith.constant 0 : index
    %get3A_21 = vector.load %arg9[%get3A_19, %get3A_20] : memref<1024x4096xbf16, #tpu.memory_space<vmem>>, vector<1024x4096xbf16>
    %get3A_22 = arith.constant 0 : index
    %get3A_23 = arith.constant 0 : index
    %get3A_24 = vector.load %arg6[%get3A_22, %get3A_23] : memref<4096x128xbf16, #tpu.memory_space<vmem>>, vector<4096x128xbf16>
    %dot_general3A = arith.constant dense<0.000000e+00> : vector<1024x128xf32>
    %dot_general3A_25 = tpu.matmul %get3A_21, %get3A_24, %dot_general3A {dimension_numbers = #tpu.dot_dimension_numbers<[1], [0], [0], [1], [0, 0, 1, 1], [], []>, transpose_lhs_hint = false} : vector<1024x4096xbf16>, vector<4096x128xbf16>, vector<1024x128xf32> -> vector<1024x128xf32>
    %get3A_26 = arith.constant 0 : index
    %get3A_27 = arith.constant 0 : index
    %get3A_28 = vector.load %arg7[%get3A_26, %get3A_27] : memref<1x128xf32, #tpu.memory_space<vmem>>, vector<1x128xf32>
    %add3A = vector.broadcast %get3A_28 : vector<1x128xf32> to vector<1024x128xf32>
    %add3A_29 = arith.addf %dot_general3A_25, %add3A : vector<1024x128xf32>
    %reduce_max3A = arith.constant dense<0xFF800000> : vector<1024xf32>
    %reduce_max3A_30 = vector.multi_reduction <maximumf>, %add3A_29, %reduce_max3A [1] : vector<1024x128xf32> to vector<1024xf32>
    %broadcast_in_dim3A_31 = vector.shape_cast %reduce_max3A_30 : vector<1024xf32> to vector<1024x1xf32>
    %sub3A = vector.broadcast %broadcast_in_dim3A_31 : vector<1024x1xf32> to vector<1024x128xf32>
    %sub3A_32 = arith.subf %add3A_29, %sub3A : vector<1024x128xf32>
    %exp3A = math.exp %sub3A_32 : vector<1024x128xf32>
    %reduce_sum3A = arith.constant dense<0.000000e+00> : vector<1024xf32>
    %reduce_sum3A_33 = vector.multi_reduction <add>, %exp3A, %reduce_sum3A [1] : vector<1024x128xf32> to vector<1024xf32>
    %broadcast_in_dim3A_34 = vector.shape_cast %reduce_sum3A_33 : vector<1024xf32> to vector<1024x1xf32>
    %div3A = vector.broadcast %broadcast_in_dim3A_34 : vector<1024x1xf32> to vector<1024x128xf32>
    %div3A_35 = arith.divf %exp3A, %div3A : vector<1024x128xf32>
    %swap3A = arith.constant 0 : index
    %swap3A_36 = arith.constant 0 : index
    %swap3A_37 = vector.load %arg8[%swap3A, %swap3A_36] : memref<1024x128xf32, #tpu.memory_space<vmem>>, vector<1024x128xf32>
    tpu.vector_store %arg8[%swap3A, %swap3A_36], %div3A_35 {strides = array<i32>} : memref<1024x128xf32, #tpu.memory_space<vmem>>, vector<1024x128xf32>,
    return
  }
  func.func @transform_0(%arg0: i32) -> (i32, i32, i32) {
    %c0_i32 = arith.constant 0 : i32
    %c0_i32_0 = arith.constant 0 : i32
    %c0_i32_1 = arith.constant 0 : i32
    return %c0_i32, %arg0, %c0_i32_0 : i32, i32, i32
  }
  func.func @transform_1(%arg0: i32) -> (i32, i32) {
    %c0_i32 = arith.constant 0 : i32
    %c0_i32_0 = arith.constant 0 : i32
    %c0_i32_1 = arith.constant 0 : i32
    return %c0_i32, %c0_i32_0 : i32, i32
  }
  func.func @transform_2(%arg0: i32) -> (i32, i32) {
    %c0_i32 = arith.constant 0 : i32
    %c0_i32_0 = arith.constant 0 : i32
    %c0_i32_1 = arith.constant 0 : i32
    return %c0_i32, %c0_i32_0 : i32, i32
  }
  func.func @transform_3(%arg0: i32) -> (i32, i32) {
    %c0_i32 = arith.constant 0 : i32
    %c0_i32_0 = arith.constant 0 : i32
    %c0_i32_1 = arith.constant 0 : i32
    return %c0_i32, %c0_i32_0 : i32, i32
  }
  func.func @transform_4(%arg0: i32) -> (i32, i32) {
    %c0_i32 = arith.constant 0 : i32
    %c0_i32_0 = arith.constant 0 : i32
    %c0_i32_1 = arith.constant 0 : i32
    return %c0_i32, %c0_i32_0 : i32, i32
  }
  func.func @transform_5(%arg0: i32) -> (i32, i32) {
    %c0_i32 = arith.constant 0 : i32
    %c0_i32_0 = arith.constant 0 : i32
    %c0_i32_1 = arith.constant 0 : i32
    return %c0_i32, %c0_i32_0 : i32, i32
  }
  func.func @transform_6(%arg0: i32) -> (i32, i32) {
    %c0_i32 = arith.constant 0 : i32
    %c0_i32_0 = arith.constant 0 : i32
    %c0_i32_1 = arith.constant 0 : i32
    return %c0_i32, %c0_i32_0 : i32, i32
  }
  func.func @transform_7(%arg0: i32) -> (i32, i32) {
    %c0_i32 = arith.constant 0 : i32
    %c0_i32_0 = arith.constant 0 : i32
    return %arg0, %c0_i32 : i32, i32
  }
}

</mosaic_0001>

<sc_bundles>
// kernel: kernel.10.cloned.1.call-start
scs
__scs_entry_jumppad:
0x0: {  	(pc) =	sbr.rel $0x88, $3  }
0x1: {  	(tag) =	ssettag $0x0;
	lr =	simm.s32 $0x1  }
0x2: {  	[smem:$0x3F95] =	sst lr;
	_ =	strace $0xD0000000  }
0x3: {  	_ = 	snop  }
0x4: {  	_ = 	snop  }
0x5: {  	_ = 	snop  }
0x6: {  	_ = 	snop  }
0x7: {  	_ = 	snop  }
__scs_overlays_trampoline_lowered:
0x8: {  	[smem:$0x3FA4] =	sst s0  }
0x9: {  	[smem:$0x3FA5] =	sst s1  }
0xa: {  	[smem:$0x3FA6] =	sst s2  }
0xb: {  	[smem:$0x3FA7] =	sst s3  }
0xc: {  	[smem:$0x3FA8] =	sst s4  }
0xd: {  	[smem:$0x3FA9] =	sst s5  }
0xe: {  	[smem:$0x3FAA] =	sst s6  }
0xf: {  	[smem:$0x3FAB] =	sst s7  }
0x10: {  	[smem:$0x3FAC] =	sst s8  }
0x11: {  	[smem:$0x3FAD] =	sst s9;
	s0 =	simm.s32 @!p0 $0x0  }
0x12: {  	s1 =	sld [smem:$0x3F93];
	s0 =	simm.s32 @p0 $0x1  }
0x13: {  	[smem:$0x3FAE] =	sst s0;
	s0 =	simm.s32 @!p1 $0x0  }
0x14: {  	s2 =	sld [smem:$0x3F92];
	s0 =	simm.s32 @p1 $0x1  }
0x15: {  	[smem:$0x3FAF] =	sst s0;
	s0 =	simm.s32 @!p2 $0x0  }
0x16: {  	s3 =	sld [smem:$0x3FDB];
	s0 =	simm.s32 @p2 $0x1  }
0x17: {  	s4 =	simm.s32 $0x1BF5;
	[smem:$0x3FB1] =	sst s0  }
0x18: {  	s0 =	sld [smem:$0x3F94];
	_ =	swait.ge [sflag:s4], $0x0  }
0x19: {  	s7 =	sld [smem:$0x3F95]  }
0x1a: {  	s8 =	sadd.s32 $0xFFFFE003, lr  }
0x1b: {  	s9 =	sadd.s32 $0xFFFFFEF7, lr;
	s5 =	simm.s32 $0xFFFFFFFF;
	p2 =	slt.u32 s8, $0xFFFFF086  }
0x1c: {  	p1 =	slt.u32 s9, $0xF7A;
	s5 =	simm.s32 @!p2 $0x0  }
0x1d: {  	s5 =	simm.s32 @p1 $0x1;
	p0 =	seq.s32 s7, s2  }
0x1e: {  	s7 =	smul.u32 @!p0 $0xF7A, s2;
	p2 =	seq.s32 @!p0 s5, $0x0  }
0x1f: {  	s9 =	smul.u32 $0xF7A, s1;
	s8 =	simm.s32 @!p0 $0x1BF5;
	p2 =	por !p2, p0  }
0x20: {  	[sflag:s8] =	ssyncset.s32 @!p0 $0xFFFFF086;
	s6 =	sadd.s32 @!p0 s3, s7;
	s7 =	simm.s32 @!p0 $0x108  }
0x21: {  	s3 =	sadd.s32 s3, s9;
	s6 =	sadd.s32 @!p0 $0x88, s6;
	s7 =	simm.s32 @p2 $0x1082  }
0x22: {  	[simem:s7], [sflag:s8] =	dma.local @!p0 [hbm:s6], $0xF7A  }
0x23: {  	s9 =	sor.u32 $0xD0000000, s2;
	s6 =	simm.s32 $0x108;
	_ =	swait.ge @!p0 [sflag:s8], $0x0  }
0x24: {  	s3 =	sadd.s32 $0x88, s3;
	s6 =	simm.s32 @!p1 $0x1082;
	[sflag:s4] =	ssyncset.s32 $0xFFFFF086  }
0x25: {  	[simem:s6], [sflag:s4] =	dma.local [hbm:s3], $0xF7A  }
0x26: {  	[smem:$0x3F95] =	sst s1;
	(tag) =	ssettag s2;
	_ =	strace s9  }
0x27: {  	s1 =	sld [smem:$0x3FA5]  }
0x28: {  	s2 =	sld [smem:$0x3FA6]  }
0x29: {  	s4 =	sld [smem:$0x3FA8]  }
0x2a: {  	p0 =	seq.s32 s5, $0x0;
	s5 =	sld [smem:$0x3FA9]  }
0x2b: {  	s6 =	sld [smem:$0x3FAA]  }
0x2c: {  	s7 =	sld [smem:$0x3FAB]  }
0x2d: {  	s3 =	simm.s32 $0x108;
	s8 =	sld [smem:$0x3FAC]  }
0x2e: {  	s3 =	simm.s32 @!p0 $0x1082;
	s9 =	sld [smem:$0x3FAD]  }
0x2f: {  	lr =	sadd.s32 s0, s3;
	s0 =	sld [smem:$0x3FA4]  }
0x30: {  	s3 =	sld [smem:$0x3FA7]  }
0x31: {  	[smem:$0x3FB0] =	sst s10  }
0x32: {  	s10 =	sld [smem:$0x3FAE];
	_ =	sdelay $0x3  }
0x33: {  	p0 =	seq.s32 s10, $0x1;
	s10 =	sld [smem:$0x3FB0];
	_ =	sdelay $0x3  }
0x34: {  	[smem:$0x3FB0] =	sst s10  }
0x35: {  	s10 =	sld [smem:$0x3FAF];
	_ =	sdelay $0x3  }
0x36: {  	p1 =	seq.s32 s10, $0x1;
	s10 =	sld [smem:$0x3FB0];
	_ =	sdelay $0x3  }
0x37: {  	[smem:$0x3FB0] =	sst s10  }
0x38: {  	s10 =	sld [smem:$0x3FB1]  }
0x39: {  	_ = 	snop;
	(pc) =	sbr.ind lr, $3  }
0x3a: {  	_ = 	snop  }
0x3b: {  	_ = 	snop  }
0x3c: {  	p2 =	seq.s32 s10, $0x1;
	s10 =	sld [smem:$0x3FB0]  }
0x3d: {  	_ =	shalt  }
0x3e: {  	_ =	shalt  }
0x3f: {  	_ =	shalt  }
0x40: {  	_ =	shalt  }
0x41: {  	_ =	shalt  }
0x42: {  	_ =	shalt  }
0x43: {  	_ =	shalt  }
0x44: {  	_ =	shalt  }
0x45: {  	_ =	shalt  }
0x46: {  	_ =	shalt  }
0x47: {  	_ =	shalt  }
0x48: {  	_ =	shalt  }
0x49: {  	_ =	shalt  }
0x4a: {  	_ =	shalt  }
0x4b: {  	_ =	shalt  }
0x4c: {  	_ =	shalt  }
0x4d: {  	_ =	shalt  }
0x4e: {  	_ =	shalt  }
0x4f: {  	_ =	shalt  }
0x50: {  	_ =	shalt  }
0x51: {  	_ =	shalt  }
0x52: {  	_ =	shalt  }
0x53: {  	_ =	shalt  }
0x54: {  	_ =	shalt  }
0x55: {  	_ =	shalt  }
0x56: {  	_ =	shalt  }
0x57: {  	_ =	shalt  }
0x58: {  	_ =	shalt  }
0x59: {  	_ =	shalt  }
0x5a: {  	_ =	shalt  }
0x5b: {  	_ =	shalt  }
0x5c: {  	_ =	shalt  }
0x5d: {  	_ =	shalt  }
0x5e: {  	_ =	shalt  }
0x5f: {  	_ =	shalt  }
0x60: {  	_ =	shalt  }
0x61: {  	_ =	shalt  }
0x62: {  	_ =	shalt  }
0x63: {  	_ =	shalt  }
0x64: {  	_ =	shalt  }
0x65: {  	_ =	shalt  }
0x66: {  	_ =	shalt  }
0x67: {  	_ =	shalt  }
0x68: {  	_ =	shalt  }
0x69: {  	_ =	shalt  }
0x6a: {  	_ =	shalt  }
0x6b: {  	_ =	shalt  }
0x6c: {  	_ =	shalt  }
0x6d: {  	_ =	shalt  }
0x6e: {  	_ =	shalt  }
0x6f: {  	_ =	shalt  }
0x70: {  	_ =	shalt  }
0x71: {  	_ =	shalt  }
0x72: {  	_ =	shalt  }
0x73: {  	_ =	shalt  }
0x74: {  	_ =	shalt  }
0x75: {  	_ =	shalt  }
0x76: {  	_ =	shalt  }
0x77: {  	_ =	shalt  }
0x78: {  	_ =	shalt  }
0x79: {  	_ =	shalt  }
0x7a: {  	_ =	shalt  }
0x7b: {  	_ =	shalt  }
0x7c: {  	_ =	shalt  }
0x7d: {  	_ =	shalt  }
0x7e: {  	_ =	shalt  }
0x7f: {  	_ =	shalt  }
0x80: {  	_ =	shalt  }
0x81: {  	_ =	shalt  }
0x82: {  	_ =	shalt  }
0x83: {  	_ =	shalt  }
0x84: {  	_ =	shalt  }
0x85: {  	_ =	shalt  }
0x86: {  	_ =	shalt  }
0x87: {  	_ =	shalt  }
.Lfunc_end0:
.L_simem_size_0:
called_computation_lowered:
.L_overlay_start_0:
0x88: {  	s2 =	sld [smem:$0x3FD9]  }
0x89: {  	s3 =	sld [smem:$0x3FFE];
	_ =	sdelay $0x1  }
0x8a: {  	s1 =	srdreg.scid  }
0x8b: {  	s0 =	sand.u32 $0x1, s1  }
0x8c: {  	s17 =	sshll.u32 s0, $0xA;
	s2 =	sadd.s32 s3, s2  }
0x8d: {  	s2 =	sadd.s32 s2, s17  }
0x8e: {  	[smem:$0x3FBC] =	sst s2  }
0x8f: {  	_ = 	snop  }
0x90: {  	s18 =	sld [smem:$0x3FC8]  }
0x91: {  	s4 =	sld [smem:$0x3FD0];
	(tm) =	ssettm $0x1  }
0x92: {  	s19 =	sld [smem:$0x3FFB];
	_ =	sdelay $0x3  }
0x93: {  	_ =	strace s19  }
0x94: {  	s2 =	sld [smem:$0x3FFC];
	_ =	sdelay $0x3  }
0x95: {  	_ =	strace s2  }
0x96: {  	s2 =	sld [smem:$0x3FFD];
	_ =	sdelay $0x3  }
0x97: {  	_ =	strace s2  }
0x98: {  	_ =	strace $0x8FFFFFFF  }
0x99: {  	s20 =	sld [smem:$0x3FDB];
	_ =	sdelay $0x1  }
0x9a: {  	s5 =	simm.s32 $_scs_section_size  }
0x9b: {  	s6 =	simm.s32 $_size__tile_overlayer_lowered;
	s7 =	simm.s32 $_tile_overlayer_lowered  }
0x9c: {  	s8 =	simm.s32 $0x1BFF;
	s21 =	sshll.u32 s7, $0x1;
	s5 =	sadd.s32 s5, s20  }
0x9d: {  	s22 =	simm.s32 $0x0;
	s6 =	sshll.u32 s6, $0x1;
	s7 =	sadd.s32 s21, s5  }
0x9e: {  	[timem:s22], [sflag:s8] =	dma.local [hbm:s7], s6  }
0x9f: {  	_ =	swait.ge [sflag:s8], s6  }
0xa0: {  	s6 =	ssub.s32 $0x0, s6;
	[sflag:s8] =	ssyncset.done $0x0  }
0xa1: {  	[sflag:s8] =	ssyncadd.s32 s6;
	_ =	sdelay $0x1  }
0xa2: {  	s23 =	simm.s32 $0x1B8B  }
0xa3: {  	_ =	swait.ge [sflag:s23], $0x1  }
0xa4: {  	[sflag:s23] =	ssyncset.done $0x0  }
0xa5: {  	[sflag:s23] =	ssyncadd.s32 $0xFFFFFFFF  }
0xa6: {  	s6 =	sld [smem:$0x0]  }
0xa7: {  	s7 =	sand.u32 $0xFFFFFFFE, s1  }
0xa8: {  	p0 =	sne.s32 s1, s7  }
0xa9: {  	s7 =	sshll.u32 @p0 s7, $0xE  }
0xaa: {  	s7 =	sadd.s32 @p0 $0x11B8D, s7;
	s8 =	sshll.u32 @p0 s6, $0x11  }
0xab: {  	s7 =	sor.u32 @p0 s8, s7  }
0xac: {  	[sflag:s7] =	ssyncadd.remote.s32 @p0 $0x1;
	_ =	sdelay $0x1  }
0xad: {  	s7 =	simm.s32 @p0 $0x1B8D  }
0xae: {  	_ =	swait.eq @p0 [sflag:s7], $0x1  }
0xaf: {  	[sflag:s7] =	ssyncadd.s32 @p0 $0xFFFFFFFF  }
0xb0: {  	s8 =	sshll.u32 @!p0 s1, $0xE  }
0xb1: {  	s8 =	sor.u32 @!p0 $0x4000, s8;
	s7 =	simm.s32 @!p0 $0x1B8D  }
0xb2: {  	s6 =	sshll.u32 @!p0 s6, $0x11;
	s8 =	sadd.s32 @!p0 $0x11B8D, s8;
	_ =	swait.eq @!p0 [sflag:s7], $0x1  }
0xb3: {  	s6 =	sor.u32 @!p0 s6, s8;
	[sflag:s7] =	ssyncadd.s32 @!p0 $0xFFFFFFFF  }
0xb4: {  	s25 =	simm.s32 $0x1B8E;
	s24 =	sld [smem:$0x3FFE];
	[sflag:s6] =	ssyncadd.remote.s32 @!p0 $0x1  }
0xb5: {  	s26 =	simm.s32 $execute0_lowered;
	[smem:$0x3FD2] =	sst s25  }
0xb6: {  	s7 =	sshll.u32 s26, $0x1;
	_ =	strace $0x8000004F;
	[dreg:$0x1] =	wrdreg $0xFFFFFFFF  }
0xb7: {  	s28 =	simm.s32 $_size_execute0_lowered;
	s5 =	sadd.s32 s5, s7;
	[dreg:$0x0] =	wrdreg $0x0  }
0xb8: {  	s7 =	sshll.u32 s28, $0x1;
	[dreg:$0x2] =	wrdreg s5  }
0xb9: {  	[dreg:$0x3] =	wrdreg s7  }
0xba: {  	[dreg:$0x4] =	wrdreg $0xC0  }
0xbb: {  	_ =	task [dreg:s22], $0x5FFFF  }
0xbc: {  	[dreg:$0x1] =	wrdreg $0xFFFFFFFF  }
0xbd: {  	[dreg:$0x0] =	wrdreg $0x60  }
0xbe: {  	[dreg:$0x2] =	wrdreg s4  }
0xbf: {  	[dreg:$0x3] =	wrdreg s18  }
0xc0: {  	[dreg:$0x4] =	wrdreg s24  }
0xc1: {  	[dreg:$0x5] =	wrdreg $0x9  }
0xc2: {  	_ =	task.clear_ibuf [dreg:s22], $0x6FFFF;
	_ =	strace $0x9000004F  }
0xc3: {  	s29 =	simm.s32 $0x9;
	_ =	strace $0x80000051  }
0xc4: {  	_ =	swait.ge [sflag:s29], $0x1  }
0xc5: {  	[sflag:s29] =	ssyncadd.s32 $0xFFFFFFFF  }
0xc6: {  	_ =	strace $0x90000051  }
0xc7: {  	_ =	sfence  }
0xc8: {  	s30 =	sld [smem:$0x0];
	_ =	sdelay $0x2  }
0xc9: {  	s31 =	sshll.u32 s1, $0xD;
	s1 =	sshrl.u32 s1, $0x2  }
0xca: {  	s4 =	sand.u32 $0x4000, s31;
	s1 =	sadd.s32 s1, s30  }
0xcb: {  	s0 =	sor.u32 s4, s0;
	s1 =	sshll.u32 s1, $0x11  }
0xcc: {  	s0 =	sor.u32 s1, s0  }
0xcd: {  	s0 =	sadd.s32 $0x8F2B, s0  }
0xce: {  	[sflag:s0] =	ssyncadd.remote.s32 $0x1  }
0xcf: {  	_ =	sfence.sel $0xFFFF  }
0xd0: {  	[dreg:$0x0] =	wrdreg $0xFFFFFFFF;
	(pc) =	sbr.abs _section_cstart, $3  }
0xd1: {  	[dreg:$0x1] =	wrdreg $0xFFFFFFFF  }
0xd2: {  	_ =	task.clear_ibuf [dreg:s22], $0x2FFFF;
	_ =	strace $0x9FFFFFFF  }
0xd3: {  	(tm) =	ssettm $0x7FFFFFFF  }
tec
execute0_lowered:
.L_overlay_start_1:
0x0: {  	(tag) =	ssettag $0x1  }
0x1: {  	s4 =	rddreg [dreg:$0x0];
	s1 =	srdreg.scid  }
0x2: {  	s2 =	rddreg [dreg:$0x1];
	s0 =	stileid.u32;
	s24 =	sand.u32 $0x1, s1  }
0x3: {  	s10 =	rddreg [dreg:$0x2];
	s5 =	sshll.u32 s0, $0xB;
	s6 =	sshll.u32 s24, $0xA  }
0x4: {  	s3 =	simm.s32 $0x0;
	s1 =	rddreg [dreg:$0x3];
	s11 =	sor.u32 s6, s5  }
0x5: {  	[smem:$0x7FF] =	sst s3;
	s5 =	sshrl.u32 s11, $0x3  }
0x6: {  	_ =	strace $0x80000050;
	s5 =	sadd.s32 s4, s5;
	s4 =	simm.s32 $0x3  }
0x7: {  	[tilespmem:s3], [sflag:$0x3] =	stream.linear.gather [hbm4b:s5+s3], $0x400, $0x38;
	[tilespmem:$0x8400] =	vst v63  }
0x8: {  	_ =	swait.ge [sflag:s4], $0x400  }
0x9: {  	[sflag:s4] =	ssyncset.done $0x0  }
0xa: {  	s7 =	simm.s32 $0x400;
	s6 =	simm.s32 $0x80;
	[sflag:s4] =	ssyncadd.s32 $0xFFFFFC00  }
0xb: {  	[tilespmem:s7], [sflag:$0x1] =	stream.indirect.gather [hbm4b:s2+s6], $0x80, s3, s6, $0xb8;
	[tilespmem:$0x8400] =	vst v63  }
0xc: {  	s8 =	simm.s32 $0x4400;
	s9 =	simm.s32 $0x1  }
0xd: {  	[tilespmem:s8], [sflag:$0x2] =	stream.indirect.gather [hbm4b:s2+s6], $0x80, s6, s6, $0xb8;
	[tilespmem:$0x8400] =	vst v63  }
0xe: {  	s11 =	sshll.u32 s11, $0x4;
	_ =	swait.ge [sflag:s9], $0x4000  }
0xf: {  	s25 =	sadd.s32 s11, s10;
	[sflag:s9] =	ssyncset.done $0x0  }
0x10: {  	s10 =	sadd.s32 $0x186200, s25;
	[sflag:s9] =	ssyncadd.s32 $0xFFFFC000  }
0x11: {  	[hbm4b:s10+s3] =	stream.linear.scatter [tilespmem:s7], [sflag:$0x3], $0x4000, $0x38;
	[tilespmem:$0x8400] =	vst v63  }
0x12: {  	_ =	swait.ge [sflag:s4], $0x4000  }
0x13: {  	[sflag:s4] =	ssyncset.done $0x0  }
0x14: {  	s12 =	simm.s32 $0x2;
	s11 =	simm.s32 $0x100;
	[sflag:s4] =	ssyncadd.s32 $0xFFFFC000  }
0x15: {  	[tilespmem:s7], [sflag:$0x1] =	stream.indirect.gather [hbm4b:s2+s6], $0x80, s11, s6, $0xb8;
	[tilespmem:$0x8400] =	vst v63  }
0x16: {  	_ =	swait.ge [sflag:s12], $0x4000  }
0x17: {  	[sflag:s12] =	ssyncset.done $0x0  }
0x18: {  	s13 =	sadd.s32 $0x186A00, s25;
	[sflag:s12] =	ssyncadd.s32 $0xFFFFC000  }
0x19: {  	[hbm4b:s13+s3] =	stream.linear.scatter [tilespmem:s8], [sflag:$0x3], $0x4000, $0x38;
	[tilespmem:$0x8400] =	vst v63  }
0x1a: {  	_ =	swait.ge [sflag:s4], $0x4000  }
0x1b: {  	[sflag:s4] =	ssyncset.done $0x0  }
0x1c: {  	s14 =	simm.s32 $0x180;
	[sflag:s4] =	ssyncadd.s32 $0xFFFFC000  }
0x1d: {  	[tilespmem:s8], [sflag:$0x2] =	stream.indirect.gather [hbm4b:s2+s6], $0x80, s14, s6, $0xb8;
	[tilespmem:$0x8400] =	vst v63  }
0x1e: {  	_ =	swait.ge [sflag:s9], $0x4000  }
0x1f: {  	[sflag:s9] =	ssyncset.done $0x0  }
0x20: {  	s15 =	sadd.s32 $0x187200, s25;
	[sflag:s9] =	ssyncadd.s32 $0xFFFFC000  }
0x21: {  	[hbm4b:s15+s3] =	stream.linear.scatter [tilespmem:s7], [sflag:$0x3], $0x4000, $0x38;
	[tilespmem:$0x8400] =	vst v63  }
0x22: {  	_ =	swait.ge [sflag:s4], $0x4000  }
0x23: {  	[sflag:s4] =	ssyncset.done $0x0  }
0x24: {  	s16 =	simm.s32 $0x200;
	[sflag:s4] =	ssyncadd.s32 $0xFFFFC000  }
0x25: {  	[tilespmem:s7], [sflag:$0x1] =	stream.indirect.gather [hbm4b:s2+s6], $0x80, s16, s6, $0xb8;
	[tilespmem:$0x8400] =	vst v63  }
0x26: {  	_ =	swait.ge [sflag:s12], $0x4000  }
0x27: {  	[sflag:s12] =	ssyncset.done $0x0  }
0x28: {  	s17 =	sadd.s32 $0x187A00, s25;
	[sflag:s12] =	ssyncadd.s32 $0xFFFFC000  }
0x29: {  	[hbm4b:s17+s3] =	stream.linear.scatter [tilespmem:s8], [sflag:$0x3], $0x4000, $0x38;
	[tilespmem:$0x8400] =	vst v63  }
0x2a: {  	_ =	swait.ge [sflag:s4], $0x4000  }
0x2b: {  	[sflag:s4] =	ssyncset.done $0x0  }
0x2c: {  	s18 =	simm.s32 $0x280;
	[sflag:s4] =	ssyncadd.s32 $0xFFFFC000  }
0x2d: {  	[tilespmem:s8], [sflag:$0x2] =	stream.indirect.gather [hbm4b:s2+s6], $0x80, s18, s6, $0xb8;
	[tilespmem:$0x8400] =	vst v63  }
0x2e: {  	_ =	swait.ge [sflag:s9], $0x4000  }
0x2f: {  	[sflag:s9] =	ssyncset.done $0x0  }
0x30: {  	s19 =	sadd.s32 $0x188200, s25;
	[sflag:s9] =	ssyncadd.s32 $0xFFFFC000  }
0x31: {  	[hbm4b:s19+s3] =	stream.linear.scatter [tilespmem:s7], [sflag:$0x3], $0x4000, $0x38;
	[tilespmem:$0x8400] =	vst v63  }
0x32: {  	_ =	swait.ge [sflag:s4], $0x4000  }
0x33: {  	[sflag:s4] =	ssyncset.done $0x0  }
0x34: {  	s20 =	simm.s32 $0x300;
	[sflag:s4] =	ssyncadd.s32 $0xFFFFC000  }
0x35: {  	[tilespmem:s7], [sflag:$0x1] =	stream.indirect.gather [hbm4b:s2+s6], $0x80, s20, s6, $0xb8;
	[tilespmem:$0x8400] =	vst v63  }
0x36: {  	_ =	swait.ge [sflag:s12], $0x4000  }
0x37: {  	[sflag:s12] =	ssyncset.done $0x0  }
0x38: {  	s21 =	sadd.s32 $0x188A00, s25;
	[sflag:s12] =	ssyncadd.s32 $0xFFFFC000  }
0x39: {  	[hbm4b:s21+s3] =	stream.linear.scatter [tilespmem:s8], [sflag:$0x3], $0x4000, $0x38;
	[tilespmem:$0x8400] =	vst v63  }
0x3a: {  	_ =	swait.ge [sflag:s4], $0x4000  }
0x3b: {  	[sflag:s4] =	ssyncset.done $0x0  }
0x3c: {  	s22 =	simm.s32 $0x380;
	[sflag:s4] =	ssyncadd.s32 $0xFFFFC000  }
0x3d: {  	[tilespmem:s8], [sflag:$0x2] =	stream.indirect.gather [hbm4b:s2+s6], $0x80, s22, s6, $0xb8;
	[tilespmem:$0x8400] =	vst v63  }
0x3e: {  	_ =	swait.ge [sflag:s9], $0x4000  }
0x3f: {  	[sflag:s9] =	ssyncset.done $0x0  }
0x40: {  	s24 =	ssub.s32 $0x2, s24;
	s23 =	sadd.s32 $0x189200, s25;
	[sflag:s9] =	ssyncadd.s32 $0xFFFFC000  }
0x41: {  	[hbm4b:s23+s3] =	stream.linear.scatter [tilespmem:s7], [sflag:$0x3], $0x4000, $0x38;
	[tilespmem:$0x8400] =	vst v63  }
0x42: {  	s26 =	sshrl.u32 s24, $0x1;
	_ =	swait.ge [sflag:s4], $0x4000  }
0x43: {  	s24 =	ssub.s32 s24, s26;
	[sflag:s4] =	ssyncset.done $0x0  }
0x44: {  	s26 =	smax.u32 s24, $0x1;
	[sflag:s4] =	ssyncadd.s32 $0xFFFFC000  }
0x45: {  	p0 =	sne.s32 s26, $0x1;
	_ =	swait.ge [sflag:s12], $0x4000  }
.Ltmp0:
0x46: {  	[sflag:s12] =	ssyncset.done $0x0;
	(pc) =	sbr.rel @!p0 .LBB2_2-.Ltmp0, $4  }
0x47: {  	s24 =	sadd.s32 $0x189A00, s25;
	[sflag:s12] =	ssyncadd.s32 $0xFFFFC000  }
0x48: {  	[hbm4b:s24+s3] =	stream.linear.scatter [tilespmem:s8], [sflag:$0x3], $0x4000, $0x38;
	[tilespmem:$0x8400] =	vst v63  }
0x49: {  	_ =	swait.ge [sflag:s4], $0x4000  }
0x4a: {  	s25 =	sadd.s32 $0xFFFFFFFF, s26;
	[sflag:s4] =	ssyncset.done $0x0  }
.LBB2_1:
0x4b: {  	p0 =	sne.s32 s25, $0x1;
	s25 =	sadd.s32 $0xFFFFFFFF, s25;
	[sflag:s4] =	ssyncadd.s32 $0xFFFFC000  }
0x4c: {  	[tilespmem:s3], [sflag:$0x3] =	stream.linear.gather [hbm4b:s5+s3], $0x400, $0x38;
	[tilespmem:$0x8400] =	vst v63  }
0x4d: {  	_ =	swait.ge [sflag:s4], $0x400  }
0x4e: {  	[sflag:s4] =	ssyncset.done $0x0  }
0x4f: {  	[sflag:s4] =	ssyncadd.s32 $0xFFFFFC00  }
0x50: {  	[tilespmem:s7], [sflag:$0x1] =	stream.indirect.gather [hbm4b:s2+s6], $0x80, s3, s6, $0xb8;
	[tilespmem:$0x8400] =	vst v63  }
0x51: {  	_ = 	snop  }
0x52: {  	[tilespmem:s8], [sflag:$0x2] =	stream.indirect.gather [hbm4b:s2+s6], $0x80, s6, s6, $0xb8;
	[tilespmem:$0x8400] =	vst v63  }
0x53: {  	_ =	swait.ge [sflag:s9], $0x4000  }
0x54: {  	[sflag:s9] =	ssyncset.done $0x0  }
0x55: {  	[sflag:s9] =	ssyncadd.s32 $0xFFFFC000  }
0x56: {  	[hbm4b:s10+s3] =	stream.linear.scatter [tilespmem:s7], [sflag:$0x3], $0x4000, $0x38;
	[tilespmem:$0x8400] =	vst v63  }
0x57: {  	_ =	swait.ge [sflag:s4], $0x4000  }
0x58: {  	[sflag:s4] =	ssyncset.done $0x0  }
0x59: {  	[sflag:s4] =	ssyncadd.s32 $0xFFFFC000  }
0x5a: {  	[tilespmem:s7], [sflag:$0x1] =	stream.indirect.gather [hbm4b:s2+s6], $0x80, s11, s6, $0xb8;
	[tilespmem:$0x8400] =	vst v63  }
0x5b: {  	_ =	swait.ge [sflag:s12], $0x4000  }
0x5c: {  	[sflag:s12] =	ssyncset.done $0x0  }
0x5d: {  	[sflag:s12] =	ssyncadd.s32 $0xFFFFC000  }
0x5e: {  	[hbm4b:s13+s3] =	stream.linear.scatter [tilespmem:s8], [sflag:$0x3], $0x4000, $0x38;
	[tilespmem:$0x8400] =	vst v63  }
0x5f: {  	_ =	swait.ge [sflag:s4], $0x4000  }
0x60: {  	[sflag:s4] =	ssyncset.done $0x0  }
0x61: {  	[sflag:s4] =	ssyncadd.s32 $0xFFFFC000  }
0x62: {  	[tilespmem:s8], [sflag:$0x2] =	stream.indirect.gather [hbm4b:s2+s6], $0x80, s14, s6, $0xb8;
	[tilespmem:$0x8400] =	vst v63  }
0x63: {  	_ =	swait.ge [sflag:s9], $0x4000  }
0x64: {  	[sflag:s9] =	ssyncset.done $0x0  }
0x65: {  	[sflag:s9] =	ssyncadd.s32 $0xFFFFC000  }
0x66: {  	[hbm4b:s15+s3] =	stream.linear.scatter [tilespmem:s7], [sflag:$0x3], $0x4000, $0x38;
	[tilespmem:$0x8400] =	vst v63  }
0x67: {  	_ =	swait.ge [sflag:s4], $0x4000  }
0x68: {  	[sflag:s4] =	ssyncset.done $0x0  }
0x69: {  	[sflag:s4] =	ssyncadd.s32 $0xFFFFC000  }
0x6a: {  	[tilespmem:s7], [sflag:$0x1] =	stream.indirect.gather [hbm4b:s2+s6], $0x80, s16, s6, $0xb8;
	[tilespmem:$0x8400] =	vst v63  }
0x6b: {  	_ =	swait.ge [sflag:s12], $0x4000  }
0x6c: {  	[sflag:s12] =	ssyncset.done $0x0  }
0x6d: {  	[sflag:s12] =	ssyncadd.s32 $0xFFFFC000  }
0x6e: {  	[hbm4b:s17+s3] =	stream.linear.scatter [tilespmem:s8], [sflag:$0x3], $0x4000, $0x38;
	[tilespmem:$0x8400] =	vst v63  }
0x6f: {  	_ =	swait.ge [sflag:s4], $0x4000  }
0x70: {  	[sflag:s4] =	ssyncset.done $0x0  }
0x71: {  	[sflag:s4] =	ssyncadd.s32 $0xFFFFC000  }
0x72: {  	[tilespmem:s8], [sflag:$0x2] =	stream.indirect.gather [hbm4b:s2+s6], $0x80, s18, s6, $0xb8;
	[tilespmem:$0x8400] =	vst v63  }
0x73: {  	_ =	swait.ge [sflag:s9], $0x4000  }
0x74: {  	[sflag:s9] =	ssyncset.done $0x0  }
0x75: {  	[sflag:s9] =	ssyncadd.s32 $0xFFFFC000  }
0x76: {  	[hbm4b:s19+s3] =	stream.linear.scatter [tilespmem:s7], [sflag:$0x3], $0x4000, $0x38;
	[tilespmem:$0x8400] =	vst v63  }
0x77: {  	_ =	swait.ge [sflag:s4], $0x4000  }
0x78: {  	[sflag:s4] =	ssyncset.done $0x0  }
0x79: {  	[sflag:s4] =	ssyncadd.s32 $0xFFFFC000  }
0x7a: {  	[tilespmem:s7], [sflag:$0x1] =	stream.indirect.gather [hbm4b:s2+s6], $0x80, s20, s6, $0xb8;
	[tilespmem:$0x8400] =	vst v63  }
0x7b: {  	_ =	swait.ge [sflag:s12], $0x4000  }
0x7c: {  	[sflag:s12] =	ssyncset.done $0x0  }
0x7d: {  	[sflag:s12] =	ssyncadd.s32 $0xFFFFC000  }
0x7e: {  	[hbm4b:s21+s3] =	stream.linear.scatter [tilespmem:s8], [sflag:$0x3], $0x4000, $0x38;
	[tilespmem:$0x8400] =	vst v63  }
0x7f: {  	_ =	swait.ge [sflag:s4], $0x4000  }
0x80: {  	[sflag:s4] =	ssyncset.done $0x0  }
0x81: {  	[sflag:s4] =	ssyncadd.s32 $0xFFFFC000  }
0x82: {  	[tilespmem:s8], [sflag:$0x2] =	stream.indirect.gather [hbm4b:s2+s6], $0x80, s22, s6, $0xb8;
	[tilespmem:$0x8400] =	vst v63  }
0x83: {  	_ =	swait.ge [sflag:s9], $0x4000  }
0x84: {  	[sflag:s9] =	ssyncset.done $0x0  }
0x85: {  	[sflag:s9] =	ssyncadd.s32 $0xFFFFC000  }
0x86: {  	[hbm4b:s23+s3] =	stream.linear.scatter [tilespmem:s7], [sflag:$0x3], $0x4000, $0x38;
	[tilespmem:$0x8400] =	vst v63  }
0x87: {  	_ =	swait.ge [sflag:s4], $0x4000  }
0x88: {  	[sflag:s4] =	ssyncset.done $0x0  }
0x89: {  	[sflag:s4] =	ssyncadd.s32 $0xFFFFC000  }
0x8a: {  	_ =	swait.ge [sflag:s12], $0x4000  }
.Ltmp1:
0x8b: {  	[sflag:s12] =	ssyncset.done $0x0;
	(pc) =	sbr.rel @p0 .LBB2_1-.Ltmp1, $4  }
0x8c: {  	[sflag:s12] =	ssyncadd.s32 $0xFFFFC000  }
0x8d: {  	[hbm4b:s24+s3] =	stream.linear.scatter [tilespmem:s8], [sflag:$0x3], $0x4000, $0x38;
	[tilespmem:$0x8400] =	vst v63  }
0x8e: {  	_ =	swait.ge [sflag:s4], $0x4000  }
0x8f: {  	[sflag:s4] =	ssyncset.done $0x0  }
.LBB2_2:
0x90: {  	[sflag:s4] =	ssyncadd.s32 $0xFFFFC000  }
0x91: {  	_ =	sfence.sel $0x180000  }
0x92: {  	[bflag:$0x0] =	sbarrier.arrive $0xFFFF  }
0x93: {  	p0 =	sne.s32 s0, $0x0;
	_ =	strace $0x90000050  }
0x94: {  	s0 =	sadd.s32 @!p0 $0x100000, s1;
	[bflag:$0x2] =	sbarrier.arrive $0xFFFF  }
0x95: {  	[sflag:s0] =	ssyncadd.tile.s32 @!p0 $0x1;
	_ =	shalt  }
.Lfunc_end2:
_tile_overlayer_lowered:
.L_overlay_start_2:
0x96: {  	(tag) =	ssettag $0x2  }
0x97: {  	s0 =	rddreg [dreg:$0x0];
	s2 =	stileid.u32  }
0x98: {  	s1 =	rddreg [dreg:$0x1];
	p0 =	sne.s32 s2, $0x0  }
0x99: {  	s3 =	rddreg [dreg:$0x2];
	[bflag:$0x3] =	sbarrier.arrive $0xFFFF;
	s2 =	simm.s32 @!p0 $0x1C03  }
0x9a: {  	[timem:s3], [sflag:s2] =	dma.local @!p0 [hbm:s0], s1  }
0x9b: {  	s0 =	simm.s32 @!p0 $0x3  }
0x9c: {  	_ =	swait.ge @!p0 [sflag:s0], s1  }
0x9d: {  	s1 =	ssub.s32 @!p0 $0x0, s1;
	[sflag:s0] =	ssyncset.done @!p0 $0x0  }
0x9e: {  	[sflag:s0] =	ssyncadd.s32 @!p0 s1  }
0x9f: {  	[bflag:$0x3] =	sbarrier.arrive $0xFFFF  }
0xa0: {  	_ =	shalt  }

// kernel: kernel.13.cloned.1.call-start
scs
__scs_entry_jumppad:
0x0: {  	(pc) =	sbr.rel $0x88, $3  }
0x1: {  	(tag) =	ssettag $0x0;
	lr =	simm.s32 $0x1  }
0x2: {  	[smem:$0x3F95] =	sst lr;
	_ =	strace $0xD0000000  }
0x3: {  	_ = 	snop  }
0x4: {  	_ = 	snop  }
0x5: {  	_ = 	snop  }
0x6: {  	_ = 	snop  }
0x7: {  	_ = 	snop  }
__scs_overlays_trampoline_lowered:
0x8: {  	[smem:$0x3FA4] =	sst s0  }
0x9: {  	[smem:$0x3FA5] =	sst s1  }
0xa: {  	[smem:$0x3FA6] =	sst s2  }
0xb: {  	[smem:$0x3FA7] =	sst s3  }
0xc: {  	[smem:$0x3FA8] =	sst s4  }
0xd: {  	[smem:$0x3FA9] =	sst s5  }
0xe: {  	[smem:$0x3FAA] =	sst s6  }
0xf: {  	[smem:$0x3FAB] =	sst s7  }
0x10: {  	[smem:$0x3FAC] =	sst s8  }
0x11: {  	[smem:$0x3FAD] =	sst s9;
	s0 =	simm.s32 @!p0 $0x0  }
0x12: {  	s1 =	sld [smem:$0x3F93];
	s0 =	simm.s32 @p0 $0x1  }
0x13: {  	[smem:$0x3FAE] =	sst s0;
	s0 =	simm.s32 @!p1 $0x0  }
0x14: {  	s2 =	sld [smem:$0x3F92];
	s0 =	simm.s32 @p1 $0x1  }
0x15: {  	[smem:$0x3FAF] =	sst s0;
	s0 =	simm.s32 @!p2 $0x0  }
0x16: {  	s3 =	sld [smem:$0x3FDB];
	s0 =	simm.s32 @p2 $0x1  }
0x17: {  	s4 =	simm.s32 $0x1BF5;
	[smem:$0x3FB1] =	sst s0  }
0x18: {  	s0 =	sld [smem:$0x3F94];
	_ =	swait.ge [sflag:s4], $0x0  }
0x19: {  	s7 =	sld [smem:$0x3F95]  }
0x1a: {  	s8 =	sadd.s32 $0xFFFFE003, lr  }
0x1b: {  	s9 =	sadd.s32 $0xFFFFFEF7, lr;
	s5 =	simm.s32 $0xFFFFFFFF;
	p2 =	slt.u32 s8, $0xFFFFF086  }
0x1c: {  	p1 =	slt.u32 s9, $0xF7A;
	s5 =	simm.s32 @!p2 $0x0  }
0x1d: {  	s5 =	simm.s32 @p1 $0x1;
	p0 =	seq.s32 s7, s2  }
0x1e: {  	s7 =	smul.u32 @!p0 $0xF7A, s2;
	p2 =	seq.s32 @!p0 s5, $0x0  }
0x1f: {  	s9 =	smul.u32 $0xF7A, s1;
	s8 =	simm.s32 @!p0 $0x1BF5;
	p2 =	por !p2, p0  }
0x20: {  	[sflag:s8] =	ssyncset.s32 @!p0 $0xFFFFF086;
	s6 =	sadd.s32 @!p0 s3, s7;
	s7 =	simm.s32 @!p0 $0x108  }
0x21: {  	s3 =	sadd.s32 s3, s9;
	s6 =	sadd.s32 @!p0 $0x88, s6;
	s7 =	simm.s32 @p2 $0x1082  }
0x22: {  	[simem:s7], [sflag:s8] =	dma.local @!p0 [hbm:s6], $0xF7A  }
0x23: {  	s9 =	sor.u32 $0xD0000000, s2;
	s6 =	simm.s32 $0x108;
	_ =	swait.ge @!p0 [sflag:s8], $0x0  }
0x24: {  	s3 =	sadd.s32 $0x88, s3;
	s6 =	simm.s32 @!p1 $0x1082;
	[sflag:s4] =	ssyncset.s32 $0xFFFFF086  }
0x25: {  	[simem:s6], [sflag:s4] =	dma.local [hbm:s3], $0xF7A  }
0x26: {  	[smem:$0x3F95] =	sst s1;
	(tag) =	ssettag s2;
	_ =	strace s9  }
0x27: {  	s1 =	sld [smem:$0x3FA5]  }
0x28: {  	s2 =	sld [smem:$0x3FA6]  }
0x29: {  	s4 =	sld [smem:$0x3FA8]  }
0x2a: {  	p0 =	seq.s32 s5, $0x0;
	s5 =	sld [smem:$0x3FA9]  }
0x2b: {  	s6 =	sld [smem:$0x3FAA]  }
0x2c: {  	s7 =	sld [smem:$0x3FAB]  }
0x2d: {  	s3 =	simm.s32 $0x108;
	s8 =	sld [smem:$0x3FAC]  }
0x2e: {  	s3 =	simm.s32 @!p0 $0x1082;
	s9 =	sld [smem:$0x3FAD]  }
0x2f: {  	lr =	sadd.s32 s0, s3;
	s0 =	sld [smem:$0x3FA4]  }
0x30: {  	s3 =	sld [smem:$0x3FA7]  }
0x31: {  	[smem:$0x3FB0] =	sst s10  }
0x32: {  	s10 =	sld [smem:$0x3FAE];
	_ =	sdelay $0x3  }
0x33: {  	p0 =	seq.s32 s10, $0x1;
	s10 =	sld [smem:$0x3FB0];
	_ =	sdelay $0x3  }
0x34: {  	[smem:$0x3FB0] =	sst s10  }
0x35: {  	s10 =	sld [smem:$0x3FAF];
	_ =	sdelay $0x3  }
0x36: {  	p1 =	seq.s32 s10, $0x1;
	s10 =	sld [smem:$0x3FB0];
	_ =	sdelay $0x3  }
0x37: {  	[smem:$0x3FB0] =	sst s10  }
0x38: {  	s10 =	sld [smem:$0x3FB1]  }
0x39: {  	_ = 	snop;
	(pc) =	sbr.ind lr, $3  }
0x3a: {  	_ = 	snop  }
0x3b: {  	_ = 	snop  }
0x3c: {  	p2 =	seq.s32 s10, $0x1;
	s10 =	sld [smem:$0x3FB0]  }
0x3d: {  	_ =	shalt  }
0x3e: {  	_ =	shalt  }
0x3f: {  	_ =	shalt  }
0x40: {  	_ =	shalt  }
0x41: {  	_ =	shalt  }
0x42: {  	_ =	shalt  }
0x43: {  	_ =	shalt  }
0x44: {  	_ =	shalt  }
0x45: {  	_ =	shalt  }
0x46: {  	_ =	shalt  }
0x47: {  	_ =	shalt  }
0x48: {  	_ =	shalt  }
0x49: {  	_ =	shalt  }
0x4a: {  	_ =	shalt  }
0x4b: {  	_ =	shalt  }
0x4c: {  	_ =	shalt  }
0x4d: {  	_ =	shalt  }
0x4e: {  	_ =	shalt  }
0x4f: {  	_ =	shalt  }
0x50: {  	_ =	shalt  }
0x51: {  	_ =	shalt  }
0x52: {  	_ =	shalt  }
0x53: {  	_ =	shalt  }
0x54: {  	_ =	shalt  }
0x55: {  	_ =	shalt  }
0x56: {  	_ =	shalt  }
0x57: {  	_ =	shalt  }
0x58: {  	_ =	shalt  }
0x59: {  	_ =	shalt  }
0x5a: {  	_ =	shalt  }
0x5b: {  	_ =	shalt  }
0x5c: {  	_ =	shalt  }
0x5d: {  	_ =	shalt  }
0x5e: {  	_ =	shalt  }
0x5f: {  	_ =	shalt  }
0x60: {  	_ =	shalt  }
0x61: {  	_ =	shalt  }
0x62: {  	_ =	shalt  }
0x63: {  	_ =	shalt  }
0x64: {  	_ =	shalt  }
0x65: {  	_ =	shalt  }
0x66: {  	_ =	shalt  }
0x67: {  	_ =	shalt  }
0x68: {  	_ =	shalt  }
0x69: {  	_ =	shalt  }
0x6a: {  	_ =	shalt  }
0x6b: {  	_ =	shalt  }
0x6c: {  	_ =	shalt  }
0x6d: {  	_ =	shalt  }
0x6e: {  	_ =	shalt  }
0x6f: {  	_ =	shalt  }
0x70: {  	_ =	shalt  }
0x71: {  	_ =	shalt  }
0x72: {  	_ =	shalt  }
0x73: {  	_ =	shalt  }
0x74: {  	_ =	shalt  }
0x75: {  	_ =	shalt  }
0x76: {  	_ =	shalt  }
0x77: {  	_ =	shalt  }
0x78: {  	_ =	shalt  }
0x79: {  	_ =	shalt  }
0x7a: {  	_ =	shalt  }
0x7b: {  	_ =	shalt  }
0x7c: {  	_ =	shalt  }
0x7d: {  	_ =	shalt  }
0x7e: {  	_ =	shalt  }
0x7f: {  	_ =	shalt  }
0x80: {  	_ =	shalt  }
0x81: {  	_ =	shalt  }
0x82: {  	_ =	shalt  }
0x83: {  	_ =	shalt  }
0x84: {  	_ =	shalt  }
0x85: {  	_ =	shalt  }
0x86: {  	_ =	shalt  }
0x87: {  	_ =	shalt  }
.Lfunc_end0:
.L_simem_size_0:
called_computation.1_lowered:
.L_overlay_start_0:
0x88: {  	s2 =	sld [smem:$0x3FD9]  }
0x89: {  	s3 =	sld [smem:$0x3FFE];
	_ =	sdelay $0x1  }
0x8a: {  	s1 =	srdreg.scid  }
0x8b: {  	s0 =	sand.u32 $0x1, s1  }
0x8c: {  	s17 =	sshll.u32 s0, $0xA;
	s2 =	sadd.s32 s3, s2  }
0x8d: {  	s2 =	sadd.s32 s2, s17  }
0x8e: {  	[smem:$0x3FBC] =	sst s2  }
0x8f: {  	_ = 	snop  }
0x90: {  	s2 =	sld [smem:$0x3FC8];
	(tm) =	ssettm $0x1  }
0x91: {  	s18 =	sld [smem:$0x3FFB];
	_ =	sdelay $0x3  }
0x92: {  	_ =	strace s18  }
0x93: {  	s3 =	sld [smem:$0x3FFC];
	_ =	sdelay $0x3  }
0x94: {  	_ =	strace s3  }
0x95: {  	s3 =	sld [smem:$0x3FFD];
	_ =	sdelay $0x3  }
0x96: {  	_ =	strace s3  }
0x97: {  	_ =	strace $0x8FFFFFFF  }
0x98: {  	s19 =	sld [smem:$0x3FDB];
	_ =	sdelay $0x1  }
0x99: {  	s4 =	simm.s32 $_scs_section_size  }
0x9a: {  	s5 =	simm.s32 $_size__tile_overlayer_lowered;
	s6 =	simm.s32 $_tile_overlayer_lowered  }
0x9b: {  	s22 =	simm.s32 $0x1BFF;
	s21 =	sshll.u32 s6, $0x1;
	s3 =	sadd.s32 s4, s19  }
0x9c: {  	s7 =	simm.s32 $0x0;
	s20 =	sshll.u32 s5, $0x1;
	s5 =	sadd.s32 s21, s3  }
0x9d: {  	[timem:s7], [sflag:s22] =	dma.local [hbm:s5], s20  }
0x9e: {  	_ =	swait.ge [sflag:s22], s20  }
0x9f: {  	s4 =	ssub.s32 $0x0, s20;
	[sflag:s22] =	ssyncset.done $0x0  }
0xa0: {  	[sflag:s22] =	ssyncadd.s32 s4;
	_ =	sdelay $0x1  }
0xa1: {  	s23 =	simm.s32 $0x1B8B  }
0xa2: {  	_ =	swait.ge [sflag:s23], $0x1  }
0xa3: {  	[sflag:s23] =	ssyncset.done $0x0  }
0xa4: {  	s25 =	simm.s32 $0x1B8E;
	s24 =	sld [smem:$0x3FFE];
	[sflag:s23] =	ssyncadd.s32 $0xFFFFFFFF  }
0xa5: {  	s26 =	simm.s32 $execute0_lowered;
	[smem:$0x3FD2] =	sst s25  }
0xa6: {  	s5 =	sshll.u32 s26, $0x1;
	_ =	strace $0x80000046;
	[dreg:$0x1] =	wrdreg $0xFFFFFFFF  }
0xa7: {  	s28 =	simm.s32 $_size_execute0_lowered;
	s3 =	sadd.s32 s3, s5;
	[dreg:$0x0] =	wrdreg $0x0  }
0xa8: {  	s5 =	sshll.u32 s28, $0x1;
	[dreg:$0x2] =	wrdreg s3  }
0xa9: {  	[dreg:$0x3] =	wrdreg s5  }
0xaa: {  	[dreg:$0x4] =	wrdreg $0xC0  }
0xab: {  	_ =	task [dreg:s7], $0x5FFFF  }
0xac: {  	[dreg:$0x1] =	wrdreg $0xFFFFFFFF  }
0xad: {  	[dreg:$0x0] =	wrdreg $0x60  }
0xae: {  	[dreg:$0x2] =	wrdreg s24  }
0xaf: {  	[dreg:$0x3] =	wrdreg s2  }
0xb0: {  	[dreg:$0x4] =	wrdreg $0xA  }
0xb1: {  	_ =	task.clear_ibuf [dreg:s7], $0x5FFFF;
	_ =	strace $0x90000046  }
0xb2: {  	s29 =	simm.s32 $0xA;
	_ =	strace $0x80000048  }
0xb3: {  	_ =	swait.ge [sflag:s29], $0x1  }
0xb4: {  	[sflag:s29] =	ssyncadd.s32 $0xFFFFFFFF  }
0xb5: {  	_ =	strace $0x90000048  }
0xb6: {  	_ =	sfence  }
0xb7: {  	s30 =	sld [smem:$0x0];
	_ =	sdelay $0x2  }
0xb8: {  	s31 =	sshll.u32 s1, $0xD;
	s1 =	sshrl.u32 s1, $0x2  }
0xb9: {  	s3 =	sand.u32 $0x4000, s31;
	s1 =	sadd.s32 s1, s30  }
0xba: {  	s0 =	sor.u32 s3, s0;
	s1 =	sshll.u32 s1, $0x11  }
0xbb: {  	s0 =	sor.u32 s1, s0  }
0xbc: {  	s0 =	sadd.s32 $0x8F2B, s0  }
0xbd: {  	[sflag:s0] =	ssyncadd.remote.s32 $0x1  }
0xbe: {  	_ =	sfence.sel $0xFFFF  }
0xbf: {  	[dreg:$0x0] =	wrdreg $0xFFFFFFFF;
	(pc) =	sbr.abs _section_cstart, $3  }
0xc0: {  	[dreg:$0x1] =	wrdreg $0xFFFFFFFF  }
0xc1: {  	_ =	task.clear_ibuf [dreg:s7], $0x2FFFF;
	_ =	strace $0x9FFFFFFF  }
0xc2: {  	(tm) =	ssettm $0x7FFFFFFF  }
0xc3: {  	_ =	shalt  }
tec
execute0_lowered:
.L_overlay_start_1:
0x0: {  	(tag) =	ssettag $0x1  }
0x1: {  	s1 =	srdreg.scid  }
0x2: {  	s0 =	stileid.u32;
	s24 =	sand.u32 $0x1, s1  }
0x3: {  	s10 =	rddreg [dreg:$0x0];
	s31 =	sshll.u32 s0, $0xB;
	s3 =	sshll.u32 s24, $0xA  }
0x4: {  	s2 =	rddreg [dreg:$0x1];
	s11 =	sor.u32 s3, s31  }
0x5: {  	s1 =	rddreg [dreg:$0x2];
	s3 =	simm.s32 $0x0;
	s4 =	sshrl.u32 s11, $0x3  }
0x6: {  	[smem:$0x7FF] =	sst s3;
	s4 =	sadd.s32 s4, s10  }
0x7: {  	_ =	strace $0x80000047;
	s5 =	sadd.s32 $0x3200, s4;
	s4 =	simm.s32 $0x3  }
0x8: {  	[tilespmem:s3], [sflag:$0x3] =	stream.linear.gather [hbm4b:s5+s3], $0x400, $0x38;
	[tilespmem:$0x8400] =	vst v63  }
0x9: {  	_ =	swait.ge [sflag:s4], $0x400  }
0xa: {  	[sflag:s4] =	ssyncset.done $0x0  }
0xb: {  	s6 =	simm.s32 $0x80;
	s7 =	simm.s32 $0x400;
	[sflag:s4] =	ssyncadd.s32 $0xFFFFFC00  }
0xc: {  	[tilespmem:s7], [sflag:$0x1] =	stream.indirect.gather [hbm4b:s2+s6], $0x80, s3, s6, $0xb8;
	[tilespmem:$0x8400] =	vst v63  }
0xd: {  	s8 =	simm.s32 $0x4400;
	s9 =	simm.s32 $0x1  }
0xe: {  	[tilespmem:s8], [sflag:$0x2] =	stream.indirect.gather [hbm4b:s2+s6], $0x80, s6, s6, $0xb8;
	[tilespmem:$0x8400] =	vst v63  }
0xf: {  	s11 =	sshll.u32 s11, $0x4;
	_ =	swait.ge [sflag:s9], $0x4000  }
0x10: {  	s25 =	sadd.s32 s11, s10;
	[sflag:s9] =	ssyncset.done $0x0  }
0x11: {  	s10 =	sadd.s32 $0x4200, s25;
	[sflag:s9] =	ssyncadd.s32 $0xFFFFC000  }
0x12: {  	[hbm4b:s10+s3] =	stream.linear.scatter [tilespmem:s7], [sflag:$0x3], $0x4000, $0x38;
	[tilespmem:$0x8400] =	vst v63  }
0x13: {  	_ =	swait.ge [sflag:s4], $0x4000  }
0x14: {  	[sflag:s4] =	ssyncset.done $0x0  }
0x15: {  	s12 =	simm.s32 $0x2;
	s11 =	simm.s32 $0x100;
	[sflag:s4] =	ssyncadd.s32 $0xFFFFC000  }
0x16: {  	[tilespmem:s7], [sflag:$0x1] =	stream.indirect.gather [hbm4b:s2+s6], $0x80, s11, s6, $0xb8;
	[tilespmem:$0x8400] =	vst v63  }
0x17: {  	_ =	swait.ge [sflag:s12], $0x4000  }
0x18: {  	[sflag:s12] =	ssyncset.done $0x0  }
0x19: {  	s13 =	sadd.s32 $0x4A00, s25;
	[sflag:s12] =	ssyncadd.s32 $0xFFFFC000  }
0x1a: {  	[hbm4b:s13+s3] =	stream.linear.scatter [tilespmem:s8], [sflag:$0x3], $0x4000, $0x38;
	[tilespmem:$0x8400] =	vst v63  }
0x1b: {  	_ =	swait.ge [sflag:s4], $0x4000  }
0x1c: {  	[sflag:s4] =	ssyncset.done $0x0  }
0x1d: {  	s14 =	simm.s32 $0x180;
	[sflag:s4] =	ssyncadd.s32 $0xFFFFC000  }
0x1e: {  	[tilespmem:s8], [sflag:$0x2] =	stream.indirect.gather [hbm4b:s2+s6], $0x80, s14, s6, $0xb8;
	[tilespmem:$0x8400] =	vst v63  }
0x1f: {  	_ =	swait.ge [sflag:s9], $0x4000  }
0x20: {  	[sflag:s9] =	ssyncset.done $0x0  }
0x21: {  	s15 =	sadd.s32 $0x5200, s25;
	[sflag:s9] =	ssyncadd.s32 $0xFFFFC000  }
0x22: {  	[hbm4b:s15+s3] =	stream.linear.scatter [tilespmem:s7], [sflag:$0x3], $0x4000, $0x38;
	[tilespmem:$0x8400] =	vst v63  }
0x23: {  	_ =	swait.ge [sflag:s4], $0x4000  }
0x24: {  	[sflag:s4] =	ssyncset.done $0x0  }
0x25: {  	s16 =	simm.s32 $0x200;
	[sflag:s4] =	ssyncadd.s32 $0xFFFFC000  }
0x26: {  	[tilespmem:s7], [sflag:$0x1] =	stream.indirect.gather [hbm4b:s2+s6], $0x80, s16, s6, $0xb8;
	[tilespmem:$0x8400] =	vst v63  }
0x27: {  	_ =	swait.ge [sflag:s12], $0x4000  }
0x28: {  	[sflag:s12] =	ssyncset.done $0x0  }
0x29: {  	s17 =	sadd.s32 $0x5A00, s25;
	[sflag:s12] =	ssyncadd.s32 $0xFFFFC000  }
0x2a: {  	[hbm4b:s17+s3] =	stream.linear.scatter [tilespmem:s8], [sflag:$0x3], $0x4000, $0x38;
	[tilespmem:$0x8400] =	vst v63  }
0x2b: {  	_ =	swait.ge [sflag:s4], $0x4000  }
0x2c: {  	[sflag:s4] =	ssyncset.done $0x0  }
0x2d: {  	s18 =	simm.s32 $0x280;
	[sflag:s4] =	ssyncadd.s32 $0xFFFFC000  }
0x2e: {  	[tilespmem:s8], [sflag:$0x2] =	stream.indirect.gather [hbm4b:s2+s6], $0x80, s18, s6, $0xb8;
	[tilespmem:$0x8400] =	vst v63  }
0x2f: {  	_ =	swait.ge [sflag:s9], $0x4000  }
0x30: {  	[sflag:s9] =	ssyncset.done $0x0  }
0x31: {  	s19 =	sadd.s32 $0x6200, s25;
	[sflag:s9] =	ssyncadd.s32 $0xFFFFC000  }
0x32: {  	[hbm4b:s19+s3] =	stream.linear.scatter [tilespmem:s7], [sflag:$0x3], $0x4000, $0x38;
	[tilespmem:$0x8400] =	vst v63  }
0x33: {  	_ =	swait.ge [sflag:s4], $0x4000  }
0x34: {  	[sflag:s4] =	ssyncset.done $0x0  }
0x35: {  	s20 =	simm.s32 $0x300;
	[sflag:s4] =	ssyncadd.s32 $0xFFFFC000  }
0x36: {  	[tilespmem:s7], [sflag:$0x1] =	stream.indirect.gather [hbm4b:s2+s6], $0x80, s20, s6, $0xb8;
	[tilespmem:$0x8400] =	vst v63  }
0x37: {  	_ =	swait.ge [sflag:s12], $0x4000  }
0x38: {  	[sflag:s12] =	ssyncset.done $0x0  }
0x39: {  	s21 =	sadd.s32 $0x6A00, s25;
	[sflag:s12] =	ssyncadd.s32 $0xFFFFC000  }
0x3a: {  	[hbm4b:s21+s3] =	stream.linear.scatter [tilespmem:s8], [sflag:$0x3], $0x4000, $0x38;
	[tilespmem:$0x8400] =	vst v63  }
0x3b: {  	_ =	swait.ge [sflag:s4], $0x4000  }
0x3c: {  	[sflag:s4] =	ssyncset.done $0x0  }
0x3d: {  	s22 =	simm.s32 $0x380;
	[sflag:s4] =	ssyncadd.s32 $0xFFFFC000  }
0x3e: {  	[tilespmem:s8], [sflag:$0x2] =	stream.indirect.gather [hbm4b:s2+s6], $0x80, s22, s6, $0xb8;
	[tilespmem:$0x8400] =	vst v63  }
0x3f: {  	_ =	swait.ge [sflag:s9], $0x4000  }
0x40: {  	[sflag:s9] =	ssyncset.done $0x0  }
0x41: {  	s24 =	ssub.s32 $0x2, s24;
	s23 =	sadd.s32 $0x7200, s25;
	[sflag:s9] =	ssyncadd.s32 $0xFFFFC000  }
0x42: {  	[hbm4b:s23+s3] =	stream.linear.scatter [tilespmem:s7], [sflag:$0x3], $0x4000, $0x38;
	[tilespmem:$0x8400] =	vst v63  }
0x43: {  	s26 =	sshrl.u32 s24, $0x1;
	_ =	swait.ge [sflag:s4], $0x4000  }
0x44: {  	s24 =	ssub.s32 s24, s26;
	[sflag:s4] =	ssyncset.done $0x0  }
0x45: {  	s26 =	smax.u32 s24, $0x1;
	[sflag:s4] =	ssyncadd.s32 $0xFFFFC000  }
0x46: {  	p0 =	sne.s32 s26, $0x1;
	_ =	swait.ge [sflag:s12], $0x4000  }
.Ltmp0:
0x47: {  	[sflag:s12] =	ssyncset.done $0x0;
	(pc) =	sbr.rel @!p0 .LBB2_2-.Ltmp0, $4  }
0x48: {  	s24 =	sadd.s32 $0x7A00, s25;
	[sflag:s12] =	ssyncadd.s32 $0xFFFFC000  }
0x49: {  	[hbm4b:s24+s3] =	stream.linear.scatter [tilespmem:s8], [sflag:$0x3], $0x4000, $0x38;
	[tilespmem:$0x8400] =	vst v63  }
0x4a: {  	_ =	swait.ge [sflag:s4], $0x4000  }
0x4b: {  	s25 =	sadd.s32 $0xFFFFFFFF, s26;
	[sflag:s4] =	ssyncset.done $0x0  }
.LBB2_1:
0x4c: {  	p0 =	sne.s32 s25, $0x1;
	s25 =	sadd.s32 $0xFFFFFFFF, s25;
	[sflag:s4] =	ssyncadd.s32 $0xFFFFC000  }
0x4d: {  	[tilespmem:s3], [sflag:$0x3] =	stream.linear.gather [hbm4b:s5+s3], $0x400, $0x38;
	[tilespmem:$0x8400] =	vst v63  }
0x4e: {  	_ =	swait.ge [sflag:s4], $0x400  }
0x4f: {  	[sflag:s4] =	ssyncset.done $0x0  }
0x50: {  	[sflag:s4] =	ssyncadd.s32 $0xFFFFFC00  }
0x51: {  	[tilespmem:s7], [sflag:$0x1] =	stream.indirect.gather [hbm4b:s2+s6], $0x80, s3, s6, $0xb8;
	[tilespmem:$0x8400] =	vst v63  }
0x52: {  	_ = 	snop  }
0x53: {  	[tilespmem:s8], [sflag:$0x2] =	stream.indirect.gather [hbm4b:s2+s6], $0x80, s6, s6, $0xb8;
	[tilespmem:$0x8400] =	vst v63  }
0x54: {  	_ =	swait.ge [sflag:s9], $0x4000  }
0x55: {  	[sflag:s9] =	ssyncset.done $0x0  }
0x56: {  	[sflag:s9] =	ssyncadd.s32 $0xFFFFC000  }
0x57: {  	[hbm4b:s10+s3] =	stream.linear.scatter [tilespmem:s7], [sflag:$0x3], $0x4000, $0x38;
	[tilespmem:$0x8400] =	vst v63  }
0x58: {  	_ =	swait.ge [sflag:s4], $0x4000  }
0x59: {  	[sflag:s4] =	ssyncset.done $0x0  }
0x5a: {  	[sflag:s4] =	ssyncadd.s32 $0xFFFFC000  }
0x5b: {  	[tilespmem:s7], [sflag:$0x1] =	stream.indirect.gather [hbm4b:s2+s6], $0x80, s11, s6, $0xb8;
	[tilespmem:$0x8400] =	vst v63  }
0x5c: {  	_ =	swait.ge [sflag:s12], $0x4000  }
0x5d: {  	[sflag:s12] =	ssyncset.done $0x0  }
0x5e: {  	[sflag:s12] =	ssyncadd.s32 $0xFFFFC000  }
0x5f: {  	[hbm4b:s13+s3] =	stream.linear.scatter [tilespmem:s8], [sflag:$0x3], $0x4000, $0x38;
	[tilespmem:$0x8400] =	vst v63  }
0x60: {  	_ =	swait.ge [sflag:s4], $0x4000  }
0x61: {  	[sflag:s4] =	ssyncset.done $0x0  }
0x62: {  	[sflag:s4] =	ssyncadd.s32 $0xFFFFC000  }
0x63: {  	[tilespmem:s8], [sflag:$0x2] =	stream.indirect.gather [hbm4b:s2+s6], $0x80, s14, s6, $0xb8;
	[tilespmem:$0x8400] =	vst v63  }
0x64: {  	_ =	swait.ge [sflag:s9], $0x4000  }
0x65: {  	[sflag:s9] =	ssyncset.done $0x0  }
0x66: {  	[sflag:s9] =	ssyncadd.s32 $0xFFFFC000  }
0x67: {  	[hbm4b:s15+s3] =	stream.linear.scatter [tilespmem:s7], [sflag:$0x3], $0x4000, $0x38;
	[tilespmem:$0x8400] =	vst v63  }
0x68: {  	_ =	swait.ge [sflag:s4], $0x4000  }
0x69: {  	[sflag:s4] =	ssyncset.done $0x0  }
0x6a: {  	[sflag:s4] =	ssyncadd.s32 $0xFFFFC000  }
0x6b: {  	[tilespmem:s7], [sflag:$0x1] =	stream.indirect.gather [hbm4b:s2+s6], $0x80, s16, s6, $0xb8;
	[tilespmem:$0x8400] =	vst v63  }
0x6c: {  	_ =	swait.ge [sflag:s12], $0x4000  }
0x6d: {  	[sflag:s12] =	ssyncset.done $0x0  }
0x6e: {  	[sflag:s12] =	ssyncadd.s32 $0xFFFFC000  }
0x6f: {  	[hbm4b:s17+s3] =	stream.linear.scatter [tilespmem:s8], [sflag:$0x3], $0x4000, $0x38;
	[tilespmem:$0x8400] =	vst v63  }
0x70: {  	_ =	swait.ge [sflag:s4], $0x4000  }
0x71: {  	[sflag:s4] =	ssyncset.done $0x0  }
0x72: {  	[sflag:s4] =	ssyncadd.s32 $0xFFFFC000  }
0x73: {  	[tilespmem:s8], [sflag:$0x2] =	stream.indirect.gather [hbm4b:s2+s6], $0x80, s18, s6, $0xb8;
	[tilespmem:$0x8400] =	vst v63  }
0x74: {  	_ =	swait.ge [sflag:s9], $0x4000  }
0x75: {  	[sflag:s9] =	ssyncset.done $0x0  }
0x76: {  	[sflag:s9] =	ssyncadd.s32 $0xFFFFC000  }
0x77: {  	[hbm4b:s19+s3] =	stream.linear.scatter [tilespmem:s7], [sflag:$0x3], $0x4000, $0x38;
	[tilespmem:$0x8400] =	vst v63  }
0x78: {  	_ =	swait.ge [sflag:s4], $0x4000  }
0x79: {  	[sflag:s4] =	ssyncset.done $0x0  }
0x7a: {  	[sflag:s4] =	ssyncadd.s32 $0xFFFFC000  }
0x7b: {  	[tilespmem:s7], [sflag:$0x1] =	stream.indirect.gather [hbm4b:s2+s6], $0x80, s20, s6, $0xb8;
	[tilespmem:$0x8400] =	vst v63  }
0x7c: {  	_ =	swait.ge [sflag:s12], $0x4000  }
0x7d: {  	[sflag:s12] =	ssyncset.done $0x0  }
0x7e: {  	[sflag:s12] =	ssyncadd.s32 $0xFFFFC000  }
0x7f: {  	[hbm4b:s21+s3] =	stream.linear.scatter [tilespmem:s8], [sflag:$0x3], $0x4000, $0x38;
	[tilespmem:$0x8400] =	vst v63  }
0x80: {  	_ =	swait.ge [sflag:s4], $0x4000  }
0x81: {  	[sflag:s4] =	ssyncset.done $0x0  }
0x82: {  	[sflag:s4] =	ssyncadd.s32 $0xFFFFC000  }
0x83: {  	[tilespmem:s8], [sflag:$0x2] =	stream.indirect.gather [hbm4b:s2+s6], $0x80, s22, s6, $0xb8;
	[tilespmem:$0x8400] =	vst v63  }
0x84: {  	_ =	swait.ge [sflag:s9], $0x4000  }
0x85: {  	[sflag:s9] =	ssyncset.done $0x0  }
0x86: {  	[sflag:s9] =	ssyncadd.s32 $0xFFFFC000  }
0x87: {  	[hbm4b:s23+s3] =	stream.linear.scatter [tilespmem:s7], [sflag:$0x3], $0x4000, $0x38;
	[tilespmem:$0x8400] =	vst v63  }
0x88: {  	_ =	swait.ge [sflag:s4], $0x4000  }
0x89: {  	[sflag:s4] =	ssyncset.done $0x0  }
0x8a: {  	[sflag:s4] =	ssyncadd.s32 $0xFFFFC000  }
0x8b: {  	_ =	swait.ge [sflag:s12], $0x4000  }
.Ltmp1:
0x8c: {  	[sflag:s12] =	ssyncset.done $0x0;
	(pc) =	sbr.rel @p0 .LBB2_1-.Ltmp1, $4  }
0x8d: {  	[sflag:s12] =	ssyncadd.s32 $0xFFFFC000  }
0x8e: {  	[hbm4b:s24+s3] =	stream.linear.scatter [tilespmem:s8], [sflag:$0x3], $0x4000, $0x38;
	[tilespmem:$0x8400] =	vst v63  }
0x8f: {  	_ =	swait.ge [sflag:s4], $0x4000  }
0x90: {  	[sflag:s4] =	ssyncset.done $0x0  }
.LBB2_2:
0x91: {  	[sflag:s4] =	ssyncadd.s32 $0xFFFFC000  }
0x92: {  	_ =	sfence.sel $0x180000  }
0x93: {  	[bflag:$0x0] =	sbarrier.arrive $0xFFFF  }
0x94: {  	p0 =	sne.s32 s0, $0x0;
	_ =	strace $0x90000047  }
0x95: {  	s0 =	sadd.s32 @!p0 $0x100000, s1;
	[bflag:$0x2] =	sbarrier.arrive $0xFFFF  }
0x96: {  	[sflag:s0] =	ssyncadd.tile.s32 @!p0 $0x1;
	_ =	shalt  }
.Lfunc_end2:
_tile_overlayer_lowered:
.L_overlay_start_2:
0x97: {  	(tag) =	ssettag $0x2  }
0x98: {  	s0 =	rddreg [dreg:$0x0];
	s2 =	stileid.u32  }
0x99: {  	s1 =	rddreg [dreg:$0x1];
	p0 =	sne.s32 s2, $0x0  }
0x9a: {  	s3 =	rddreg [dreg:$0x2];
	[bflag:$0x3] =	sbarrier.arrive $0xFFFF;
	s2 =	simm.s32 @!p0 $0x1C03  }
0x9b: {  	[timem:s3], [sflag:s2] =	dma.local @!p0 [hbm:s0], s1  }
0x9c: {  	s0 =	simm.s32 @!p0 $0x3  }
0x9d: {  	_ =	swait.ge @!p0 [sflag:s0], s1  }
0x9e: {  	s1 =	ssub.s32 @!p0 $0x0, s1;
	[sflag:s0] =	ssyncset.done @!p0 $0x0  }
0x9f: {  	[sflag:s0] =	ssyncadd.s32 @!p0 s1  }
0xa0: {  	[bflag:$0x3] =	sbarrier.arrive $0xFFFF  }
0xa1: {  	_ =	shalt  }

// kernel: kernel.16.cloned.1.call-start
scs
__scs_entry_jumppad:
0x0: {  	(pc) =	sbr.rel $0x88, $3  }
0x1: {  	(tag) =	ssettag $0x0;
	lr =	simm.s32 $0x1  }
0x2: {  	[smem:$0x3F95] =	sst lr;
	_ =	strace $0xD0000000  }
0x3: {  	_ = 	snop  }
0x4: {  	_ = 	snop  }
0x5: {  	_ = 	snop  }
0x6: {  	_ = 	snop  }
0x7: {  	_ = 	snop  }
__scs_overlays_trampoline_lowered:
0x8: {  	[smem:$0x3FA4] =	sst s0  }
0x9: {  	[smem:$0x3FA5] =	sst s1  }
0xa: {  	[smem:$0x3FA6] =	sst s2  }
0xb: {  	[smem:$0x3FA7] =	sst s3  }
0xc: {  	[smem:$0x3FA8] =	sst s4  }
0xd: {  	[smem:$0x3FA9] =	sst s5  }
0xe: {  	[smem:$0x3FAA] =	sst s6  }
0xf: {  	[smem:$0x3FAB] =	sst s7  }
0x10: {  	[smem:$0x3FAC] =	sst s8  }
0x11: {  	[smem:$0x3FAD] =	sst s9;
	s0 =	simm.s32 @!p0 $0x0  }
0x12: {  	s1 =	sld [smem:$0x3F93];
	s0 =	simm.s32 @p0 $0x1  }
0x13: {  	[smem:$0x3FAE] =	sst s0;
	s0 =	simm.s32 @!p1 $0x0  }
0x14: {  	s2 =	sld [smem:$0x3F92];
	s0 =	simm.s32 @p1 $0x1  }
0x15: {  	[smem:$0x3FAF] =	sst s0;
	s0 =	simm.s32 @!p2 $0x0  }
0x16: {  	s3 =	sld [smem:$0x3FDB];
	s0 =	simm.s32 @p2 $0x1  }
0x17: {  	s4 =	simm.s32 $0x1BF5;
	[smem:$0x3FB1] =	sst s0  }
0x18: {  	s0 =	sld [smem:$0x3F94];
	_ =	swait.ge [sflag:s4], $0x0  }
0x19: {  	s7 =	sld [smem:$0x3F95]  }
0x1a: {  	s8 =	sadd.s32 $0xFFFFE003, lr  }
0x1b: {  	s9 =	sadd.s32 $0xFFFFFEF7, lr;
	s5 =	simm.s32 $0xFFFFFFFF;
	p2 =	slt.u32 s8, $0xFFFFF086  }
0x1c: {  	p1 =	slt.u32 s9, $0xF7A;
	s5 =	simm.s32 @!p2 $0x0  }
0x1d: {  	s5 =	simm.s32 @p1 $0x1;
	p0 =	seq.s32 s7, s2  }
0x1e: {  	s7 =	smul.u32 @!p0 $0xF7A, s2;
	p2 =	seq.s32 @!p0 s5, $0x0  }
0x1f: {  	s9 =	smul.u32 $0xF7A, s1;
	s8 =	simm.s32 @!p0 $0x1BF5;
	p2 =	por !p2, p0  }
0x20: {  	[sflag:s8] =	ssyncset.s32 @!p0 $0xFFFFF086;
	s6 =	sadd.s32 @!p0 s3, s7;
	s7 =	simm.s32 @!p0 $0x108  }
0x21: {  	s3 =	sadd.s32 s3, s9;
	s6 =	sadd.s32 @!p0 $0x88, s6;
	s7 =	simm.s32 @p2 $0x1082  }
0x22: {  	[simem:s7], [sflag:s8] =	dma.local @!p0 [hbm:s6], $0xF7A  }
0x23: {  	s9 =	sor.u32 $0xD0000000, s2;
	s6 =	simm.s32 $0x108;
	_ =	swait.ge @!p0 [sflag:s8], $0x0  }
0x24: {  	s3 =	sadd.s32 $0x88, s3;
	s6 =	simm.s32 @!p1 $0x1082;
	[sflag:s4] =	ssyncset.s32 $0xFFFFF086  }
0x25: {  	[simem:s6], [sflag:s4] =	dma.local [hbm:s3], $0xF7A  }
0x26: {  	[smem:$0x3F95] =	sst s1;
	(tag) =	ssettag s2;
	_ =	strace s9  }
0x27: {  	s1 =	sld [smem:$0x3FA5]  }
0x28: {  	s2 =	sld [smem:$0x3FA6]  }
0x29: {  	s4 =	sld [smem:$0x3FA8]  }
0x2a: {  	p0 =	seq.s32 s5, $0x0;
	s5 =	sld [smem:$0x3FA9]  }
0x2b: {  	s6 =	sld [smem:$0x3FAA]  }
0x2c: {  	s7 =	sld [smem:$0x3FAB]  }
0x2d: {  	s3 =	simm.s32 $0x108;
	s8 =	sld [smem:$0x3FAC]  }
0x2e: {  	s3 =	simm.s32 @!p0 $0x1082;
	s9 =	sld [smem:$0x3FAD]  }
0x2f: {  	lr =	sadd.s32 s0, s3;
	s0 =	sld [smem:$0x3FA4]  }
0x30: {  	s3 =	sld [smem:$0x3FA7]  }
0x31: {  	[smem:$0x3FB0] =	sst s10  }
0x32: {  	s10 =	sld [smem:$0x3FAE];
	_ =	sdelay $0x3  }
0x33: {  	p0 =	seq.s32 s10, $0x1;
	s10 =	sld [smem:$0x3FB0];
	_ =	sdelay $0x3  }
0x34: {  	[smem:$0x3FB0] =	sst s10  }
0x35: {  	s10 =	sld [smem:$0x3FAF];
	_ =	sdelay $0x3  }
0x36: {  	p1 =	seq.s32 s10, $0x1;
	s10 =	sld [smem:$0x3FB0];
	_ =	sdelay $0x3  }
0x37: {  	[smem:$0x3FB0] =	sst s10  }
0x38: {  	s10 =	sld [smem:$0x3FB1]  }
0x39: {  	_ = 	snop;
	(pc) =	sbr.ind lr, $3  }
0x3a: {  	_ = 	snop  }
0x3b: {  	_ = 	snop  }
0x3c: {  	p2 =	seq.s32 s10, $0x1;
	s10 =	sld [smem:$0x3FB0]  }
0x3d: {  	_ =	shalt  }
0x3e: {  	_ =	shalt  }
0x3f: {  	_ =	shalt  }
0x40: {  	_ =	shalt  }
0x41: {  	_ =	shalt  }
0x42: {  	_ =	shalt  }
0x43: {  	_ =	shalt  }
0x44: {  	_ =	shalt  }
0x45: {  	_ =	shalt  }
0x46: {  	_ =	shalt  }
0x47: {  	_ =	shalt  }
0x48: {  	_ =	shalt  }
0x49: {  	_ =	shalt  }
0x4a: {  	_ =	shalt  }
0x4b: {  	_ =	shalt  }
0x4c: {  	_ =	shalt  }
0x4d: {  	_ =	shalt  }
0x4e: {  	_ =	shalt  }
0x4f: {  	_ =	shalt  }
0x50: {  	_ =	shalt  }
0x51: {  	_ =	shalt  }
0x52: {  	_ =	shalt  }
0x53: {  	_ =	shalt  }
0x54: {  	_ =	shalt  }
0x55: {  	_ =	shalt  }
0x56: {  	_ =	shalt  }
0x57: {  	_ =	shalt  }
0x58: {  	_ =	shalt  }
0x59: {  	_ =	shalt  }
0x5a: {  	_ =	shalt  }
0x5b: {  	_ =	shalt  }
0x5c: {  	_ =	shalt  }
0x5d: {  	_ =	shalt  }
0x5e: {  	_ =	shalt  }
0x5f: {  	_ =	shalt  }
0x60: {  	_ =	shalt  }
0x61: {  	_ =	shalt  }
0x62: {  	_ =	shalt  }
0x63: {  	_ =	shalt  }
0x64: {  	_ =	shalt  }
0x65: {  	_ =	shalt  }
0x66: {  	_ =	shalt  }
0x67: {  	_ =	shalt  }
0x68: {  	_ =	shalt  }
0x69: {  	_ =	shalt  }
0x6a: {  	_ =	shalt  }
0x6b: {  	_ =	shalt  }
0x6c: {  	_ =	shalt  }
0x6d: {  	_ =	shalt  }
0x6e: {  	_ =	shalt  }
0x6f: {  	_ =	shalt  }
0x70: {  	_ =	shalt  }
0x71: {  	_ =	shalt  }
0x72: {  	_ =	shalt  }
0x73: {  	_ =	shalt  }
0x74: {  	_ =	shalt  }
0x75: {  	_ =	shalt  }
0x76: {  	_ =	shalt  }
0x77: {  	_ =	shalt  }
0x78: {  	_ =	shalt  }
0x79: {  	_ =	shalt  }
0x7a: {  	_ =	shalt  }
0x7b: {  	_ =	shalt  }
0x7c: {  	_ =	shalt  }
0x7d: {  	_ =	shalt  }
0x7e: {  	_ =	shalt  }
0x7f: {  	_ =	shalt  }
0x80: {  	_ =	shalt  }
0x81: {  	_ =	shalt  }
0x82: {  	_ =	shalt  }
0x83: {  	_ =	shalt  }
0x84: {  	_ =	shalt  }
0x85: {  	_ =	shalt  }
0x86: {  	_ =	shalt  }
0x87: {  	_ =	shalt  }
.Lfunc_end0:
.L_simem_size_0:
called_computation.2_lowered:
.L_overlay_start_0:
0x88: {  	s2 =	sld [smem:$0x3FD9]  }
0x89: {  	s3 =	sld [smem:$0x3FFE];
	_ =	sdelay $0x1  }
0x8a: {  	s1 =	srdreg.scid  }
0x8b: {  	s0 =	sand.u32 $0x1, s1  }
0x8c: {  	s17 =	sshll.u32 s0, $0xA;
	s2 =	sadd.s32 s3, s2  }
0x8d: {  	s2 =	sadd.s32 s2, s17  }
0x8e: {  	[smem:$0x3FBC] =	sst s2  }
0x8f: {  	_ = 	snop  }
0x90: {  	s18 =	sld [smem:$0x3FC8];
	(tm) =	ssettm $0x1  }
0x91: {  	s19 =	sld [smem:$0x3FFB];
	_ =	sdelay $0x3  }
0x92: {  	_ =	strace s19  }
0x93: {  	s2 =	sld [smem:$0x3FFC];
	_ =	sdelay $0x3  }
0x94: {  	_ =	strace s2  }
0x95: {  	s2 =	sld [smem:$0x3FFD];
	_ =	sdelay $0x3  }
0x96: {  	_ =	strace s2  }
0x97: {  	_ =	strace $0x8FFFFFFF  }
0x98: {  	s20 =	sld [smem:$0x3FDB];
	_ =	sdelay $0x1  }
0x99: {  	s4 =	simm.s32 $_scs_section_size  }
0x9a: {  	s5 =	simm.s32 $_size__tile_overlayer_lowered;
	s6 =	simm.s32 $_tile_overlayer_lowered  }
0x9b: {  	s7 =	simm.s32 $0x1BFF;
	s21 =	sshll.u32 s6, $0x1;
	s4 =	sadd.s32 s4, s20  }
0x9c: {  	s22 =	simm.s32 $0x0;
	s5 =	sshll.u32 s5, $0x1;
	s6 =	sadd.s32 s21, s4  }
0x9d: {  	[timem:s22], [sflag:s7] =	dma.local [hbm:s6], s5  }
0x9e: {  	_ =	swait.ge [sflag:s7], s5  }
0x9f: {  	s5 =	ssub.s32 $0x0, s5;
	[sflag:s7] =	ssyncset.done $0x0  }
0xa0: {  	[sflag:s7] =	ssyncadd.s32 s5;
	_ =	sdelay $0x1  }
0xa1: {  	s23 =	simm.s32 $0x1B8B  }
0xa2: {  	_ =	swait.ge [sflag:s23], $0x1  }
0xa3: {  	[sflag:s23] =	ssyncset.done $0x0  }
0xa4: {  	[sflag:s23] =	ssyncadd.s32 $0xFFFFFFFF  }
0xa5: {  	s5 =	sld [smem:$0x0]  }
0xa6: {  	s6 =	sand.u32 $0xFFFFFFFE, s1  }
0xa7: {  	p0 =	sne.s32 s1, s6  }
0xa8: {  	s6 =	sshll.u32 @p0 s6, $0xE  }
0xa9: {  	s6 =	sadd.s32 @p0 $0x11B8D, s6;
	s7 =	sshll.u32 @p0 s5, $0x11  }
0xaa: {  	s6 =	sor.u32 @p0 s7, s6  }
0xab: {  	[sflag:s6] =	ssyncadd.remote.s32 @p0 $0x1;
	_ =	sdelay $0x1  }
0xac: {  	s6 =	simm.s32 @p0 $0x1B8D  }
0xad: {  	_ =	swait.eq @p0 [sflag:s6], $0x1  }
0xae: {  	[sflag:s6] =	ssyncadd.s32 @p0 $0xFFFFFFFF  }
0xaf: {  	s7 =	sshll.u32 @!p0 s1, $0xE  }
0xb0: {  	s7 =	sor.u32 @!p0 $0x4000, s7;
	s6 =	simm.s32 @!p0 $0x1B8D  }
0xb1: {  	s5 =	sshll.u32 @!p0 s5, $0x11;
	s7 =	sadd.s32 @!p0 $0x11B8D, s7;
	_ =	swait.eq @!p0 [sflag:s6], $0x1  }
0xb2: {  	s5 =	sor.u32 @!p0 s5, s7;
	[sflag:s6] =	ssyncadd.s32 @!p0 $0xFFFFFFFF  }
0xb3: {  	s25 =	simm.s32 $0x1B8E;
	s24 =	sld [smem:$0x3FFE];
	[sflag:s5] =	ssyncadd.remote.s32 @!p0 $0x1  }
0xb4: {  	s26 =	simm.s32 $execute0_lowered;
	[smem:$0x3FD2] =	sst s25  }
0xb5: {  	s6 =	sshll.u32 s26, $0x1;
	_ =	strace $0x80000049;
	[dreg:$0x1] =	wrdreg $0xFFFFFFFF  }
0xb6: {  	s28 =	simm.s32 $_size_execute0_lowered;
	s4 =	sadd.s32 s4, s6;
	[dreg:$0x0] =	wrdreg $0x0  }
0xb7: {  	s6 =	sshll.u32 s28, $0x1;
	[dreg:$0x2] =	wrdreg s4  }
0xb8: {  	[dreg:$0x3] =	wrdreg s6  }
0xb9: {  	[dreg:$0x4] =	wrdreg $0xC0  }
0xba: {  	_ =	task [dreg:s22], $0x5FFFF  }
0xbb: {  	[dreg:$0x1] =	wrdreg $0xFFFFFFFF  }
0xbc: {  	[dreg:$0x0] =	wrdreg $0x60  }
0xbd: {  	[dreg:$0x2] =	wrdreg s24  }
0xbe: {  	[dreg:$0x3] =	wrdreg s18  }
0xbf: {  	[dreg:$0x4] =	wrdreg $0xB  }
0xc0: {  	_ =	task.clear_ibuf [dreg:s22], $0x5FFFF;
	_ =	strace $0x90000049  }
0xc1: {  	s29 =	simm.s32 $0xB;
	_ =	strace $0x8000004B  }
0xc2: {  	_ =	swait.ge [sflag:s29], $0x1  }
0xc3: {  	[sflag:s29] =	ssyncadd.s32 $0xFFFFFFFF  }
0xc4: {  	_ =	strace $0x9000004B  }
0xc5: {  	_ =	sfence  }
0xc6: {  	s30 =	sld [smem:$0x0];
	_ =	sdelay $0x2  }
0xc7: {  	s31 =	sshll.u32 s1, $0xD;
	s1 =	sshrl.u32 s1, $0x2  }
0xc8: {  	s4 =	sand.u32 $0x4000, s31;
	s1 =	sadd.s32 s1, s30  }
0xc9: {  	s0 =	sor.u32 s4, s0;
	s1 =	sshll.u32 s1, $0x11  }
0xca: {  	s0 =	sor.u32 s1, s0  }
0xcb: {  	s0 =	sadd.s32 $0x8F2B, s0  }
0xcc: {  	[sflag:s0] =	ssyncadd.remote.s32 $0x1  }
0xcd: {  	_ =	sfence.sel $0xFFFF  }
0xce: {  	[dreg:$0x0] =	wrdreg $0xFFFFFFFF;
	(pc) =	sbr.abs _section_cstart, $3  }
0xcf: {  	[dreg:$0x1] =	wrdreg $0xFFFFFFFF  }
0xd0: {  	_ =	task.clear_ibuf [dreg:s22], $0x2FFFF;
	_ =	strace $0x9FFFFFFF  }
0xd1: {  	(tm) =	ssettm $0x7FFFFFFF  }
tec
execute0_lowered:
.L_overlay_start_1:
0x0: {  	(tag) =	ssettag $0x1  }
0x1: {  	s1 =	srdreg.scid  }
0x2: {  	s0 =	stileid.u32;
	s24 =	sand.u32 $0x1, s1  }
0x3: {  	s10 =	rddreg [dreg:$0x0];
	s31 =	sshll.u32 s0, $0xB;
	s3 =	sshll.u32 s24, $0xA  }
0x4: {  	s2 =	rddreg [dreg:$0x1];
	s11 =	sor.u32 s3, s31  }
0x5: {  	s1 =	rddreg [dreg:$0x2];
	s3 =	simm.s32 $0x0;
	s4 =	sshrl.u32 s11, $0x3  }
0x6: {  	[smem:$0x7FF] =	sst s3;
	s4 =	sadd.s32 s4, s10  }
0x7: {  	_ =	strace $0x8000004A;
	s5 =	sadd.s32 $0x84200, s4;
	s4 =	simm.s32 $0x3  }
0x8: {  	[tilespmem:s3], [sflag:$0x3] =	stream.linear.gather [hbm4b:s5+s3], $0x400, $0x38;
	[tilespmem:$0x8400] =	vst v63  }
0x9: {  	_ =	swait.ge [sflag:s4], $0x400  }
0xa: {  	[sflag:s4] =	ssyncset.done $0x0  }
0xb: {  	s6 =	simm.s32 $0x80;
	s7 =	simm.s32 $0x400;
	[sflag:s4] =	ssyncadd.s32 $0xFFFFFC00  }
0xc: {  	[tilespmem:s7], [sflag:$0x1] =	stream.indirect.gather [hbm4b:s2+s6], $0x80, s3, s6, $0xb8;
	[tilespmem:$0x8400] =	vst v63  }
0xd: {  	s8 =	simm.s32 $0x4400;
	s9 =	simm.s32 $0x1  }
0xe: {  	[tilespmem:s8], [sflag:$0x2] =	stream.indirect.gather [hbm4b:s2+s6], $0x80, s6, s6, $0xb8;
	[tilespmem:$0x8400] =	vst v63  }
0xf: {  	s11 =	sshll.u32 s11, $0x4;
	_ =	swait.ge [sflag:s9], $0x4000  }
0x10: {  	s25 =	sadd.s32 s11, s10;
	[sflag:s9] =	ssyncset.done $0x0  }
0x11: {  	s10 =	sadd.s32 $0x85200, s25;
	[sflag:s9] =	ssyncadd.s32 $0xFFFFC000  }
0x12: {  	[hbm4b:s10+s3] =	stream.linear.scatter [tilespmem:s7], [sflag:$0x3], $0x4000, $0x38;
	[tilespmem:$0x8400] =	vst v63  }
0x13: {  	_ =	swait.ge [sflag:s4], $0x4000  }
0x14: {  	[sflag:s4] =	ssyncset.done $0x0  }
0x15: {  	s12 =	simm.s32 $0x2;
	s11 =	simm.s32 $0x100;
	[sflag:s4] =	ssyncadd.s32 $0xFFFFC000  }
0x16: {  	[tilespmem:s7], [sflag:$0x1] =	stream.indirect.gather [hbm4b:s2+s6], $0x80, s11, s6, $0xb8;
	[tilespmem:$0x8400] =	vst v63  }
0x17: {  	_ =	swait.ge [sflag:s12], $0x4000  }
0x18: {  	[sflag:s12] =	ssyncset.done $0x0  }
0x19: {  	s13 =	sadd.s32 $0x85A00, s25;
	[sflag:s12] =	ssyncadd.s32 $0xFFFFC000  }
0x1a: {  	[hbm4b:s13+s3] =	stream.linear.scatter [tilespmem:s8], [sflag:$0x3], $0x4000, $0x38;
	[tilespmem:$0x8400] =	vst v63  }
0x1b: {  	_ =	swait.ge [sflag:s4], $0x4000  }
0x1c: {  	[sflag:s4] =	ssyncset.done $0x0  }
0x1d: {  	s14 =	simm.s32 $0x180;
	[sflag:s4] =	ssyncadd.s32 $0xFFFFC000  }
0x1e: {  	[tilespmem:s8], [sflag:$0x2] =	stream.indirect.gather [hbm4b:s2+s6], $0x80, s14, s6, $0xb8;
	[tilespmem:$0x8400] =	vst v63  }
0x1f: {  	_ =	swait.ge [sflag:s9], $0x4000  }
0x20: {  	[sflag:s9] =	ssyncset.done $0x0  }
0x21: {  	s15 =	sadd.s32 $0x86200, s25;
	[sflag:s9] =	ssyncadd.s32 $0xFFFFC000  }
0x22: {  	[hbm4b:s15+s3] =	stream.linear.scatter [tilespmem:s7], [sflag:$0x3], $0x4000, $0x38;
	[tilespmem:$0x8400] =	vst v63  }
0x23: {  	_ =	swait.ge [sflag:s4], $0x4000  }
0x24: {  	[sflag:s4] =	ssyncset.done $0x0  }
0x25: {  	s16 =	simm.s32 $0x200;
	[sflag:s4] =	ssyncadd.s32 $0xFFFFC000  }
0x26: {  	[tilespmem:s7], [sflag:$0x1] =	stream.indirect.gather [hbm4b:s2+s6], $0x80, s16, s6, $0xb8;
	[tilespmem:$0x8400] =	vst v63  }
0x27: {  	_ =	swait.ge [sflag:s12], $0x4000  }
0x28: {  	[sflag:s12] =	ssyncset.done $0x0  }
0x29: {  	s17 =	sadd.s32 $0x86A00, s25;
	[sflag:s12] =	ssyncadd.s32 $0xFFFFC000  }
0x2a: {  	[hbm4b:s17+s3] =	stream.linear.scatter [tilespmem:s8], [sflag:$0x3], $0x4000, $0x38;
	[tilespmem:$0x8400] =	vst v63  }
0x2b: {  	_ =	swait.ge [sflag:s4], $0x4000  }
0x2c: {  	[sflag:s4] =	ssyncset.done $0x0  }
0x2d: {  	s18 =	simm.s32 $0x280;
	[sflag:s4] =	ssyncadd.s32 $0xFFFFC000  }
0x2e: {  	[tilespmem:s8], [sflag:$0x2] =	stream.indirect.gather [hbm4b:s2+s6], $0x80, s18, s6, $0xb8;
	[tilespmem:$0x8400] =	vst v63  }
0x2f: {  	_ =	swait.ge [sflag:s9], $0x4000  }
0x30: {  	[sflag:s9] =	ssyncset.done $0x0  }
0x31: {  	s19 =	sadd.s32 $0x87200, s25;
	[sflag:s9] =	ssyncadd.s32 $0xFFFFC000  }
0x32: {  	[hbm4b:s19+s3] =	stream.linear.scatter [tilespmem:s7], [sflag:$0x3], $0x4000, $0x38;
	[tilespmem:$0x8400] =	vst v63  }
0x33: {  	_ =	swait.ge [sflag:s4], $0x4000  }
0x34: {  	[sflag:s4] =	ssyncset.done $0x0  }
0x35: {  	s20 =	simm.s32 $0x300;
	[sflag:s4] =	ssyncadd.s32 $0xFFFFC000  }
0x36: {  	[tilespmem:s7], [sflag:$0x1] =	stream.indirect.gather [hbm4b:s2+s6], $0x80, s20, s6, $0xb8;
	[tilespmem:$0x8400] =	vst v63  }
0x37: {  	_ =	swait.ge [sflag:s12], $0x4000  }
0x38: {  	[sflag:s12] =	ssyncset.done $0x0  }
0x39: {  	s21 =	sadd.s32 $0x87A00, s25;
	[sflag:s12] =	ssyncadd.s32 $0xFFFFC000  }
0x3a: {  	[hbm4b:s21+s3] =	stream.linear.scatter [tilespmem:s8], [sflag:$0x3], $0x4000, $0x38;
	[tilespmem:$0x8400] =	vst v63  }
0x3b: {  	_ =	swait.ge [sflag:s4], $0x4000  }
0x3c: {  	[sflag:s4] =	ssyncset.done $0x0  }
0x3d: {  	s22 =	simm.s32 $0x380;
	[sflag:s4] =	ssyncadd.s32 $0xFFFFC000  }
0x3e: {  	[tilespmem:s8], [sflag:$0x2] =	stream.indirect.gather [hbm4b:s2+s6], $0x80, s22, s6, $0xb8;
	[tilespmem:$0x8400] =	vst v63  }
0x3f: {  	_ =	swait.ge [sflag:s9], $0x4000  }
0x40: {  	[sflag:s9] =	ssyncset.done $0x0  }
0x41: {  	s24 =	ssub.s32 $0x2, s24;
	s23 =	sadd.s32 $0x88200, s25;
	[sflag:s9] =	ssyncadd.s32 $0xFFFFC000  }
0x42: {  	[hbm4b:s23+s3] =	stream.linear.scatter [tilespmem:s7], [sflag:$0x3], $0x4000, $0x38;
	[tilespmem:$0x8400] =	vst v63  }
0x43: {  	s26 =	sshrl.u32 s24, $0x1;
	_ =	swait.ge [sflag:s4], $0x4000  }
0x44: {  	s24 =	ssub.s32 s24, s26;
	[sflag:s4] =	ssyncset.done $0x0  }
0x45: {  	s26 =	smax.u32 s24, $0x1;
	[sflag:s4] =	ssyncadd.s32 $0xFFFFC000  }
0x46: {  	p0 =	sne.s32 s26, $0x1;
	_ =	swait.ge [sflag:s12], $0x4000  }
.Ltmp0:
0x47: {  	[sflag:s12] =	ssyncset.done $0x0;
	(pc) =	sbr.rel @!p0 .LBB2_2-.Ltmp0, $4  }
0x48: {  	s24 =	sadd.s32 $0x88A00, s25;
	[sflag:s12] =	ssyncadd.s32 $0xFFFFC000  }
0x49: {  	[hbm4b:s24+s3] =	stream.linear.scatter [tilespmem:s8], [sflag:$0x3], $0x4000, $0x38;
	[tilespmem:$0x8400] =	vst v63  }
0x4a: {  	_ =	swait.ge [sflag:s4], $0x4000  }
0x4b: {  	s25 =	sadd.s32 $0xFFFFFFFF, s26;
	[sflag:s4] =	ssyncset.done $0x0  }
.LBB2_1:
0x4c: {  	p0 =	sne.s32 s25, $0x1;
	s25 =	sadd.s32 $0xFFFFFFFF, s25;
	[sflag:s4] =	ssyncadd.s32 $0xFFFFC000  }
0x4d: {  	[tilespmem:s3], [sflag:$0x3] =	stream.linear.gather [hbm4b:s5+s3], $0x400, $0x38;
	[tilespmem:$0x8400] =	vst v63  }
0x4e: {  	_ =	swait.ge [sflag:s4], $0x400  }
0x4f: {  	[sflag:s4] =	ssyncset.done $0x0  }
0x50: {  	[sflag:s4] =	ssyncadd.s32 $0xFFFFFC00  }
0x51: {  	[tilespmem:s7], [sflag:$0x1] =	stream.indirect.gather [hbm4b:s2+s6], $0x80, s3, s6, $0xb8;
	[tilespmem:$0x8400] =	vst v63  }
0x52: {  	_ = 	snop  }
0x53: {  	[tilespmem:s8], [sflag:$0x2] =	stream.indirect.gather [hbm4b:s2+s6], $0x80, s6, s6, $0xb8;
	[tilespmem:$0x8400] =	vst v63  }
0x54: {  	_ =	swait.ge [sflag:s9], $0x4000  }
0x55: {  	[sflag:s9] =	ssyncset.done $0x0  }
0x56: {  	[sflag:s9] =	ssyncadd.s32 $0xFFFFC000  }
0x57: {  	[hbm4b:s10+s3] =	stream.linear.scatter [tilespmem:s7], [sflag:$0x3], $0x4000, $0x38;
	[tilespmem:$0x8400] =	vst v63  }
0x58: {  	_ =	swait.ge [sflag:s4], $0x4000  }
0x59: {  	[sflag:s4] =	ssyncset.done $0x0  }
0x5a: {  	[sflag:s4] =	ssyncadd.s32 $0xFFFFC000  }
0x5b: {  	[tilespmem:s7], [sflag:$0x1] =	stream.indirect.gather [hbm4b:s2+s6], $0x80, s11, s6, $0xb8;
	[tilespmem:$0x8400] =	vst v63  }
0x5c: {  	_ =	swait.ge [sflag:s12], $0x4000  }
0x5d: {  	[sflag:s12] =	ssyncset.done $0x0  }
0x5e: {  	[sflag:s12] =	ssyncadd.s32 $0xFFFFC000  }
0x5f: {  	[hbm4b:s13+s3] =	stream.linear.scatter [tilespmem:s8], [sflag:$0x3], $0x4000, $0x38;
	[tilespmem:$0x8400] =	vst v63  }
0x60: {  	_ =	swait.ge [sflag:s4], $0x4000  }
0x61: {  	[sflag:s4] =	ssyncset.done $0x0  }
0x62: {  	[sflag:s4] =	ssyncadd.s32 $0xFFFFC000  }
0x63: {  	[tilespmem:s8], [sflag:$0x2] =	stream.indirect.gather [hbm4b:s2+s6], $0x80, s14, s6, $0xb8;
	[tilespmem:$0x8400] =	vst v63  }
0x64: {  	_ =	swait.ge [sflag:s9], $0x4000  }
0x65: {  	[sflag:s9] =	ssyncset.done $0x0  }
0x66: {  	[sflag:s9] =	ssyncadd.s32 $0xFFFFC000  }
0x67: {  	[hbm4b:s15+s3] =	stream.linear.scatter [tilespmem:s7], [sflag:$0x3], $0x4000, $0x38;
	[tilespmem:$0x8400] =	vst v63  }
0x68: {  	_ =	swait.ge [sflag:s4], $0x4000  }
0x69: {  	[sflag:s4] =	ssyncset.done $0x0  }
0x6a: {  	[sflag:s4] =	ssyncadd.s32 $0xFFFFC000  }
0x6b: {  	[tilespmem:s7], [sflag:$0x1] =	stream.indirect.gather [hbm4b:s2+s6], $0x80, s16, s6, $0xb8;
	[tilespmem:$0x8400] =	vst v63  }
0x6c: {  	_ =	swait.ge [sflag:s12], $0x4000  }
0x6d: {  	[sflag:s12] =	ssyncset.done $0x0  }
0x6e: {  	[sflag:s12] =	ssyncadd.s32 $0xFFFFC000  }
0x6f: {  	[hbm4b:s17+s3] =	stream.linear.scatter [tilespmem:s8], [sflag:$0x3], $0x4000, $0x38;
	[tilespmem:$0x8400] =	vst v63  }
0x70: {  	_ =	swait.ge [sflag:s4], $0x4000  }
0x71: {  	[sflag:s4] =	ssyncset.done $0x0  }
0x72: {  	[sflag:s4] =	ssyncadd.s32 $0xFFFFC000  }
0x73: {  	[tilespmem:s8], [sflag:$0x2] =	stream.indirect.gather [hbm4b:s2+s6], $0x80, s18, s6, $0xb8;
	[tilespmem:$0x8400] =	vst v63  }
0x74: {  	_ =	swait.ge [sflag:s9], $0x4000  }
0x75: {  	[sflag:s9] =	ssyncset.done $0x0  }
0x76: {  	[sflag:s9] =	ssyncadd.s32 $0xFFFFC000  }
0x77: {  	[hbm4b:s19+s3] =	stream.linear.scatter [tilespmem:s7], [sflag:$0x3], $0x4000, $0x38;
	[tilespmem:$0x8400] =	vst v63  }
0x78: {  	_ =	swait.ge [sflag:s4], $0x4000  }
0x79: {  	[sflag:s4] =	ssyncset.done $0x0  }
0x7a: {  	[sflag:s4] =	ssyncadd.s32 $0xFFFFC000  }
0x7b: {  	[tilespmem:s7], [sflag:$0x1] =	stream.indirect.gather [hbm4b:s2+s6], $0x80, s20, s6, $0xb8;
	[tilespmem:$0x8400] =	vst v63  }
0x7c: {  	_ =	swait.ge [sflag:s12], $0x4000  }
0x7d: {  	[sflag:s12] =	ssyncset.done $0x0  }
0x7e: {  	[sflag:s12] =	ssyncadd.s32 $0xFFFFC000  }
0x7f: {  	[hbm4b:s21+s3] =	stream.linear.scatter [tilespmem:s8], [sflag:$0x3], $0x4000, $0x38;
	[tilespmem:$0x8400] =	vst v63  }
0x80: {  	_ =	swait.ge [sflag:s4], $0x4000  }
0x81: {  	[sflag:s4] =	ssyncset.done $0x0  }
0x82: {  	[sflag:s4] =	ssyncadd.s32 $0xFFFFC000  }
0x83: {  	[tilespmem:s8], [sflag:$0x2] =	stream.indirect.gather [hbm4b:s2+s6], $0x80, s22, s6, $0xb8;
	[tilespmem:$0x8400] =	vst v63  }
0x84: {  	_ =	swait.ge [sflag:s9], $0x4000  }
0x85: {  	[sflag:s9] =	ssyncset.done $0x0  }
0x86: {  	[sflag:s9] =	ssyncadd.s32 $0xFFFFC000  }
0x87: {  	[hbm4b:s23+s3] =	stream.linear.scatter [tilespmem:s7], [sflag:$0x3], $0x4000, $0x38;
	[tilespmem:$0x8400] =	vst v63  }
0x88: {  	_ =	swait.ge [sflag:s4], $0x4000  }
0x89: {  	[sflag:s4] =	ssyncset.done $0x0  }
0x8a: {  	[sflag:s4] =	ssyncadd.s32 $0xFFFFC000  }
0x8b: {  	_ =	swait.ge [sflag:s12], $0x4000  }
.Ltmp1:
0x8c: {  	[sflag:s12] =	ssyncset.done $0x0;
	(pc) =	sbr.rel @p0 .LBB2_1-.Ltmp1, $4  }
0x8d: {  	[sflag:s12] =	ssyncadd.s32 $0xFFFFC000  }
0x8e: {  	[hbm4b:s24+s3] =	stream.linear.scatter [tilespmem:s8], [sflag:$0x3], $0x4000, $0x38;
	[tilespmem:$0x8400] =	vst v63  }
0x8f: {  	_ =	swait.ge [sflag:s4], $0x4000  }
0x90: {  	[sflag:s4] =	ssyncset.done $0x0  }
.LBB2_2:
0x91: {  	[sflag:s4] =	ssyncadd.s32 $0xFFFFC000  }
0x92: {  	_ =	sfence.sel $0x180000  }
0x93: {  	[bflag:$0x0] =	sbarrier.arrive $0xFFFF  }
0x94: {  	p0 =	sne.s32 s0, $0x0;
	_ =	strace $0x9000004A  }
0x95: {  	s0 =	sadd.s32 @!p0 $0x100000, s1;
	[bflag:$0x2] =	sbarrier.arrive $0xFFFF  }
0x96: {  	[sflag:s0] =	ssyncadd.tile.s32 @!p0 $0x1;
	_ =	shalt  }
.Lfunc_end2:
_tile_overlayer_lowered:
.L_overlay_start_2:
0x97: {  	(tag) =	ssettag $0x2  }
0x98: {  	s0 =	rddreg [dreg:$0x0];
	s2 =	stileid.u32  }
0x99: {  	s1 =	rddreg [dreg:$0x1];
	p0 =	sne.s32 s2, $0x0  }
0x9a: {  	s3 =	rddreg [dreg:$0x2];
	[bflag:$0x3] =	sbarrier.arrive $0xFFFF;
	s2 =	simm.s32 @!p0 $0x1C03  }
0x9b: {  	[timem:s3], [sflag:s2] =	dma.local @!p0 [hbm:s0], s1  }
0x9c: {  	s0 =	simm.s32 @!p0 $0x3  }
0x9d: {  	_ =	swait.ge @!p0 [sflag:s0], s1  }
0x9e: {  	s1 =	ssub.s32 @!p0 $0x0, s1;
	[sflag:s0] =	ssyncset.done @!p0 $0x0  }
0x9f: {  	[sflag:s0] =	ssyncadd.s32 @!p0 s1  }
0xa0: {  	[bflag:$0x3] =	sbarrier.arrive $0xFFFF  }
0xa1: {  	_ =	shalt  }

// kernel: kernel.19.cloned.1.call-start
scs
__scs_entry_jumppad:
0x0: {  	(pc) =	sbr.rel $0x88, $3  }
0x1: {  	(tag) =	ssettag $0x0;
	lr =	simm.s32 $0x1  }
0x2: {  	[smem:$0x3F95] =	sst lr;
	_ =	strace $0xD0000000  }
0x3: {  	_ = 	snop  }
0x4: {  	_ = 	snop  }
0x5: {  	_ = 	snop  }
0x6: {  	_ = 	snop  }
0x7: {  	_ = 	snop  }
__scs_overlays_trampoline_lowered:
0x8: {  	[smem:$0x3FA4] =	sst s0  }
0x9: {  	[smem:$0x3FA5] =	sst s1  }
0xa: {  	[smem:$0x3FA6] =	sst s2  }
0xb: {  	[smem:$0x3FA7] =	sst s3  }
0xc: {  	[smem:$0x3FA8] =	sst s4  }
0xd: {  	[smem:$0x3FA9] =	sst s5  }
0xe: {  	[smem:$0x3FAA] =	sst s6  }
0xf: {  	[smem:$0x3FAB] =	sst s7  }
0x10: {  	[smem:$0x3FAC] =	sst s8  }
0x11: {  	[smem:$0x3FAD] =	sst s9;
	s0 =	simm.s32 @!p0 $0x0  }
0x12: {  	s1 =	sld [smem:$0x3F93];
	s0 =	simm.s32 @p0 $0x1  }
0x13: {  	[smem:$0x3FAE] =	sst s0;
	s0 =	simm.s32 @!p1 $0x0  }
0x14: {  	s2 =	sld [smem:$0x3F92];
	s0 =	simm.s32 @p1 $0x1  }
0x15: {  	[smem:$0x3FAF] =	sst s0;
	s0 =	simm.s32 @!p2 $0x0  }
0x16: {  	s3 =	sld [smem:$0x3FDB];
	s0 =	simm.s32 @p2 $0x1  }
0x17: {  	s4 =	simm.s32 $0x1BF5;
	[smem:$0x3FB1] =	sst s0  }
0x18: {  	s0 =	sld [smem:$0x3F94];
	_ =	swait.ge [sflag:s4], $0x0  }
0x19: {  	s7 =	sld [smem:$0x3F95]  }
0x1a: {  	s8 =	sadd.s32 $0xFFFFE003, lr  }
0x1b: {  	s9 =	sadd.s32 $0xFFFFFEF7, lr;
	s5 =	simm.s32 $0xFFFFFFFF;
	p2 =	slt.u32 s8, $0xFFFFF086  }
0x1c: {  	p1 =	slt.u32 s9, $0xF7A;
	s5 =	simm.s32 @!p2 $0x0  }
0x1d: {  	s5 =	simm.s32 @p1 $0x1;
	p0 =	seq.s32 s7, s2  }
0x1e: {  	s7 =	smul.u32 @!p0 $0xF7A, s2;
	p2 =	seq.s32 @!p0 s5, $0x0  }
0x1f: {  	s9 =	smul.u32 $0xF7A, s1;
	s8 =	simm.s32 @!p0 $0x1BF5;
	p2 =	por !p2, p0  }
0x20: {  	[sflag:s8] =	ssyncset.s32 @!p0 $0xFFFFF086;
	s6 =	sadd.s32 @!p0 s3, s7;
	s7 =	simm.s32 @!p0 $0x108  }
0x21: {  	s3 =	sadd.s32 s3, s9;
	s6 =	sadd.s32 @!p0 $0x88, s6;
	s7 =	simm.s32 @p2 $0x1082  }
0x22: {  	[simem:s7], [sflag:s8] =	dma.local @!p0 [hbm:s6], $0xF7A  }
0x23: {  	s9 =	sor.u32 $0xD0000000, s2;
	s6 =	simm.s32 $0x108;
	_ =	swait.ge @!p0 [sflag:s8], $0x0  }
0x24: {  	s3 =	sadd.s32 $0x88, s3;
	s6 =	simm.s32 @!p1 $0x1082;
	[sflag:s4] =	ssyncset.s32 $0xFFFFF086  }
0x25: {  	[simem:s6], [sflag:s4] =	dma.local [hbm:s3], $0xF7A  }
0x26: {  	[smem:$0x3F95] =	sst s1;
	(tag) =	ssettag s2;
	_ =	strace s9  }
0x27: {  	s1 =	sld [smem:$0x3FA5]  }
0x28: {  	s2 =	sld [smem:$0x3FA6]  }
0x29: {  	s4 =	sld [smem:$0x3FA8]  }
0x2a: {  	p0 =	seq.s32 s5, $0x0;
	s5 =	sld [smem:$0x3FA9]  }
0x2b: {  	s6 =	sld [smem:$0x3FAA]  }
0x2c: {  	s7 =	sld [smem:$0x3FAB]  }
0x2d: {  	s3 =	simm.s32 $0x108;
	s8 =	sld [smem:$0x3FAC]  }
0x2e: {  	s3 =	simm.s32 @!p0 $0x1082;
	s9 =	sld [smem:$0x3FAD]  }
0x2f: {  	lr =	sadd.s32 s0, s3;
	s0 =	sld [smem:$0x3FA4]  }
0x30: {  	s3 =	sld [smem:$0x3FA7]  }
0x31: {  	[smem:$0x3FB0] =	sst s10  }
0x32: {  	s10 =	sld [smem:$0x3FAE];
	_ =	sdelay $0x3  }
0x33: {  	p0 =	seq.s32 s10, $0x1;
	s10 =	sld [smem:$0x3FB0];
	_ =	sdelay $0x3  }
0x34: {  	[smem:$0x3FB0] =	sst s10  }
0x35: {  	s10 =	sld [smem:$0x3FAF];
	_ =	sdelay $0x3  }
0x36: {  	p1 =	seq.s32 s10, $0x1;
	s10 =	sld [smem:$0x3FB0];
	_ =	sdelay $0x3  }
0x37: {  	[smem:$0x3FB0] =	sst s10  }
0x38: {  	s10 =	sld [smem:$0x3FB1]  }
0x39: {  	_ = 	snop;
	(pc) =	sbr.ind lr, $3  }
0x3a: {  	_ = 	snop  }
0x3b: {  	_ = 	snop  }
0x3c: {  	p2 =	seq.s32 s10, $0x1;
	s10 =	sld [smem:$0x3FB0]  }
0x3d: {  	_ =	shalt  }
0x3e: {  	_ =	shalt  }
0x3f: {  	_ =	shalt  }
0x40: {  	_ =	shalt  }
0x41: {  	_ =	shalt  }
0x42: {  	_ =	shalt  }
0x43: {  	_ =	shalt  }
0x44: {  	_ =	shalt  }
0x45: {  	_ =	shalt  }
0x46: {  	_ =	shalt  }
0x47: {  	_ =	shalt  }
0x48: {  	_ =	shalt  }
0x49: {  	_ =	shalt  }
0x4a: {  	_ =	shalt  }
0x4b: {  	_ =	shalt  }
0x4c: {  	_ =	shalt  }
0x4d: {  	_ =	shalt  }
0x4e: {  	_ =	shalt  }
0x4f: {  	_ =	shalt  }
0x50: {  	_ =	shalt  }
0x51: {  	_ =	shalt  }
0x52: {  	_ =	shalt  }
0x53: {  	_ =	shalt  }
0x54: {  	_ =	shalt  }
0x55: {  	_ =	shalt  }
0x56: {  	_ =	shalt  }
0x57: {  	_ =	shalt  }
0x58: {  	_ =	shalt  }
0x59: {  	_ =	shalt  }
0x5a: {  	_ =	shalt  }
0x5b: {  	_ =	shalt  }
0x5c: {  	_ =	shalt  }
0x5d: {  	_ =	shalt  }
0x5e: {  	_ =	shalt  }
0x5f: {  	_ =	shalt  }
0x60: {  	_ =	shalt  }
0x61: {  	_ =	shalt  }
0x62: {  	_ =	shalt  }
0x63: {  	_ =	shalt  }
0x64: {  	_ =	shalt  }
0x65: {  	_ =	shalt  }
0x66: {  	_ =	shalt  }
0x67: {  	_ =	shalt  }
0x68: {  	_ =	shalt  }
0x69: {  	_ =	shalt  }
0x6a: {  	_ =	shalt  }
0x6b: {  	_ =	shalt  }
0x6c: {  	_ =	shalt  }
0x6d: {  	_ =	shalt  }
0x6e: {  	_ =	shalt  }
0x6f: {  	_ =	shalt  }
0x70: {  	_ =	shalt  }
0x71: {  	_ =	shalt  }
0x72: {  	_ =	shalt  }
0x73: {  	_ =	shalt  }
0x74: {  	_ =	shalt  }
0x75: {  	_ =	shalt  }
0x76: {  	_ =	shalt  }
0x77: {  	_ =	shalt  }
0x78: {  	_ =	shalt  }
0x79: {  	_ =	shalt  }
0x7a: {  	_ =	shalt  }
0x7b: {  	_ =	shalt  }
0x7c: {  	_ =	shalt  }
0x7d: {  	_ =	shalt  }
0x7e: {  	_ =	shalt  }
0x7f: {  	_ =	shalt  }
0x80: {  	_ =	shalt  }
0x81: {  	_ =	shalt  }
0x82: {  	_ =	shalt  }
0x83: {  	_ =	shalt  }
0x84: {  	_ =	shalt  }
0x85: {  	_ =	shalt  }
0x86: {  	_ =	shalt  }
0x87: {  	_ =	shalt  }
.Lfunc_end0:
.L_simem_size_0:
called_computation.3_lowered:
.L_overlay_start_0:
0x88: {  	s2 =	sld [smem:$0x3FD9]  }
0x89: {  	s3 =	sld [smem:$0x3FFE];
	_ =	sdelay $0x1  }
0x8a: {  	s1 =	srdreg.scid  }
0x8b: {  	s0 =	sand.u32 $0x1, s1  }
0x8c: {  	s17 =	sshll.u32 s0, $0xA;
	s2 =	sadd.s32 s3, s2  }
0x8d: {  	s2 =	sadd.s32 s2, s17  }
0x8e: {  	[smem:$0x3FBC] =	sst s2  }
0x8f: {  	_ = 	snop  }
0x90: {  	s18 =	sld [smem:$0x3FC8];
	(tm) =	ssettm $0x1  }
0x91: {  	s19 =	sld [smem:$0x3FFB];
	_ =	sdelay $0x3  }
0x92: {  	_ =	strace s19  }
0x93: {  	s2 =	sld [smem:$0x3FFC];
	_ =	sdelay $0x3  }
0x94: {  	_ =	strace s2  }
0x95: {  	s2 =	sld [smem:$0x3FFD];
	_ =	sdelay $0x3  }
0x96: {  	_ =	strace s2  }
0x97: {  	_ =	strace $0x8FFFFFFF  }
0x98: {  	s20 =	sld [smem:$0x3FDB];
	_ =	sdelay $0x1  }
0x99: {  	s4 =	simm.s32 $_scs_section_size  }
0x9a: {  	s5 =	simm.s32 $_size__tile_overlayer_lowered;
	s6 =	simm.s32 $_tile_overlayer_lowered  }
0x9b: {  	s7 =	simm.s32 $0x1BFF;
	s21 =	sshll.u32 s6, $0x1;
	s4 =	sadd.s32 s4, s20  }
0x9c: {  	s22 =	simm.s32 $0x0;
	s5 =	sshll.u32 s5, $0x1;
	s6 =	sadd.s32 s21, s4  }
0x9d: {  	[timem:s22], [sflag:s7] =	dma.local [hbm:s6], s5  }
0x9e: {  	_ =	swait.ge [sflag:s7], s5  }
0x9f: {  	s5 =	ssub.s32 $0x0, s5;
	[sflag:s7] =	ssyncset.done $0x0  }
0xa0: {  	[sflag:s7] =	ssyncadd.s32 s5;
	_ =	sdelay $0x1  }
0xa1: {  	s23 =	simm.s32 $0x1B8B  }
0xa2: {  	_ =	swait.ge [sflag:s23], $0x1  }
0xa3: {  	[sflag:s23] =	ssyncset.done $0x0  }
0xa4: {  	[sflag:s23] =	ssyncadd.s32 $0xFFFFFFFF  }
0xa5: {  	s5 =	sld [smem:$0x0]  }
0xa6: {  	s6 =	sand.u32 $0xFFFFFFFE, s1  }
0xa7: {  	p0 =	sne.s32 s1, s6  }
0xa8: {  	s6 =	sshll.u32 @p0 s6, $0xE  }
0xa9: {  	s6 =	sadd.s32 @p0 $0x11B8D, s6;
	s7 =	sshll.u32 @p0 s5, $0x11  }
0xaa: {  	s6 =	sor.u32 @p0 s7, s6  }
0xab: {  	[sflag:s6] =	ssyncadd.remote.s32 @p0 $0x1;
	_ =	sdelay $0x1  }
0xac: {  	s6 =	simm.s32 @p0 $0x1B8D  }
0xad: {  	_ =	swait.eq @p0 [sflag:s6], $0x1  }
0xae: {  	[sflag:s6] =	ssyncadd.s32 @p0 $0xFFFFFFFF  }
0xaf: {  	s7 =	sshll.u32 @!p0 s1, $0xE  }
0xb0: {  	s7 =	sor.u32 @!p0 $0x4000, s7;
	s6 =	simm.s32 @!p0 $0x1B8D  }
0xb1: {  	s5 =	sshll.u32 @!p0 s5, $0x11;
	s7 =	sadd.s32 @!p0 $0x11B8D, s7;
	_ =	swait.eq @!p0 [sflag:s6], $0x1  }
0xb2: {  	s5 =	sor.u32 @!p0 s5, s7;
	[sflag:s6] =	ssyncadd.s32 @!p0 $0xFFFFFFFF  }
0xb3: {  	s25 =	simm.s32 $0x1B8E;
	s24 =	sld [smem:$0x3FFE];
	[sflag:s5] =	ssyncadd.remote.s32 @!p0 $0x1  }
0xb4: {  	s26 =	simm.s32 $execute0_lowered;
	[smem:$0x3FD2] =	sst s25  }
0xb5: {  	s6 =	sshll.u32 s26, $0x1;
	_ =	strace $0x8000004C;
	[dreg:$0x1] =	wrdreg $0xFFFFFFFF  }
0xb6: {  	s28 =	simm.s32 $_size_execute0_lowered;
	s4 =	sadd.s32 s4, s6;
	[dreg:$0x0] =	wrdreg $0x0  }
0xb7: {  	s6 =	sshll.u32 s28, $0x1;
	[dreg:$0x2] =	wrdreg s4  }
0xb8: {  	[dreg:$0x3] =	wrdreg s6  }
0xb9: {  	[dreg:$0x4] =	wrdreg $0xC0  }
0xba: {  	_ =	task [dreg:s22], $0x5FFFF  }
0xbb: {  	[dreg:$0x1] =	wrdreg $0xFFFFFFFF  }
0xbc: {  	[dreg:$0x0] =	wrdreg $0x60  }
0xbd: {  	[dreg:$0x2] =	wrdreg s24  }
0xbe: {  	[dreg:$0x3] =	wrdreg s18  }
0xbf: {  	[dreg:$0x4] =	wrdreg $0xC  }
0xc0: {  	_ =	task.clear_ibuf [dreg:s22], $0x5FFFF;
	_ =	strace $0x9000004C  }
0xc1: {  	s29 =	simm.s32 $0xC;
	_ =	strace $0x8000004E  }
0xc2: {  	_ =	swait.ge [sflag:s29], $0x1  }
0xc3: {  	[sflag:s29] =	ssyncadd.s32 $0xFFFFFFFF  }
0xc4: {  	_ =	strace $0x9000004E  }
0xc5: {  	_ =	sfence  }
0xc6: {  	s30 =	sld [smem:$0x0];
	_ =	sdelay $0x2  }
0xc7: {  	s31 =	sshll.u32 s1, $0xD;
	s1 =	sshrl.u32 s1, $0x2  }
0xc8: {  	s4 =	sand.u32 $0x4000, s31;
	s1 =	sadd.s32 s1, s30  }
0xc9: {  	s0 =	sor.u32 s4, s0;
	s1 =	sshll.u32 s1, $0x11  }
0xca: {  	s0 =	sor.u32 s1, s0  }
0xcb: {  	s0 =	sadd.s32 $0x8F2B, s0  }
0xcc: {  	[sflag:s0] =	ssyncadd.remote.s32 $0x1  }
0xcd: {  	_ =	sfence.sel $0xFFFF  }
0xce: {  	[dreg:$0x0] =	wrdreg $0xFFFFFFFF;
	(pc) =	sbr.abs _section_cstart, $3  }
0xcf: {  	[dreg:$0x1] =	wrdreg $0xFFFFFFFF  }
0xd0: {  	_ =	task.clear_ibuf [dreg:s22], $0x2FFFF;
	_ =	strace $0x9FFFFFFF  }
0xd1: {  	(tm) =	ssettm $0x7FFFFFFF  }
tec
execute0_lowered:
.L_overlay_start_1:
0x0: {  	(tag) =	ssettag $0x1  }
0x1: {  	s1 =	srdreg.scid  }
0x2: {  	s0 =	stileid.u32;
	s24 =	sand.u32 $0x1, s1  }
0x3: {  	s10 =	rddreg [dreg:$0x0];
	s31 =	sshll.u32 s0, $0xB;
	s3 =	sshll.u32 s24, $0xA  }
0x4: {  	s2 =	rddreg [dreg:$0x1];
	s11 =	sor.u32 s3, s31  }
0x5: {  	s1 =	rddreg [dreg:$0x2];
	s3 =	simm.s32 $0x0;
	s4 =	sshrl.u32 s11, $0x3  }
0x6: {  	[smem:$0x7FF] =	sst s3;
	s4 =	sadd.s32 s4, s10  }
0x7: {  	_ =	strace $0x8000004D;
	s5 =	sadd.s32 $0x105200, s4;
	s4 =	simm.s32 $0x3  }
0x8: {  	[tilespmem:s3], [sflag:$0x3] =	stream.linear.gather [hbm4b:s5+s3], $0x400, $0x38;
	[tilespmem:$0x8400] =	vst v63  }
0x9: {  	_ =	swait.ge [sflag:s4], $0x400  }
0xa: {  	[sflag:s4] =	ssyncset.done $0x0  }
0xb: {  	s6 =	simm.s32 $0x80;
	s7 =	simm.s32 $0x400;
	[sflag:s4] =	ssyncadd.s32 $0xFFFFFC00  }
0xc: {  	[tilespmem:s7], [sflag:$0x1] =	stream.indirect.gather [hbm4b:s2+s6], $0x80, s3, s6, $0xb8;
	[tilespmem:$0x8400] =	vst v63  }
0xd: {  	s8 =	simm.s32 $0x4400;
	s9 =	simm.s32 $0x1  }
0xe: {  	[tilespmem:s8], [sflag:$0x2] =	stream.indirect.gather [hbm4b:s2+s6], $0x80, s6, s6, $0xb8;
	[tilespmem:$0x8400] =	vst v63  }
0xf: {  	s11 =	sshll.u32 s11, $0x4;
	_ =	swait.ge [sflag:s9], $0x4000  }
0x10: {  	s25 =	sadd.s32 s11, s10;
	[sflag:s9] =	ssyncset.done $0x0  }
0x11: {  	s10 =	sadd.s32 $0x106200, s25;
	[sflag:s9] =	ssyncadd.s32 $0xFFFFC000  }
0x12: {  	[hbm4b:s10+s3] =	stream.linear.scatter [tilespmem:s7], [sflag:$0x3], $0x4000, $0x38;
	[tilespmem:$0x8400] =	vst v63  }
0x13: {  	_ =	swait.ge [sflag:s4], $0x4000  }
0x14: {  	[sflag:s4] =	ssyncset.done $0x0  }
0x15: {  	s12 =	simm.s32 $0x2;
	s11 =	simm.s32 $0x100;
	[sflag:s4] =	ssyncadd.s32 $0xFFFFC000  }
0x16: {  	[tilespmem:s7], [sflag:$0x1] =	stream.indirect.gather [hbm4b:s2+s6], $0x80, s11, s6, $0xb8;
	[tilespmem:$0x8400] =	vst v63  }
0x17: {  	_ =	swait.ge [sflag:s12], $0x4000  }
0x18: {  	[sflag:s12] =	ssyncset.done $0x0  }
0x19: {  	s13 =	sadd.s32 $0x106A00, s25;
	[sflag:s12] =	ssyncadd.s32 $0xFFFFC000  }
0x1a: {  	[hbm4b:s13+s3] =	stream.linear.scatter [tilespmem:s8], [sflag:$0x3], $0x4000, $0x38;
	[tilespmem:$0x8400] =	vst v63  }
0x1b: {  	_ =	swait.ge [sflag:s4], $0x4000  }
0x1c: {  	[sflag:s4] =	ssyncset.done $0x0  }
0x1d: {  	s14 =	simm.s32 $0x180;
	[sflag:s4] =	ssyncadd.s32 $0xFFFFC000  }
0x1e: {  	[tilespmem:s8], [sflag:$0x2] =	stream.indirect.gather [hbm4b:s2+s6], $0x80, s14, s6, $0xb8;
	[tilespmem:$0x8400] =	vst v63  }
0x1f: {  	_ =	swait.ge [sflag:s9], $0x4000  }
0x20: {  	[sflag:s9] =	ssyncset.done $0x0  }
0x21: {  	s15 =	sadd.s32 $0x107200, s25;
	[sflag:s9] =	ssyncadd.s32 $0xFFFFC000  }
0x22: {  	[hbm4b:s15+s3] =	stream.linear.scatter [tilespmem:s7], [sflag:$0x3], $0x4000, $0x38;
	[tilespmem:$0x8400] =	vst v63  }
0x23: {  	_ =	swait.ge [sflag:s4], $0x4000  }
0x24: {  	[sflag:s4] =	ssyncset.done $0x0  }
0x25: {  	s16 =	simm.s32 $0x200;
	[sflag:s4] =	ssyncadd.s32 $0xFFFFC000  }
0x26: {  	[tilespmem:s7], [sflag:$0x1] =	stream.indirect.gather [hbm4b:s2+s6], $0x80, s16, s6, $0xb8;
	[tilespmem:$0x8400] =	vst v63  }
0x27: {  	_ =	swait.ge [sflag:s12], $0x4000  }
0x28: {  	[sflag:s12] =	ssyncset.done $0x0  }
0x29: {  	s17 =	sadd.s32 $0x107A00, s25;
	[sflag:s12] =	ssyncadd.s32 $0xFFFFC000  }
0x2a: {  	[hbm4b:s17+s3] =	stream.linear.scatter [tilespmem:s8], [sflag:$0x3], $0x4000, $0x38;
	[tilespmem:$0x8400] =	vst v63  }
0x2b: {  	_ =	swait.ge [sflag:s4], $0x4000  }
0x2c: {  	[sflag:s4] =	ssyncset.done $0x0  }
0x2d: {  	s18 =	simm.s32 $0x280;
	[sflag:s4] =	ssyncadd.s32 $0xFFFFC000  }
0x2e: {  	[tilespmem:s8], [sflag:$0x2] =	stream.indirect.gather [hbm4b:s2+s6], $0x80, s18, s6, $0xb8;
	[tilespmem:$0x8400] =	vst v63  }
0x2f: {  	_ =	swait.ge [sflag:s9], $0x4000  }
0x30: {  	[sflag:s9] =	ssyncset.done $0x0  }
0x31: {  	s19 =	sadd.s32 $0x108200, s25;
	[sflag:s9] =	ssyncadd.s32 $0xFFFFC000  }
0x32: {  	[hbm4b:s19+s3] =	stream.linear.scatter [tilespmem:s7], [sflag:$0x3], $0x4000, $0x38;
	[tilespmem:$0x8400] =	vst v63  }
0x33: {  	_ =	swait.ge [sflag:s4], $0x4000  }
0x34: {  	[sflag:s4] =	ssyncset.done $0x0  }
0x35: {  	s20 =	simm.s32 $0x300;
	[sflag:s4] =	ssyncadd.s32 $0xFFFFC000  }
0x36: {  	[tilespmem:s7], [sflag:$0x1] =	stream.indirect.gather [hbm4b:s2+s6], $0x80, s20, s6, $0xb8;
	[tilespmem:$0x8400] =	vst v63  }
0x37: {  	_ =	swait.ge [sflag:s12], $0x4000  }
0x38: {  	[sflag:s12] =	ssyncset.done $0x0  }
0x39: {  	s21 =	sadd.s32 $0x108A00, s25;
	[sflag:s12] =	ssyncadd.s32 $0xFFFFC000  }
0x3a: {  	[hbm4b:s21+s3] =	stream.linear.scatter [tilespmem:s8], [sflag:$0x3], $0x4000, $0x38;
	[tilespmem:$0x8400] =	vst v63  }
0x3b: {  	_ =	swait.ge [sflag:s4], $0x4000  }
0x3c: {  	[sflag:s4] =	ssyncset.done $0x0  }
0x3d: {  	s22 =	simm.s32 $0x380;
	[sflag:s4] =	ssyncadd.s32 $0xFFFFC000  }
0x3e: {  	[tilespmem:s8], [sflag:$0x2] =	stream.indirect.gather [hbm4b:s2+s6], $0x80, s22, s6, $0xb8;
	[tilespmem:$0x8400] =	vst v63  }
0x3f: {  	_ =	swait.ge [sflag:s9], $0x4000  }
0x40: {  	[sflag:s9] =	ssyncset.done $0x0  }
0x41: {  	s24 =	ssub.s32 $0x2, s24;
	s23 =	sadd.s32 $0x109200, s25;
	[sflag:s9] =	ssyncadd.s32 $0xFFFFC000  }
0x42: {  	[hbm4b:s23+s3] =	stream.linear.scatter [tilespmem:s7], [sflag:$0x3], $0x4000, $0x38;
	[tilespmem:$0x8400] =	vst v63  }
0x43: {  	s26 =	sshrl.u32 s24, $0x1;
	_ =	swait.ge [sflag:s4], $0x4000  }
0x44: {  	s24 =	ssub.s32 s24, s26;
	[sflag:s4] =	ssyncset.done $0x0  }
0x45: {  	s26 =	smax.u32 s24, $0x1;
	[sflag:s4] =	ssyncadd.s32 $0xFFFFC000  }
0x46: {  	p0 =	sne.s32 s26, $0x1;
	_ =	swait.ge [sflag:s12], $0x4000  }
.Ltmp0:
0x47: {  	[sflag:s12] =	ssyncset.done $0x0;
	(pc) =	sbr.rel @!p0 .LBB2_2-.Ltmp0, $4  }
0x48: {  	s24 =	sadd.s32 $0x109A00, s25;
	[sflag:s12] =	ssyncadd.s32 $0xFFFFC000  }
0x49: {  	[hbm4b:s24+s3] =	stream.linear.scatter [tilespmem:s8], [sflag:$0x3], $0x4000, $0x38;
	[tilespmem:$0x8400] =	vst v63  }
0x4a: {  	_ =	swait.ge [sflag:s4], $0x4000  }
0x4b: {  	s25 =	sadd.s32 $0xFFFFFFFF, s26;
	[sflag:s4] =	ssyncset.done $0x0  }
.LBB2_1:
0x4c: {  	p0 =	sne.s32 s25, $0x1;
	s25 =	sadd.s32 $0xFFFFFFFF, s25;
	[sflag:s4] =	ssyncadd.s32 $0xFFFFC000  }
0x4d: {  	[tilespmem:s3], [sflag:$0x3] =	stream.linear.gather [hbm4b:s5+s3], $0x400, $0x38;
	[tilespmem:$0x8400] =	vst v63  }
0x4e: {  	_ =	swait.ge [sflag:s4], $0x400  }
0x4f: {  	[sflag:s4] =	ssyncset.done $0x0  }
0x50: {  	[sflag:s4] =	ssyncadd.s32 $0xFFFFFC00  }
0x51: {  	[tilespmem:s7], [sflag:$0x1] =	stream.indirect.gather [hbm4b:s2+s6], $0x80, s3, s6, $0xb8;
	[tilespmem:$0x8400] =	vst v63  }
0x52: {  	_ = 	snop  }
0x53: {  	[tilespmem:s8], [sflag:$0x2] =	stream.indirect.gather [hbm4b:s2+s6], $0x80, s6, s6, $0xb8;
	[tilespmem:$0x8400] =	vst v63  }
0x54: {  	_ =	swait.ge [sflag:s9], $0x4000  }
0x55: {  	[sflag:s9] =	ssyncset.done $0x0  }
0x56: {  	[sflag:s9] =	ssyncadd.s32 $0xFFFFC000  }
0x57: {  	[hbm4b:s10+s3] =	stream.linear.scatter [tilespmem:s7], [sflag:$0x3], $0x4000, $0x38;
	[tilespmem:$0x8400] =	vst v63  }
0x58: {  	_ =	swait.ge [sflag:s4], $0x4000  }
0x59: {  	[sflag:s4] =	ssyncset.done $0x0  }
0x5a: {  	[sflag:s4] =	ssyncadd.s32 $0xFFFFC000  }
0x5b: {  	[tilespmem:s7], [sflag:$0x1] =	stream.indirect.gather [hbm4b:s2+s6], $0x80, s11, s6, $0xb8;
	[tilespmem:$0x8400] =	vst v63  }
0x5c: {  	_ =	swait.ge [sflag:s12], $0x4000  }
0x5d: {  	[sflag:s12] =	ssyncset.done $0x0  }
0x5e: {  	[sflag:s12] =	ssyncadd.s32 $0xFFFFC000  }
0x5f: {  	[hbm4b:s13+s3] =	stream.linear.scatter [tilespmem:s8], [sflag:$0x3], $0x4000, $0x38;
	[tilespmem:$0x8400] =	vst v63  }
0x60: {  	_ =	swait.ge [sflag:s4], $0x4000  }
0x61: {  	[sflag:s4] =	ssyncset.done $0x0  }
0x62: {  	[sflag:s4] =	ssyncadd.s32 $0xFFFFC000  }
0x63: {  	[tilespmem:s8], [sflag:$0x2] =	stream.indirect.gather [hbm4b:s2+s6], $0x80, s14, s6, $0xb8;
	[tilespmem:$0x8400] =	vst v63  }
0x64: {  	_ =	swait.ge [sflag:s9], $0x4000  }
0x65: {  	[sflag:s9] =	ssyncset.done $0x0  }
0x66: {  	[sflag:s9] =	ssyncadd.s32 $0xFFFFC000  }
0x67: {  	[hbm4b:s15+s3] =	stream.linear.scatter [tilespmem:s7], [sflag:$0x3], $0x4000, $0x38;
	[tilespmem:$0x8400] =	vst v63  }
0x68: {  	_ =	swait.ge [sflag:s4], $0x4000  }
0x69: {  	[sflag:s4] =	ssyncset.done $0x0  }
0x6a: {  	[sflag:s4] =	ssyncadd.s32 $0xFFFFC000  }
0x6b: {  	[tilespmem:s7], [sflag:$0x1] =	stream.indirect.gather [hbm4b:s2+s6], $0x80, s16, s6, $0xb8;
	[tilespmem:$0x8400] =	vst v63  }
0x6c: {  	_ =	swait.ge [sflag:s12], $0x4000  }
0x6d: {  	[sflag:s12] =	ssyncset.done $0x0  }
0x6e: {  	[sflag:s12] =	ssyncadd.s32 $0xFFFFC000  }
0x6f: {  	[hbm4b:s17+s3] =	stream.linear.scatter [tilespmem:s8], [sflag:$0x3], $0x4000, $0x38;
	[tilespmem:$0x8400] =	vst v63  }
0x70: {  	_ =	swait.ge [sflag:s4], $0x4000  }
0x71: {  	[sflag:s4] =	ssyncset.done $0x0  }
0x72: {  	[sflag:s4] =	ssyncadd.s32 $0xFFFFC000  }
0x73: {  	[tilespmem:s8], [sflag:$0x2] =	stream.indirect.gather [hbm4b:s2+s6], $0x80, s18, s6, $0xb8;
	[tilespmem:$0x8400] =	vst v63  }
0x74: {  	_ =	swait.ge [sflag:s9], $0x4000  }
0x75: {  	[sflag:s9] =	ssyncset.done $0x0  }
0x76: {  	[sflag:s9] =	ssyncadd.s32 $0xFFFFC000  }
0x77: {  	[hbm4b:s19+s3] =	stream.linear.scatter [tilespmem:s7], [sflag:$0x3], $0x4000, $0x38;
	[tilespmem:$0x8400] =	vst v63  }
0x78: {  	_ =	swait.ge [sflag:s4], $0x4000  }
0x79: {  	[sflag:s4] =	ssyncset.done $0x0  }
0x7a: {  	[sflag:s4] =	ssyncadd.s32 $0xFFFFC000  }
0x7b: {  	[tilespmem:s7], [sflag:$0x1] =	stream.indirect.gather [hbm4b:s2+s6], $0x80, s20, s6, $0xb8;
	[tilespmem:$0x8400] =	vst v63  }
0x7c: {  	_ =	swait.ge [sflag:s12], $0x4000  }
0x7d: {  	[sflag:s12] =	ssyncset.done $0x0  }
0x7e: {  	[sflag:s12] =	ssyncadd.s32 $0xFFFFC000  }
0x7f: {  	[hbm4b:s21+s3] =	stream.linear.scatter [tilespmem:s8], [sflag:$0x3], $0x4000, $0x38;
	[tilespmem:$0x8400] =	vst v63  }
0x80: {  	_ =	swait.ge [sflag:s4], $0x4000  }
0x81: {  	[sflag:s4] =	ssyncset.done $0x0  }
0x82: {  	[sflag:s4] =	ssyncadd.s32 $0xFFFFC000  }
0x83: {  	[tilespmem:s8], [sflag:$0x2] =	stream.indirect.gather [hbm4b:s2+s6], $0x80, s22, s6, $0xb8;
	[tilespmem:$0x8400] =	vst v63  }
0x84: {  	_ =	swait.ge [sflag:s9], $0x4000  }
0x85: {  	[sflag:s9] =	ssyncset.done $0x0  }
0x86: {  	[sflag:s9] =	ssyncadd.s32 $0xFFFFC000  }
0x87: {  	[hbm4b:s23+s3] =	stream.linear.scatter [tilespmem:s7], [sflag:$0x3], $0x4000, $0x38;
	[tilespmem:$0x8400] =	vst v63  }
0x88: {  	_ =	swait.ge [sflag:s4], $0x4000  }
0x89: {  	[sflag:s4] =	ssyncset.done $0x0  }
0x8a: {  	[sflag:s4] =	ssyncadd.s32 $0xFFFFC000  }
0x8b: {  	_ =	swait.ge [sflag:s12], $0x4000  }
.Ltmp1:
0x8c: {  	[sflag:s12] =	ssyncset.done $0x0;
	(pc) =	sbr.rel @p0 .LBB2_1-.Ltmp1, $4  }
0x8d: {  	[sflag:s12] =	ssyncadd.s32 $0xFFFFC000  }
0x8e: {  	[hbm4b:s24+s3] =	stream.linear.scatter [tilespmem:s8], [sflag:$0x3], $0x4000, $0x38;
	[tilespmem:$0x8400] =	vst v63  }
0x8f: {  	_ =	swait.ge [sflag:s4], $0x4000  }
0x90: {  	[sflag:s4] =	ssyncset.done $0x0  }
.LBB2_2:
0x91: {  	[sflag:s4] =	ssyncadd.s32 $0xFFFFC000  }
0x92: {  	_ =	sfence.sel $0x180000  }
0x93: {  	[bflag:$0x0] =	sbarrier.arrive $0xFFFF  }
0x94: {  	p0 =	sne.s32 s0, $0x0;
	_ =	strace $0x9000004D  }
0x95: {  	s0 =	sadd.s32 @!p0 $0x100000, s1;
	[bflag:$0x2] =	sbarrier.arrive $0xFFFF  }
0x96: {  	[sflag:s0] =	ssyncadd.tile.s32 @!p0 $0x1;
	_ =	shalt  }
.Lfunc_end2:
_tile_overlayer_lowered:
.L_overlay_start_2:
0x97: {  	(tag) =	ssettag $0x2  }
0x98: {  	s0 =	rddreg [dreg:$0x0];
	s2 =	stileid.u32  }
0x99: {  	s1 =	rddreg [dreg:$0x1];
	p0 =	sne.s32 s2, $0x0  }
0x9a: {  	s3 =	rddreg [dreg:$0x2];
	[bflag:$0x3] =	sbarrier.arrive $0xFFFF;
	s2 =	simm.s32 @!p0 $0x1C03  }
0x9b: {  	[timem:s3], [sflag:s2] =	dma.local @!p0 [hbm:s0], s1  }
0x9c: {  	s0 =	simm.s32 @!p0 $0x3  }
0x9d: {  	_ =	swait.ge @!p0 [sflag:s0], s1  }
0x9e: {  	s1 =	ssub.s32 @!p0 $0x0, s1;
	[sflag:s0] =	ssyncset.done @!p0 $0x0  }
0x9f: {  	[sflag:s0] =	ssyncadd.s32 @!p0 s1  }
0xa0: {  	[bflag:$0x3] =	sbarrier.arrive $0xFFFF  }
0xa1: {  	_ =	shalt  }

</sc_bundles>
